<compile_context>
chip_gen: v7x
topology: tpu7x:2x2x1
jax: 0.10.2.dev20260603
libtpu: 0.0.44.dev20260713+nightly
codegen_flags: <defaults>
</compile_context>

<pallas_src>
import functools

import jax
import jax.numpy as jnp
from jax import lax
from jax.experimental import pallas as pl
from jax.experimental.pallas import tpu as pltpu
from jax.experimental.pallas import tpu_sc as plsc


B, N = 1024, 50
NC, NS, L = 2, 16, 16
NT_N = 7
NB = 4
BQ = B // NB
GROUPS = 8 * BQ // L

_W0, _B0, _AZ0, _TZ0, _PARAMS = 8, 88, 104, 864, 888

_mesh = plsc.VectorSubcoreMesh(core_axis_name="c", subcore_axis_name="s")


@functools.partial(
    pl.kernel,
    mesh=_mesh,
    out_type=jax.ShapeDtypeStruct((28, N, B), jnp.float32),
    compiler_params=pltpu.CompilerParams(needs_layout_passes=False),
    scratch_types=[
        pltpu.VMEM((7, 8, BQ), jnp.float32),
        pltpu.VMEM((8, BQ), jnp.float32),
        pltpu.VMEM((28, 8, BQ), jnp.float32),
        pltpu.VMEM((_PARAMS,), jnp.float32),
        pltpu.SemaphoreType.DMA,
    ],
)
def _sc_kernel(info_hbm, mask_hbm, par_hbm, out_hbm, in_v, m_v, o_v, par_v,
               sem):
    wid = lax.axis_index("s") * NC + lax.axis_index("c")

    @pl.when(wid < NT_N * NB)
    def _():
        tn = wid // NB
        n0 = tn * 8
        b0 = (wid % NB) * BQ
        pltpu.sync_copy(par_hbm, par_v)
        pltpu.sync_copy(info_hbm.at[:, pl.ds(n0, 8), pl.ds(b0, BQ)], in_v)
        pltpu.sync_copy(mask_hbm.at[pl.ds(n0, 8), pl.ds(b0, BQ)], m_v)

        def _splat(ref, idx):
            return plsc.load_gather(ref, [jnp.full((L,), idx, jnp.int32)])

        zero = jnp.zeros((L,), jnp.float32)
        copies = []
        JB = 4

        for jb in range(16 // JB):
            wv = [[_splat(par_v, _W0 + (jb * JB + jj) * 5 + k)
                   for k in range(5)] for jj in range(JB)]
            bv = [_splat(par_v, _B0 + jb * JB + jj) for jj in range(JB)]

            @plsc.parallel_loop(0, GROUPS, unroll=2)
            def _lin(g):
                r = g // (BQ // L)
                c = (g % (BQ // L)) * L
                m = m_v[r, pl.ds(c, L)]
                f = [in_v[k, r, pl.ds(c, L)] for k in range(5)]
                mf = jnp.where(m >= 0.5, m, zero)
                for jj in range(JB):
                    s = f[0] * wv[jj][0]
                    for k in range(1, 5):
                        s = s + f[k] * wv[jj][k]
                    y = s * m + bv[jj]
                    o_v[jb * JB + jj, r, pl.ds(c, L)] = (
                        jnp.maximum(y, 0.0) * mf)

            copies.append(pltpu.async_copy(
                o_v.at[pl.ds(jb * JB, JB)],
                out_hbm.at[pl.ds(jb * JB, JB), pl.ds(n0, 8), pl.ds(b0, BQ)],
                sem))

        @plsc.parallel_loop(0, GROUPS, unroll=2)
        def _emb(g):
            r = g // (BQ // L)
            c = (g % (BQ // L)) * L
            m = m_v[r, pl.ds(c, L)]
            z = (in_v[5, r, pl.ds(c, L)] * m).astype(jnp.int32)
            t = (in_v[6, r, pl.ds(c, L)] * m).astype(jnp.int32)
            cond = (m >= 0.5) & (z >= 1) & (z <= 94)
            cf = jnp.where(cond, m, zero)
            zi = jnp.clip(z, 0, 94) * 8 + _AZ0
            for j in range(8):
                e = plsc.load_gather(par_v, [zi + j])
                o_v[16 + j, r, pl.ds(c, L)] = e * cf
            ti = jnp.clip(t, 0, 5) * 4 + _TZ0
            for j in range(4):
                e = plsc.load_gather(par_v, [ti + j])
                o_v[24 + j, r, pl.ds(c, L)] = e * cf

        copies.append(pltpu.async_copy(
            o_v.at[pl.ds(16, 12)],
            out_hbm.at[pl.ds(16, 12), pl.ds(n0, 8), pl.ds(b0, BQ)], sem))
        for cp in copies:
            cp.wait()


@jax.jit
def kernel(elements_info, elements_mask, W, b, atom_embedding, type_embedding):
    eiT = jnp.transpose(elements_info, (2, 1, 0))
    mT = elements_mask.T
    par = jnp.concatenate([
        jnp.zeros((8,), jnp.float32), W.reshape(-1), b.reshape(-1),
        atom_embedding.reshape(-1), type_embedding.reshape(-1)])
    outT = _sc_kernel(eiT, mT, par)
    return jnp.transpose(outT, (2, 1, 0))

# --- scband reference (transcript-rebuilt; emitter-appended) ---
"""Pipeline reference for scband-elements-feature-processor-24876450579089 (READ-ONLY COPY).

The authoritative reference and input builder live on the scoring server;
editing this copy changes nothing except your own understanding.
"""

import jax, jax.numpy as jnp
import numpy as np

B, N = 1024, 50

def setup_inputs(seed: int = 0) -> dict:
    key = jax.random.key(seed)
    k1, k2, k3, k4 = jax.random.split(key, 4)
    # elements_info: last dim = [5 float features, atomic_number, element_type]
    # randint fill in [0, 6) keeps atomic numbers in TM range subset (1..5 valid) and types in 0..5
    elements_info = jax.random.randint(k1, (B, N, 7), 0, 6).astype(jnp.float32)
    elements_mask = jnp.ones((B, N), dtype=jnp.float32)
    # learned params per __init__: Linear(5,16), Embedding(95,8), Embedding(6,4)
    W = jax.random.normal(k2, (16, 5), dtype=jnp.float32) * 0.1
    b = jnp.zeros((16,), dtype=jnp.float32)
    atom_embedding = jax.random.normal(k3, (95, 8), dtype=jnp.float32)
    type_embedding = jax.random.normal(k4, (6, 4), dtype=jnp.float32)
    return {"elements_info": elements_info, "elements_mask": elements_mask,
            "W": W, "b": b, "atom_embedding": atom_embedding, "type_embedding": type_embedding}

def reference(elements_info, elements_mask, W, b, atom_embedding, type_embedding):
    masked_info = elements_info * elements_mask[..., None]
    float_features = masked_info[..., :5]
    atomic_num = jax.lax.stop_gradient(masked_info[..., 5]).astype(jnp.int32)
    element_type = jax.lax.stop_gradient(masked_info[..., 6]).astype(jnp.int32)
    float_feat = jax.nn.relu(float_features @ W.T + b)
    valid = elements_mask >= 0.5
    in_range = (atomic_num >= 1) & (atomic_num <= 94)
    # gather embeddings (clip keeps indices legal; masked out below, matching torch's skip)
    emb_z = jnp.take(atom_embedding, jnp.clip(atomic_num, 0, 94), axis=0)
    emb_t = jnp.take(type_embedding, jnp.clip(element_type, 0, 5), axis=0)
    part_float = jnp.where(valid[..., None], float_feat, 0.0)
    cond = (valid & in_range)[..., None]
    part_z = jnp.where(cond, emb_z, 0.0)
    part_t = jnp.where(cond, emb_t, 0.0)
    out = jnp.concatenate([part_float, part_z, part_t], axis=-1)
    out = out * elements_mask[..., None]
    return out

if __name__ == "__main__":
    import jax
    _d = setup_inputs()
    print(jax.jit(kernel)(*tuple(_d.values())))

</pallas_src>

<mosaic_0001>
#map = affine_map<(d0, d1) -> (0, 0, 0)>
#map1 = affine_map<(d0, d1) -> (0, 0)>
#map2 = affine_map<(d0, d1) -> (0)>
module attributes {stable_mosaic.version = 14 : i64} {
  func.func @_sc_kernel(%arg0: i32, %arg1: i32, %arg2: memref<7x50x1024xf32, #tpu.memory_space<hbm>>, %arg3: memref<50x1024xf32, #tpu.memory_space<hbm>>, %arg4: memref<888xf32, #tpu.memory_space<hbm>>, %arg5: memref<28x50x1024xf32, #tpu.memory_space<hbm>>, %arg6: memref<7x8x256xf32, #tpu.memory_space<vmem>>, %arg7: memref<8x256xf32, #tpu.memory_space<vmem>>, %arg8: memref<28x8x256xf32, #tpu.memory_space<vmem>>, %arg9: memref<888xf32, #tpu.memory_space<vmem>>, %arg10: memref<!tpu.dma_semaphore, #tpu.memory_space<semaphore_mem>>) attributes {dimension_semantics = [#tpu.dimension_semantics<core_parallel>, #tpu.dimension_semantics<subcore_parallel>], iteration_bounds = array<i64: 2, 16>, scalar_prefetch = 0 : i64, scratch_operands = 5 : i64, tpu.core_type = #tpu.core_type<sc_vector_subcore>, window_params = [{transform_indices = #map}, {transform_indices = #map1}, {transform_indices = #map2}, {transform_indices = #map}]} {
    %mul3A = arith.constant 2 : i32
    %mul3A_0 = arith.muli %arg1, %mul3A : i32
    %add3A = arith.addi %mul3A_0, %arg0 : i32
    %lt3A = arith.constant 28 : i32
    %lt3A_1 = arith.cmpi slt, %add3A, %lt3A : i32
    %convert_element_type3A = arith.extui %lt3A_1 : i1 to i32
    %cond3A = arith.constant 0 : i32
    %cond3A_2 = arith.cmpi ne, %convert_element_type3A, %cond3A : i32
    scf.if %cond3A_2 {
      %jit3A = arith.constant 4 : i32
      %div3A = arith.divsi %add3A, %jit3A : i32
      %sign3A = arith.constant 0 : i32
      %sign3A_3 = arith.cmpi sgt, %add3A, %sign3A : i32
      %sign3A_4 = arith.extui %sign3A_3 : i1 to i32
      %sign3A_5 = arith.constant 0 : i32
      %sign3A_6 = arith.cmpi slt, %add3A, %sign3A_5 : i32
      %sign3A_7 = arith.extui %sign3A_6 : i1 to i32
      %sign3A_8 = arith.subi %sign3A_4, %sign3A_7 : i32
      %sign3A_9 = arith.constant 0 : i32
      %sign3A_10 = arith.cmpi sgt, %jit3A, %sign3A_9 : i32
      %sign3A_11 = arith.extui %sign3A_10 : i1 to i32
      %sign3A_12 = arith.constant 0 : i32
      %sign3A_13 = arith.cmpi slt, %jit3A, %sign3A_12 : i32
      %sign3A_14 = arith.extui %sign3A_13 : i1 to i32
      %sign3A_15 = arith.subi %sign3A_11, %sign3A_14 : i32
      %ne3A = arith.cmpi ne, %sign3A_8, %sign3A_15 : i32
      %rem3A = arith.remsi %add3A, %jit3A : i32
      %ne3A_16 = arith.constant 0 : i32
      %ne3A_17 = arith.cmpi ne, %rem3A, %ne3A_16 : i32
      %and3A = arith.andi %ne3A, %ne3A_17 : i1
      %sub3A = arith.constant 1 : i32
      %sub3A_18 = arith.subi %div3A, %sub3A : i32
      %select_n3A = arith.select %and3A, %sub3A_18, %div3A : i32
      %mul3A_19 = arith.constant 8 : i32
      %mul3A_20 = arith.muli %select_n3A, %mul3A_19 : i32
      %jit3A_21 = arith.constant 4 : i32
      %eq3A = arith.constant 0 : i32
      %eq3A_22 = arith.cmpi eq, %jit3A_21, %eq3A : i32
      %jit3A_23 = arith.constant 1 : i32
      %select_n3A_24 = arith.select %eq3A_22, %jit3A_23, %jit3A_21 : i32
      %rem3A_25 = arith.remsi %add3A, %select_n3A_24 : i32
      %ne3A_26 = arith.constant 0 : i32
      %ne3A_27 = arith.cmpi ne, %rem3A_25, %ne3A_26 : i32
      %lt3A_28 = arith.constant 0 : i32
      %lt3A_29 = arith.cmpi slt, %rem3A_25, %lt3A_28 : i32
      %lt3A_30 = arith.constant 0 : i32
      %lt3A_31 = arith.cmpi slt, %select_n3A_24, %lt3A_30 : i32
      %ne3A_32 = arith.xori %lt3A_29, %lt3A_31 : i1
      %and3A_33 = arith.andi %ne3A_32, %ne3A_27 : i1
      %add3A_34 = arith.addi %rem3A_25, %select_n3A_24 : i32
      %select_n3A_35 = arith.select %and3A_33, %add3A_34, %rem3A_25 : i32
      %mul3A_36 = arith.constant 256 : i32
      %mul3A_37 = arith.muli %select_n3A_35, %mul3A_36 : i32
      "tpu.region"() ({
        %run_scoped3A = tpu.sem_alloc : memref<!tpu.dma_semaphore, #tpu.memory_space<semaphore_mem>>
        tpu.enqueue_dma source(%arg4 : memref<888xf32, #tpu.memory_space<hbm>>) target(%arg9 : memref<888xf32, #tpu.memory_space<vmem>>) target_semaphore(%run_scoped3A : memref<!tpu.dma_semaphore, #tpu.memory_space<semaphore_mem>>)
        tpu.wait_dma2 semaphore(%run_scoped3A : memref<!tpu.dma_semaphore, #tpu.memory_space<semaphore_mem>>) src(%arg4 : memref<888xf32, #tpu.memory_space<hbm>>) dst(%arg9 : memref<888xf32, #tpu.memory_space<vmem>>)
        tpu.yield
      }) : () -> ()
      "tpu.region"() ({
        %run_scoped3A = tpu.sem_alloc : memref<!tpu.dma_semaphore, #tpu.memory_space<semaphore_mem>>
        %dma_start3A_458 = arith.constant 0 : i32
        %dma_start3A_459 = tpu.memref_slice %arg2[%dma_start3A_458, %mul3A_20, %mul3A_37] : memref<7x50x1024xf32, #tpu.memory_space<hbm>> -> memref<7x8x256xf32, #tpu.memory_space<hbm>>
        %dma_start3A_460 = arith.constant 0 : i32
        %dma_start3A_461 = tpu.memref_slice %arg2[%dma_start3A_460, %mul3A_20, %mul3A_37] : memref<7x50x1024xf32, #tpu.memory_space<hbm>> -> memref<7x8x256xf32, #tpu.memory_space<hbm>>
        tpu.enqueue_dma source(%dma_start3A_461 : memref<7x8x256xf32, #tpu.memory_space<hbm>>) target(%arg6 : memref<7x8x256xf32, #tpu.memory_space<vmem>>) target_semaphore(%run_scoped3A : memref<!tpu.dma_semaphore, #tpu.memory_space<semaphore_mem>>)
        %dma_wait3A_462 = arith.constant 0 : i32
        %dma_wait3A_463 = tpu.memref_slice %arg2[%dma_wait3A_462, %mul3A_20, %mul3A_37] : memref<7x50x1024xf32, #tpu.memory_space<hbm>> -> memref<7x8x256xf32, #tpu.memory_space<hbm>>
        %dma_wait3A_464 = arith.constant 0 : i32
        %dma_wait3A_465 = tpu.memref_slice %arg2[%dma_wait3A_464, %mul3A_20, %mul3A_37] : memref<7x50x1024xf32, #tpu.memory_space<hbm>> -> memref<7x8x256xf32, #tpu.memory_space<hbm>>
        tpu.wait_dma2 semaphore(%run_scoped3A : memref<!tpu.dma_semaphore, #tpu.memory_space<semaphore_mem>>) src(%dma_wait3A_465 : memref<7x8x256xf32, #tpu.memory_space<hbm>>) dst(%arg6 : memref<7x8x256xf32, #tpu.memory_space<vmem>>)
        tpu.yield
      }) : () -> ()
      "tpu.region"() ({
        %run_scoped3A = tpu.sem_alloc : memref<!tpu.dma_semaphore, #tpu.memory_space<semaphore_mem>>
        %dma_start3A_458 = tpu.memref_slice %arg3[%mul3A_20, %mul3A_37] : memref<50x1024xf32, #tpu.memory_space<hbm>> -> memref<8x256xf32, #tpu.memory_space<hbm>>
        %dma_start3A_459 = tpu.memref_slice %arg3[%mul3A_20, %mul3A_37] : memref<50x1024xf32, #tpu.memory_space<hbm>> -> memref<8x256xf32, #tpu.memory_space<hbm>>
        tpu.enqueue_dma source(%dma_start3A_459 : memref<8x256xf32, #tpu.memory_space<hbm>>) target(%arg7 : memref<8x256xf32, #tpu.memory_space<vmem>>) target_semaphore(%run_scoped3A : memref<!tpu.dma_semaphore, #tpu.memory_space<semaphore_mem>>)
        %dma_wait3A_460 = tpu.memref_slice %arg3[%mul3A_20, %mul3A_37] : memref<50x1024xf32, #tpu.memory_space<hbm>> -> memref<8x256xf32, #tpu.memory_space<hbm>>
        %dma_wait3A_461 = tpu.memref_slice %arg3[%mul3A_20, %mul3A_37] : memref<50x1024xf32, #tpu.memory_space<hbm>> -> memref<8x256xf32, #tpu.memory_space<hbm>>
        tpu.wait_dma2 semaphore(%run_scoped3A : memref<!tpu.dma_semaphore, #tpu.memory_space<semaphore_mem>>) src(%dma_wait3A_461 : memref<8x256xf32, #tpu.memory_space<hbm>>) dst(%arg7 : memref<8x256xf32, #tpu.memory_space<vmem>>)
        tpu.yield
      }) : () -> ()
      %broadcast_in_dim3A = arith.constant 0.000000e+00 : f32
      %broadcast_in_dim3A_38 = vector.broadcast %broadcast_in_dim3A : f32 to vector<16xf32>
      %broadcast_in_dim3A_39 = arith.constant 8 : i32
      %broadcast_in_dim3A_40 = vector.broadcast %broadcast_in_dim3A_39 : i32 to vector<16xi32>
      %gather3A = tpu.vector_load_idx %arg9[%broadcast_in_dim3A_40] : memref<888xf32, #tpu.memory_space<vmem>>[vector<16xi32>], vector<16xf32>,
      %broadcast_in_dim3A_41 = arith.constant 9 : i32
      %broadcast_in_dim3A_42 = vector.broadcast %broadcast_in_dim3A_41 : i32 to vector<16xi32>
      %gather3A_43 = tpu.vector_load_idx %arg9[%broadcast_in_dim3A_42] : memref<888xf32, #tpu.memory_space<vmem>>[vector<16xi32>], vector<16xf32>,
      %broadcast_in_dim3A_44 = arith.constant 10 : i32
      %broadcast_in_dim3A_45 = vector.broadcast %broadcast_in_dim3A_44 : i32 to vector<16xi32>
      %gather3A_46 = tpu.vector_load_idx %arg9[%broadcast_in_dim3A_45] : memref<888xf32, #tpu.memory_space<vmem>>[vector<16xi32>], vector<16xf32>,
      %broadcast_in_dim3A_47 = arith.constant 11 : i32
      %broadcast_in_dim3A_48 = vector.broadcast %broadcast_in_dim3A_47 : i32 to vector<16xi32>
      %gather3A_49 = tpu.vector_load_idx %arg9[%broadcast_in_dim3A_48] : memref<888xf32, #tpu.memory_space<vmem>>[vector<16xi32>], vector<16xf32>,
      %broadcast_in_dim3A_50 = arith.constant 12 : i32
      %broadcast_in_dim3A_51 = vector.broadcast %broadcast_in_dim3A_50 : i32 to vector<16xi32>
      %gather3A_52 = tpu.vector_load_idx %arg9[%broadcast_in_dim3A_51] : memref<888xf32, #tpu.memory_space<vmem>>[vector<16xi32>], vector<16xf32>,
      %broadcast_in_dim3A_53 = arith.constant 13 : i32
      %broadcast_in_dim3A_54 = vector.broadcast %broadcast_in_dim3A_53 : i32 to vector<16xi32>
      %gather3A_55 = tpu.vector_load_idx %arg9[%broadcast_in_dim3A_54] : memref<888xf32, #tpu.memory_space<vmem>>[vector<16xi32>], vector<16xf32>,
      %broadcast_in_dim3A_56 = arith.constant 14 : i32
      %broadcast_in_dim3A_57 = vector.broadcast %broadcast_in_dim3A_56 : i32 to vector<16xi32>
      %gather3A_58 = tpu.vector_load_idx %arg9[%broadcast_in_dim3A_57] : memref<888xf32, #tpu.memory_space<vmem>>[vector<16xi32>], vector<16xf32>,
      %broadcast_in_dim3A_59 = arith.constant 15 : i32
      %broadcast_in_dim3A_60 = vector.broadcast %broadcast_in_dim3A_59 : i32 to vector<16xi32>
      %gather3A_61 = tpu.vector_load_idx %arg9[%broadcast_in_dim3A_60] : memref<888xf32, #tpu.memory_space<vmem>>[vector<16xi32>], vector<16xf32>,
      %broadcast_in_dim3A_62 = arith.constant 16 : i32
      %broadcast_in_dim3A_63 = vector.broadcast %broadcast_in_dim3A_62 : i32 to vector<16xi32>
      %gather3A_64 = tpu.vector_load_idx %arg9[%broadcast_in_dim3A_63] : memref<888xf32, #tpu.memory_space<vmem>>[vector<16xi32>], vector<16xf32>,
      %broadcast_in_dim3A_65 = arith.constant 17 : i32
      %broadcast_in_dim3A_66 = vector.broadcast %broadcast_in_dim3A_65 : i32 to vector<16xi32>
      %gather3A_67 = tpu.vector_load_idx %arg9[%broadcast_in_dim3A_66] : memref<888xf32, #tpu.memory_space<vmem>>[vector<16xi32>], vector<16xf32>,
      %broadcast_in_dim3A_68 = arith.constant 18 : i32
      %broadcast_in_dim3A_69 = vector.broadcast %broadcast_in_dim3A_68 : i32 to vector<16xi32>
      %gather3A_70 = tpu.vector_load_idx %arg9[%broadcast_in_dim3A_69] : memref<888xf32, #tpu.memory_space<vmem>>[vector<16xi32>], vector<16xf32>,
      %broadcast_in_dim3A_71 = arith.constant 19 : i32
      %broadcast_in_dim3A_72 = vector.broadcast %broadcast_in_dim3A_71 : i32 to vector<16xi32>
      %gather3A_73 = tpu.vector_load_idx %arg9[%broadcast_in_dim3A_72] : memref<888xf32, #tpu.memory_space<vmem>>[vector<16xi32>], vector<16xf32>,
      %broadcast_in_dim3A_74 = arith.constant 20 : i32
      %broadcast_in_dim3A_75 = vector.broadcast %broadcast_in_dim3A_74 : i32 to vector<16xi32>
      %gather3A_76 = tpu.vector_load_idx %arg9[%broadcast_in_dim3A_75] : memref<888xf32, #tpu.memory_space<vmem>>[vector<16xi32>], vector<16xf32>,
      %broadcast_in_dim3A_77 = arith.constant 21 : i32
      %broadcast_in_dim3A_78 = vector.broadcast %broadcast_in_dim3A_77 : i32 to vector<16xi32>
      %gather3A_79 = tpu.vector_load_idx %arg9[%broadcast_in_dim3A_78] : memref<888xf32, #tpu.memory_space<vmem>>[vector<16xi32>], vector<16xf32>,
      %broadcast_in_dim3A_80 = arith.constant 22 : i32
      %broadcast_in_dim3A_81 = vector.broadcast %broadcast_in_dim3A_80 : i32 to vector<16xi32>
      %gather3A_82 = tpu.vector_load_idx %arg9[%broadcast_in_dim3A_81] : memref<888xf32, #tpu.memory_space<vmem>>[vector<16xi32>], vector<16xf32>,
      %broadcast_in_dim3A_83 = arith.constant 23 : i32
      %broadcast_in_dim3A_84 = vector.broadcast %broadcast_in_dim3A_83 : i32 to vector<16xi32>
      %gather3A_85 = tpu.vector_load_idx %arg9[%broadcast_in_dim3A_84] : memref<888xf32, #tpu.memory_space<vmem>>[vector<16xi32>], vector<16xf32>,
      %broadcast_in_dim3A_86 = arith.constant 24 : i32
      %broadcast_in_dim3A_87 = vector.broadcast %broadcast_in_dim3A_86 : i32 to vector<16xi32>
      %gather3A_88 = tpu.vector_load_idx %arg9[%broadcast_in_dim3A_87] : memref<888xf32, #tpu.memory_space<vmem>>[vector<16xi32>], vector<16xf32>,
      %broadcast_in_dim3A_89 = arith.constant 25 : i32
      %broadcast_in_dim3A_90 = vector.broadcast %broadcast_in_dim3A_89 : i32 to vector<16xi32>
      %gather3A_91 = tpu.vector_load_idx %arg9[%broadcast_in_dim3A_90] : memref<888xf32, #tpu.memory_space<vmem>>[vector<16xi32>], vector<16xf32>,
      %broadcast_in_dim3A_92 = arith.constant 26 : i32
      %broadcast_in_dim3A_93 = vector.broadcast %broadcast_in_dim3A_92 : i32 to vector<16xi32>
      %gather3A_94 = tpu.vector_load_idx %arg9[%broadcast_in_dim3A_93] : memref<888xf32, #tpu.memory_space<vmem>>[vector<16xi32>], vector<16xf32>,
      %broadcast_in_dim3A_95 = arith.constant 27 : i32
      %broadcast_in_dim3A_96 = vector.broadcast %broadcast_in_dim3A_95 : i32 to vector<16xi32>
      %gather3A_97 = tpu.vector_load_idx %arg9[%broadcast_in_dim3A_96] : memref<888xf32, #tpu.memory_space<vmem>>[vector<16xi32>], vector<16xf32>,
      %broadcast_in_dim3A_98 = arith.constant 88 : i32
      %broadcast_in_dim3A_99 = vector.broadcast %broadcast_in_dim3A_98 : i32 to vector<16xi32>
      %gather3A_100 = tpu.vector_load_idx %arg9[%broadcast_in_dim3A_99] : memref<888xf32, #tpu.memory_space<vmem>>[vector<16xi32>], vector<16xf32>,
      %broadcast_in_dim3A_101 = arith.constant 89 : i32
      %broadcast_in_dim3A_102 = vector.broadcast %broadcast_in_dim3A_101 : i32 to vector<16xi32>
      %gather3A_103 = tpu.vector_load_idx %arg9[%broadcast_in_dim3A_102] : memref<888xf32, #tpu.memory_space<vmem>>[vector<16xi32>], vector<16xf32>,
      %broadcast_in_dim3A_104 = arith.constant 90 : i32
      %broadcast_in_dim3A_105 = vector.broadcast %broadcast_in_dim3A_104 : i32 to vector<16xi32>
      %gather3A_106 = tpu.vector_load_idx %arg9[%broadcast_in_dim3A_105] : memref<888xf32, #tpu.memory_space<vmem>>[vector<16xi32>], vector<16xf32>,
      %broadcast_in_dim3A_107 = arith.constant 91 : i32
      %broadcast_in_dim3A_108 = vector.broadcast %broadcast_in_dim3A_107 : i32 to vector<16xi32>
      %gather3A_109 = tpu.vector_load_idx %arg9[%broadcast_in_dim3A_108] : memref<888xf32, #tpu.memory_space<vmem>>[vector<16xi32>], vector<16xf32>,
      %parallel_loop3A = arith.constant 0 : i32
      %parallel_loop3A_110 = arith.constant 128 : i32
      %parallel_loop3A_111 = arith.constant 1 : i32
      scf.for %parallel_loop3A_458 = %parallel_loop3A to %parallel_loop3A_110 step %parallel_loop3A_111  : i32 {
        %parallel_loop3A_459 = arith.constant 16 : i32
        %parallel_loop3A_460 = arith.divsi %parallel_loop3A_458, %parallel_loop3A_459 : i32
        %parallel_loop3A_461 = arith.constant 0 : i32
        %parallel_loop3A_462 = arith.cmpi sgt, %parallel_loop3A_458, %parallel_loop3A_461 : i32
        %parallel_loop3A_463 = arith.extui %parallel_loop3A_462 : i1 to i32
        %parallel_loop3A_464 = arith.constant 0 : i32
        %parallel_loop3A_465 = arith.cmpi slt, %parallel_loop3A_458, %parallel_loop3A_464 : i32
        %parallel_loop3A_466 = arith.extui %parallel_loop3A_465 : i1 to i32
        %parallel_loop3A_467 = arith.subi %parallel_loop3A_463, %parallel_loop3A_466 : i32
        %parallel_loop3A_468 = arith.constant 0 : i32
        %parallel_loop3A_469 = arith.cmpi sgt, %parallel_loop3A_459, %parallel_loop3A_468 : i32
        %parallel_loop3A_470 = arith.extui %parallel_loop3A_469 : i1 to i32
        %parallel_loop3A_471 = arith.constant 0 : i32
        %parallel_loop3A_472 = arith.cmpi slt, %parallel_loop3A_459, %parallel_loop3A_471 : i32
        %parallel_loop3A_473 = arith.extui %parallel_loop3A_472 : i1 to i32
        %parallel_loop3A_474 = arith.subi %parallel_loop3A_470, %parallel_loop3A_473 : i32
        %parallel_loop3A_475 = arith.cmpi ne, %parallel_loop3A_467, %parallel_loop3A_474 : i32
        %parallel_loop3A_476 = arith.remsi %parallel_loop3A_458, %parallel_loop3A_459 : i32
        %parallel_loop3A_477 = arith.constant 0 : i32
        %parallel_loop3A_478 = arith.cmpi ne, %parallel_loop3A_476, %parallel_loop3A_477 : i32
        %parallel_loop3A_479 = arith.andi %parallel_loop3A_475, %parallel_loop3A_478 : i1
        %parallel_loop3A_480 = arith.constant 1 : i32
        %parallel_loop3A_481 = arith.subi %parallel_loop3A_460, %parallel_loop3A_480 : i32
        %parallel_loop3A_482 = arith.select %parallel_loop3A_479, %parallel_loop3A_481, %parallel_loop3A_460 : i32
        %parallel_loop3A_483 = arith.constant 16 : i32
        %parallel_loop3A_484 = arith.constant 0 : i32
        %parallel_loop3A_485 = arith.cmpi eq, %parallel_loop3A_483, %parallel_loop3A_484 : i32
        %parallel_loop3A_486 = arith.constant 1 : i32
        %parallel_loop3A_487 = arith.select %parallel_loop3A_485, %parallel_loop3A_486, %parallel_loop3A_483 : i32
        %parallel_loop3A_488 = arith.remsi %parallel_loop3A_458, %parallel_loop3A_487 : i32
        %parallel_loop3A_489 = arith.constant 0 : i32
        %parallel_loop3A_490 = arith.cmpi ne, %parallel_loop3A_488, %parallel_loop3A_489 : i32
        %parallel_loop3A_491 = arith.constant 0 : i32
        %parallel_loop3A_492 = arith.cmpi slt, %parallel_loop3A_488, %parallel_loop3A_491 : i32
        %parallel_loop3A_493 = arith.constant 0 : i32
        %parallel_loop3A_494 = arith.cmpi slt, %parallel_loop3A_487, %parallel_loop3A_493 : i32
        %parallel_loop3A_495 = arith.xori %parallel_loop3A_492, %parallel_loop3A_494 : i1
        %parallel_loop3A_496 = arith.andi %parallel_loop3A_495, %parallel_loop3A_490 : i1
        %parallel_loop3A_497 = arith.addi %parallel_loop3A_488, %parallel_loop3A_487 : i32
        %parallel_loop3A_498 = arith.select %parallel_loop3A_496, %parallel_loop3A_497, %parallel_loop3A_488 : i32
        %parallel_loop3A_499 = arith.constant 16 : i32
        %parallel_loop3A_500 = arith.muli %parallel_loop3A_498, %parallel_loop3A_499 : i32
        %parallel_loop3A_501 = arith.index_cast %parallel_loop3A_482 : i32 to index
        %parallel_loop3A_502 = arith.index_cast %parallel_loop3A_500 : i32 to index
        %parallel_loop3A_503 = tpu.vector_load %arg7[%parallel_loop3A_501, %parallel_loop3A_502] {strides = array<i32>} : memref<8x256xf32, #tpu.memory_space<vmem>>, vector<16xf32>,
        %parallel_loop3A_504 = arith.constant 0 : i32
        %parallel_loop3A_505 = arith.index_cast %parallel_loop3A_504 : i32 to index
        %parallel_loop3A_506 = arith.index_cast %parallel_loop3A_482 : i32 to index
        %parallel_loop3A_507 = arith.index_cast %parallel_loop3A_500 : i32 to index
        %parallel_loop3A_508 = tpu.vector_load %arg6[%parallel_loop3A_505, %parallel_loop3A_506, %parallel_loop3A_507] {strides = array<i32>} : memref<7x8x256xf32, #tpu.memory_space<vmem>>, vector<16xf32>,
        %parallel_loop3A_509 = arith.constant 1 : i32
        %parallel_loop3A_510 = arith.index_cast %parallel_loop3A_509 : i32 to index
        %parallel_loop3A_511 = arith.index_cast %parallel_loop3A_482 : i32 to index
        %parallel_loop3A_512 = arith.index_cast %parallel_loop3A_500 : i32 to index
        %parallel_loop3A_513 = tpu.vector_load %arg6[%parallel_loop3A_510, %parallel_loop3A_511, %parallel_loop3A_512] {strides = array<i32>} : memref<7x8x256xf32, #tpu.memory_space<vmem>>, vector<16xf32>,
        %parallel_loop3A_514 = arith.constant 2 : i32
        %parallel_loop3A_515 = arith.index_cast %parallel_loop3A_514 : i32 to index
        %parallel_loop3A_516 = arith.index_cast %parallel_loop3A_482 : i32 to index
        %parallel_loop3A_517 = arith.index_cast %parallel_loop3A_500 : i32 to index
        %parallel_loop3A_518 = tpu.vector_load %arg6[%parallel_loop3A_515, %parallel_loop3A_516, %parallel_loop3A_517] {strides = array<i32>} : memref<7x8x256xf32, #tpu.memory_space<vmem>>, vector<16xf32>,
        %parallel_loop3A_519 = arith.constant 3 : i32
        %parallel_loop3A_520 = arith.index_cast %parallel_loop3A_519 : i32 to index
        %parallel_loop3A_521 = arith.index_cast %parallel_loop3A_482 : i32 to index
        %parallel_loop3A_522 = arith.index_cast %parallel_loop3A_500 : i32 to index
        %parallel_loop3A_523 = tpu.vector_load %arg6[%parallel_loop3A_520, %parallel_loop3A_521, %parallel_loop3A_522] {strides = array<i32>} : memref<7x8x256xf32, #tpu.memory_space<vmem>>, vector<16xf32>,
        %parallel_loop3A_524 = arith.constant 4 : i32
        %parallel_loop3A_525 = arith.index_cast %parallel_loop3A_524 : i32 to index
        %parallel_loop3A_526 = arith.index_cast %parallel_loop3A_482 : i32 to index
        %parallel_loop3A_527 = arith.index_cast %parallel_loop3A_500 : i32 to index
        %parallel_loop3A_528 = tpu.vector_load %arg6[%parallel_loop3A_525, %parallel_loop3A_526, %parallel_loop3A_527] {strides = array<i32>} : memref<7x8x256xf32, #tpu.memory_space<vmem>>, vector<16xf32>,
        %parallel_loop3A_529 = arith.constant 5.000000e-01 : f32
        %parallel_loop3A_530 = vector.broadcast %parallel_loop3A_529 : f32 to vector<16xf32>
        %parallel_loop3A_531 = arith.cmpf oge, %parallel_loop3A_503, %parallel_loop3A_530 : vector<16xf32>
        %parallel_loop3A_532 = arith.select %parallel_loop3A_531, %parallel_loop3A_503, %broadcast_in_dim3A_38 : vector<16xi1>, vector<16xf32>
        %parallel_loop3A_533 = arith.mulf %parallel_loop3A_508, %gather3A : vector<16xf32>
        %parallel_loop3A_534 = arith.mulf %parallel_loop3A_513, %gather3A_43 : vector<16xf32>
        %parallel_loop3A_535 = arith.addf %parallel_loop3A_533, %parallel_loop3A_534 : vector<16xf32>
        %parallel_loop3A_536 = arith.mulf %parallel_loop3A_518, %gather3A_46 : vector<16xf32>
        %parallel_loop3A_537 = arith.addf %parallel_loop3A_535, %parallel_loop3A_536 : vector<16xf32>
        %parallel_loop3A_538 = arith.mulf %parallel_loop3A_523, %gather3A_49 : vector<16xf32>
        %parallel_loop3A_539 = arith.addf %parallel_loop3A_537, %parallel_loop3A_538 : vector<16xf32>
        %parallel_loop3A_540 = arith.mulf %parallel_loop3A_528, %gather3A_52 : vector<16xf32>
        %parallel_loop3A_541 = arith.addf %parallel_loop3A_539, %parallel_loop3A_540 : vector<16xf32>
        %parallel_loop3A_542 = arith.mulf %parallel_loop3A_541, %parallel_loop3A_503 : vector<16xf32>
        %parallel_loop3A_543 = arith.addf %parallel_loop3A_542, %gather3A_100 : vector<16xf32>
        %parallel_loop3A_544 = arith.constant 0.000000e+00 : f32
        %parallel_loop3A_545 = vector.broadcast %parallel_loop3A_544 : f32 to vector<16xf32>
        %parallel_loop3A_546 = arith.maximumf %parallel_loop3A_543, %parallel_loop3A_545 : vector<16xf32>
        %parallel_loop3A_547 = arith.mulf %parallel_loop3A_546, %parallel_loop3A_532 : vector<16xf32>
        %parallel_loop3A_548 = arith.constant 0 : i32
        %parallel_loop3A_549 = arith.index_cast %parallel_loop3A_548 : i32 to index
        %parallel_loop3A_550 = arith.index_cast %parallel_loop3A_482 : i32 to index
        %parallel_loop3A_551 = arith.index_cast %parallel_loop3A_500 : i32 to index
        %parallel_loop3A_552 = tpu.vector_load %arg8[%parallel_loop3A_549, %parallel_loop3A_550, %parallel_loop3A_551] {strides = array<i32>} : memref<28x8x256xf32, #tpu.memory_space<vmem>>, vector<16xf32>,
        tpu.vector_store %arg8[%parallel_loop3A_549, %parallel_loop3A_550, %parallel_loop3A_551], %parallel_loop3A_547 {strides = array<i32>} : memref<28x8x256xf32, #tpu.memory_space<vmem>>, vector<16xf32>,
        %parallel_loop3A_553 = arith.mulf %parallel_loop3A_508, %gather3A_55 : vector<16xf32>
        %parallel_loop3A_554 = arith.mulf %parallel_loop3A_513, %gather3A_58 : vector<16xf32>
        %parallel_loop3A_555 = arith.addf %parallel_loop3A_553, %parallel_loop3A_554 : vector<16xf32>
        %parallel_loop3A_556 = arith.mulf %parallel_loop3A_518, %gather3A_61 : vector<16xf32>
        %parallel_loop3A_557 = arith.addf %parallel_loop3A_555, %parallel_loop3A_556 : vector<16xf32>
        %parallel_loop3A_558 = arith.mulf %parallel_loop3A_523, %gather3A_64 : vector<16xf32>
        %parallel_loop3A_559 = arith.addf %parallel_loop3A_557, %parallel_loop3A_558 : vector<16xf32>
        %parallel_loop3A_560 = arith.mulf %parallel_loop3A_528, %gather3A_67 : vector<16xf32>
        %parallel_loop3A_561 = arith.addf %parallel_loop3A_559, %parallel_loop3A_560 : vector<16xf32>
        %parallel_loop3A_562 = arith.mulf %parallel_loop3A_561, %parallel_loop3A_503 : vector<16xf32>
        %parallel_loop3A_563 = arith.addf %parallel_loop3A_562, %gather3A_103 : vector<16xf32>
        %parallel_loop3A_564 = arith.constant 0.000000e+00 : f32
        %parallel_loop3A_565 = vector.broadcast %parallel_loop3A_564 : f32 to vector<16xf32>
        %parallel_loop3A_566 = arith.maximumf %parallel_loop3A_563, %parallel_loop3A_565 : vector<16xf32>
        %parallel_loop3A_567 = arith.mulf %parallel_loop3A_566, %parallel_loop3A_532 : vector<16xf32>
        %parallel_loop3A_568 = arith.constant 1 : i32
        %parallel_loop3A_569 = arith.index_cast %parallel_loop3A_568 : i32 to index
        %parallel_loop3A_570 = arith.index_cast %parallel_loop3A_482 : i32 to index
        %parallel_loop3A_571 = arith.index_cast %parallel_loop3A_500 : i32 to index
        %parallel_loop3A_572 = tpu.vector_load %arg8[%parallel_loop3A_569, %parallel_loop3A_570, %parallel_loop3A_571] {strides = array<i32>} : memref<28x8x256xf32, #tpu.memory_space<vmem>>, vector<16xf32>,
        tpu.vector_store %arg8[%parallel_loop3A_569, %parallel_loop3A_570, %parallel_loop3A_571], %parallel_loop3A_567 {strides = array<i32>} : memref<28x8x256xf32, #tpu.memory_space<vmem>>, vector<16xf32>,
        %parallel_loop3A_573 = arith.mulf %parallel_loop3A_508, %gather3A_70 : vector<16xf32>
        %parallel_loop3A_574 = arith.mulf %parallel_loop3A_513, %gather3A_73 : vector<16xf32>
        %parallel_loop3A_575 = arith.addf %parallel_loop3A_573, %parallel_loop3A_574 : vector<16xf32>
        %parallel_loop3A_576 = arith.mulf %parallel_loop3A_518, %gather3A_76 : vector<16xf32>
        %parallel_loop3A_577 = arith.addf %parallel_loop3A_575, %parallel_loop3A_576 : vector<16xf32>
        %parallel_loop3A_578 = arith.mulf %parallel_loop3A_523, %gather3A_79 : vector<16xf32>
        %parallel_loop3A_579 = arith.addf %parallel_loop3A_577, %parallel_loop3A_578 : vector<16xf32>
        %parallel_loop3A_580 = arith.mulf %parallel_loop3A_528, %gather3A_82 : vector<16xf32>
        %parallel_loop3A_581 = arith.addf %parallel_loop3A_579, %parallel_loop3A_580 : vector<16xf32>
        %parallel_loop3A_582 = arith.mulf %parallel_loop3A_581, %parallel_loop3A_503 : vector<16xf32>
        %parallel_loop3A_583 = arith.addf %parallel_loop3A_582, %gather3A_106 : vector<16xf32>
        %parallel_loop3A_584 = arith.constant 0.000000e+00 : f32
        %parallel_loop3A_585 = vector.broadcast %parallel_loop3A_584 : f32 to vector<16xf32>
        %parallel_loop3A_586 = arith.maximumf %parallel_loop3A_583, %parallel_loop3A_585 : vector<16xf32>
        %parallel_loop3A_587 = arith.mulf %parallel_loop3A_586, %parallel_loop3A_532 : vector<16xf32>
        %parallel_loop3A_588 = arith.constant 2 : i32
        %parallel_loop3A_589 = arith.index_cast %parallel_loop3A_588 : i32 to index
        %parallel_loop3A_590 = arith.index_cast %parallel_loop3A_482 : i32 to index
        %parallel_loop3A_591 = arith.index_cast %parallel_loop3A_500 : i32 to index
        %parallel_loop3A_592 = tpu.vector_load %arg8[%parallel_loop3A_589, %parallel_loop3A_590, %parallel_loop3A_591] {strides = array<i32>} : memref<28x8x256xf32, #tpu.memory_space<vmem>>, vector<16xf32>,
        tpu.vector_store %arg8[%parallel_loop3A_589, %parallel_loop3A_590, %parallel_loop3A_591], %parallel_loop3A_587 {strides = array<i32>} : memref<28x8x256xf32, #tpu.memory_space<vmem>>, vector<16xf32>,
        %parallel_loop3A_593 = arith.mulf %parallel_loop3A_508, %gather3A_85 : vector<16xf32>
        %parallel_loop3A_594 = arith.mulf %parallel_loop3A_513, %gather3A_88 : vector<16xf32>
        %parallel_loop3A_595 = arith.addf %parallel_loop3A_593, %parallel_loop3A_594 : vector<16xf32>
        %parallel_loop3A_596 = arith.mulf %parallel_loop3A_518, %gather3A_91 : vector<16xf32>
        %parallel_loop3A_597 = arith.addf %parallel_loop3A_595, %parallel_loop3A_596 : vector<16xf32>
        %parallel_loop3A_598 = arith.mulf %parallel_loop3A_523, %gather3A_94 : vector<16xf32>
        %parallel_loop3A_599 = arith.addf %parallel_loop3A_597, %parallel_loop3A_598 : vector<16xf32>
        %parallel_loop3A_600 = arith.mulf %parallel_loop3A_528, %gather3A_97 : vector<16xf32>
        %parallel_loop3A_601 = arith.addf %parallel_loop3A_599, %parallel_loop3A_600 : vector<16xf32>
        %parallel_loop3A_602 = arith.mulf %parallel_loop3A_601, %parallel_loop3A_503 : vector<16xf32>
        %parallel_loop3A_603 = arith.addf %parallel_loop3A_602, %gather3A_109 : vector<16xf32>
        %parallel_loop3A_604 = arith.constant 0.000000e+00 : f32
        %parallel_loop3A_605 = vector.broadcast %parallel_loop3A_604 : f32 to vector<16xf32>
        %parallel_loop3A_606 = arith.maximumf %parallel_loop3A_603, %parallel_loop3A_605 : vector<16xf32>
        %parallel_loop3A_607 = arith.mulf %parallel_loop3A_606, %parallel_loop3A_532 : vector<16xf32>
        %parallel_loop3A_608 = arith.constant 3 : i32
        %parallel_loop3A_609 = arith.index_cast %parallel_loop3A_608 : i32 to index
        %parallel_loop3A_610 = arith.index_cast %parallel_loop3A_482 : i32 to index
        %parallel_loop3A_611 = arith.index_cast %parallel_loop3A_500 : i32 to index
        %parallel_loop3A_612 = tpu.vector_load %arg8[%parallel_loop3A_609, %parallel_loop3A_610, %parallel_loop3A_611] {strides = array<i32>} : memref<28x8x256xf32, #tpu.memory_space<vmem>>, vector<16xf32>,
        tpu.vector_store %arg8[%parallel_loop3A_609, %parallel_loop3A_610, %parallel_loop3A_611], %parallel_loop3A_607 {strides = array<i32>} : memref<28x8x256xf32, #tpu.memory_space<vmem>>, vector<16xf32>,
      } {sc.loop_unroll_factor = 2 : i64, sc.parallel_access}
      %dma_start3A = arith.constant 0 : i32
      %dma_start3A_112 = arith.constant 0 : i32
      %dma_start3A_113 = arith.constant 0 : i32
      %dma_start3A_114 = tpu.memref_slice %arg8[%dma_start3A, %dma_start3A_112, %dma_start3A_113] : memref<28x8x256xf32, #tpu.memory_space<vmem>> -> memref<4x8x256xf32, #tpu.memory_space<vmem>>
      %dma_start3A_115 = arith.constant 0 : i32
      %dma_start3A_116 = tpu.memref_slice %arg5[%dma_start3A_115, %mul3A_20, %mul3A_37] : memref<28x50x1024xf32, #tpu.memory_space<hbm>> -> memref<4x8x256xf32, #tpu.memory_space<hbm>>
      %dma_start3A_117 = arith.constant 0 : i32
      %dma_start3A_118 = tpu.memref_slice %arg5[%dma_start3A_117, %mul3A_20, %mul3A_37] : memref<28x50x1024xf32, #tpu.memory_space<hbm>> -> memref<4x8x256xf32, #tpu.memory_space<hbm>>
      %dma_start3A_119 = arith.constant 0 : i32
      %dma_start3A_120 = arith.constant 0 : i32
      %dma_start3A_121 = arith.constant 0 : i32
      %dma_start3A_122 = tpu.memref_slice %arg8[%dma_start3A_119, %dma_start3A_120, %dma_start3A_121] : memref<28x8x256xf32, #tpu.memory_space<vmem>> -> memref<4x8x256xf32, #tpu.memory_space<vmem>>
      tpu.enqueue_dma source(%dma_start3A_122 : memref<4x8x256xf32, #tpu.memory_space<vmem>>) target(%dma_start3A_118 : memref<4x8x256xf32, #tpu.memory_space<hbm>>) target_semaphore(%arg10 : memref<!tpu.dma_semaphore, #tpu.memory_space<semaphore_mem>>)
      %broadcast_in_dim3A_123 = arith.constant 28 : i32
      %broadcast_in_dim3A_124 = vector.broadcast %broadcast_in_dim3A_123 : i32 to vector<16xi32>
      %gather3A_125 = tpu.vector_load_idx %arg9[%broadcast_in_dim3A_124] : memref<888xf32, #tpu.memory_space<vmem>>[vector<16xi32>], vector<16xf32>,
      %broadcast_in_dim3A_126 = arith.constant 29 : i32
      %broadcast_in_dim3A_127 = vector.broadcast %broadcast_in_dim3A_126 : i32 to vector<16xi32>
      %gather3A_128 = tpu.vector_load_idx %arg9[%broadcast_in_dim3A_127] : memref<888xf32, #tpu.memory_space<vmem>>[vector<16xi32>], vector<16xf32>,
      %broadcast_in_dim3A_129 = arith.constant 30 : i32
      %broadcast_in_dim3A_130 = vector.broadcast %broadcast_in_dim3A_129 : i32 to vector<16xi32>
      %gather3A_131 = tpu.vector_load_idx %arg9[%broadcast_in_dim3A_130] : memref<888xf32, #tpu.memory_space<vmem>>[vector<16xi32>], vector<16xf32>,
      %broadcast_in_dim3A_132 = arith.constant 31 : i32
      %broadcast_in_dim3A_133 = vector.broadcast %broadcast_in_dim3A_132 : i32 to vector<16xi32>
      %gather3A_134 = tpu.vector_load_idx %arg9[%broadcast_in_dim3A_133] : memref<888xf32, #tpu.memory_space<vmem>>[vector<16xi32>], vector<16xf32>,
      %broadcast_in_dim3A_135 = arith.constant 32 : i32
      %broadcast_in_dim3A_136 = vector.broadcast %broadcast_in_dim3A_135 : i32 to vector<16xi32>
      %gather3A_137 = tpu.vector_load_idx %arg9[%broadcast_in_dim3A_136] : memref<888xf32, #tpu.memory_space<vmem>>[vector<16xi32>], vector<16xf32>,
      %broadcast_in_dim3A_138 = arith.constant 33 : i32
      %broadcast_in_dim3A_139 = vector.broadcast %broadcast_in_dim3A_138 : i32 to vector<16xi32>
      %gather3A_140 = tpu.vector_load_idx %arg9[%broadcast_in_dim3A_139] : memref<888xf32, #tpu.memory_space<vmem>>[vector<16xi32>], vector<16xf32>,
      %broadcast_in_dim3A_141 = arith.constant 34 : i32
      %broadcast_in_dim3A_142 = vector.broadcast %broadcast_in_dim3A_141 : i32 to vector<16xi32>
      %gather3A_143 = tpu.vector_load_idx %arg9[%broadcast_in_dim3A_142] : memref<888xf32, #tpu.memory_space<vmem>>[vector<16xi32>], vector<16xf32>,
      %broadcast_in_dim3A_144 = arith.constant 35 : i32
      %broadcast_in_dim3A_145 = vector.broadcast %broadcast_in_dim3A_144 : i32 to vector<16xi32>
      %gather3A_146 = tpu.vector_load_idx %arg9[%broadcast_in_dim3A_145] : memref<888xf32, #tpu.memory_space<vmem>>[vector<16xi32>], vector<16xf32>,
      %broadcast_in_dim3A_147 = arith.constant 36 : i32
      %broadcast_in_dim3A_148 = vector.broadcast %broadcast_in_dim3A_147 : i32 to vector<16xi32>
      %gather3A_149 = tpu.vector_load_idx %arg9[%broadcast_in_dim3A_148] : memref<888xf32, #tpu.memory_space<vmem>>[vector<16xi32>], vector<16xf32>,
      %broadcast_in_dim3A_150 = arith.constant 37 : i32
      %broadcast_in_dim3A_151 = vector.broadcast %broadcast_in_dim3A_150 : i32 to vector<16xi32>
      %gather3A_152 = tpu.vector_load_idx %arg9[%broadcast_in_dim3A_151] : memref<888xf32, #tpu.memory_space<vmem>>[vector<16xi32>], vector<16xf32>,
      %broadcast_in_dim3A_153 = arith.constant 38 : i32
      %broadcast_in_dim3A_154 = vector.broadcast %broadcast_in_dim3A_153 : i32 to vector<16xi32>
      %gather3A_155 = tpu.vector_load_idx %arg9[%broadcast_in_dim3A_154] : memref<888xf32, #tpu.memory_space<vmem>>[vector<16xi32>], vector<16xf32>,
      %broadcast_in_dim3A_156 = arith.constant 39 : i32
      %broadcast_in_dim3A_157 = vector.broadcast %broadcast_in_dim3A_156 : i32 to vector<16xi32>
      %gather3A_158 = tpu.vector_load_idx %arg9[%broadcast_in_dim3A_157] : memref<888xf32, #tpu.memory_space<vmem>>[vector<16xi32>], vector<16xf32>,
      %broadcast_in_dim3A_159 = arith.constant 40 : i32
      %broadcast_in_dim3A_160 = vector.broadcast %broadcast_in_dim3A_159 : i32 to vector<16xi32>
      %gather3A_161 = tpu.vector_load_idx %arg9[%broadcast_in_dim3A_160] : memref<888xf32, #tpu.memory_space<vmem>>[vector<16xi32>], vector<16xf32>,
      %broadcast_in_dim3A_162 = arith.constant 41 : i32
      %broadcast_in_dim3A_163 = vector.broadcast %broadcast_in_dim3A_162 : i32 to vector<16xi32>
      %gather3A_164 = tpu.vector_load_idx %arg9[%broadcast_in_dim3A_163] : memref<888xf32, #tpu.memory_space<vmem>>[vector<16xi32>], vector<16xf32>,
      %broadcast_in_dim3A_165 = arith.constant 42 : i32
      %broadcast_in_dim3A_166 = vector.broadcast %broadcast_in_dim3A_165 : i32 to vector<16xi32>
      %gather3A_167 = tpu.vector_load_idx %arg9[%broadcast_in_dim3A_166] : memref<888xf32, #tpu.memory_space<vmem>>[vector<16xi32>], vector<16xf32>,
      %broadcast_in_dim3A_168 = arith.constant 43 : i32
      %broadcast_in_dim3A_169 = vector.broadcast %broadcast_in_dim3A_168 : i32 to vector<16xi32>
      %gather3A_170 = tpu.vector_load_idx %arg9[%broadcast_in_dim3A_169] : memref<888xf32, #tpu.memory_space<vmem>>[vector<16xi32>], vector<16xf32>,
      %broadcast_in_dim3A_171 = arith.constant 44 : i32
      %broadcast_in_dim3A_172 = vector.broadcast %broadcast_in_dim3A_171 : i32 to vector<16xi32>
      %gather3A_173 = tpu.vector_load_idx %arg9[%broadcast_in_dim3A_172] : memref<888xf32, #tpu.memory_space<vmem>>[vector<16xi32>], vector<16xf32>,
      %broadcast_in_dim3A_174 = arith.constant 45 : i32
      %broadcast_in_dim3A_175 = vector.broadcast %broadcast_in_dim3A_174 : i32 to vector<16xi32>
      %gather3A_176 = tpu.vector_load_idx %arg9[%broadcast_in_dim3A_175] : memref<888xf32, #tpu.memory_space<vmem>>[vector<16xi32>], vector<16xf32>,
      %broadcast_in_dim3A_177 = arith.constant 46 : i32
      %broadcast_in_dim3A_178 = vector.broadcast %broadcast_in_dim3A_177 : i32 to vector<16xi32>
      %gather3A_179 = tpu.vector_load_idx %arg9[%broadcast_in_dim3A_178] : memref<888xf32, #tpu.memory_space<vmem>>[vector<16xi32>], vector<16xf32>,
      %broadcast_in_dim3A_180 = arith.constant 47 : i32
      %broadcast_in_dim3A_181 = vector.broadcast %broadcast_in_dim3A_180 : i32 to vector<16xi32>
      %gather3A_182 = tpu.vector_load_idx %arg9[%broadcast_in_dim3A_181] : memref<888xf32, #tpu.memory_space<vmem>>[vector<16xi32>], vector<16xf32>,
      %broadcast_in_dim3A_183 = arith.constant 92 : i32
      %broadcast_in_dim3A_184 = vector.broadcast %broadcast_in_dim3A_183 : i32 to vector<16xi32>
      %gather3A_185 = tpu.vector_load_idx %arg9[%broadcast_in_dim3A_184] : memref<888xf32, #tpu.memory_space<vmem>>[vector<16xi32>], vector<16xf32>,
      %broadcast_in_dim3A_186 = arith.constant 93 : i32
      %broadcast_in_dim3A_187 = vector.broadcast %broadcast_in_dim3A_186 : i32 to vector<16xi32>
      %gather3A_188 = tpu.vector_load_idx %arg9[%broadcast_in_dim3A_187] : memref<888xf32, #tpu.memory_space<vmem>>[vector<16xi32>], vector<16xf32>,
      %broadcast_in_dim3A_189 = arith.constant 94 : i32
      %broadcast_in_dim3A_190 = vector.broadcast %broadcast_in_dim3A_189 : i32 to vector<16xi32>
      %gather3A_191 = tpu.vector_load_idx %arg9[%broadcast_in_dim3A_190] : memref<888xf32, #tpu.memory_space<vmem>>[vector<16xi32>], vector<16xf32>,
      %broadcast_in_dim3A_192 = arith.constant 95 : i32
      %broadcast_in_dim3A_193 = vector.broadcast %broadcast_in_dim3A_192 : i32 to vector<16xi32>
      %gather3A_194 = tpu.vector_load_idx %arg9[%broadcast_in_dim3A_193] : memref<888xf32, #tpu.memory_space<vmem>>[vector<16xi32>], vector<16xf32>,
      %parallel_loop3A_195 = arith.constant 0 : i32
      %parallel_loop3A_196 = arith.constant 128 : i32
      %parallel_loop3A_197 = arith.constant 1 : i32
      scf.for %parallel_loop3A_458 = %parallel_loop3A_195 to %parallel_loop3A_196 step %parallel_loop3A_197  : i32 {
        %parallel_loop3A_459 = arith.constant 16 : i32
        %parallel_loop3A_460 = arith.divsi %parallel_loop3A_458, %parallel_loop3A_459 : i32
        %parallel_loop3A_461 = arith.constant 0 : i32
        %parallel_loop3A_462 = arith.cmpi sgt, %parallel_loop3A_458, %parallel_loop3A_461 : i32
        %parallel_loop3A_463 = arith.extui %parallel_loop3A_462 : i1 to i32
        %parallel_loop3A_464 = arith.constant 0 : i32
        %parallel_loop3A_465 = arith.cmpi slt, %parallel_loop3A_458, %parallel_loop3A_464 : i32
        %parallel_loop3A_466 = arith.extui %parallel_loop3A_465 : i1 to i32
        %parallel_loop3A_467 = arith.subi %parallel_loop3A_463, %parallel_loop3A_466 : i32
        %parallel_loop3A_468 = arith.constant 0 : i32
        %parallel_loop3A_469 = arith.cmpi sgt, %parallel_loop3A_459, %parallel_loop3A_468 : i32
        %parallel_loop3A_470 = arith.extui %parallel_loop3A_469 : i1 to i32
        %parallel_loop3A_471 = arith.constant 0 : i32
        %parallel_loop3A_472 = arith.cmpi slt, %parallel_loop3A_459, %parallel_loop3A_471 : i32
        %parallel_loop3A_473 = arith.extui %parallel_loop3A_472 : i1 to i32
        %parallel_loop3A_474 = arith.subi %parallel_loop3A_470, %parallel_loop3A_473 : i32
        %parallel_loop3A_475 = arith.cmpi ne, %parallel_loop3A_467, %parallel_loop3A_474 : i32
        %parallel_loop3A_476 = arith.remsi %parallel_loop3A_458, %parallel_loop3A_459 : i32
        %parallel_loop3A_477 = arith.constant 0 : i32
        %parallel_loop3A_478 = arith.cmpi ne, %parallel_loop3A_476, %parallel_loop3A_477 : i32
        %parallel_loop3A_479 = arith.andi %parallel_loop3A_475, %parallel_loop3A_478 : i1
        %parallel_loop3A_480 = arith.constant 1 : i32
        %parallel_loop3A_481 = arith.subi %parallel_loop3A_460, %parallel_loop3A_480 : i32
        %parallel_loop3A_482 = arith.select %parallel_loop3A_479, %parallel_loop3A_481, %parallel_loop3A_460 : i32
        %parallel_loop3A_483 = arith.constant 16 : i32
        %parallel_loop3A_484 = arith.constant 0 : i32
        %parallel_loop3A_485 = arith.cmpi eq, %parallel_loop3A_483, %parallel_loop3A_484 : i32
        %parallel_loop3A_486 = arith.constant 1 : i32
        %parallel_loop3A_487 = arith.select %parallel_loop3A_485, %parallel_loop3A_486, %parallel_loop3A_483 : i32
        %parallel_loop3A_488 = arith.remsi %parallel_loop3A_458, %parallel_loop3A_487 : i32
        %parallel_loop3A_489 = arith.constant 0 : i32
        %parallel_loop3A_490 = arith.cmpi ne, %parallel_loop3A_488, %parallel_loop3A_489 : i32
        %parallel_loop3A_491 = arith.constant 0 : i32
        %parallel_loop3A_492 = arith.cmpi slt, %parallel_loop3A_488, %parallel_loop3A_491 : i32
        %parallel_loop3A_493 = arith.constant 0 : i32
        %parallel_loop3A_494 = arith.cmpi slt, %parallel_loop3A_487, %parallel_loop3A_493 : i32
        %parallel_loop3A_495 = arith.xori %parallel_loop3A_492, %parallel_loop3A_494 : i1
        %parallel_loop3A_496 = arith.andi %parallel_loop3A_495, %parallel_loop3A_490 : i1
        %parallel_loop3A_497 = arith.addi %parallel_loop3A_488, %parallel_loop3A_487 : i32
        %parallel_loop3A_498 = arith.select %parallel_loop3A_496, %parallel_loop3A_497, %parallel_loop3A_488 : i32
        %parallel_loop3A_499 = arith.constant 16 : i32
        %parallel_loop3A_500 = arith.muli %parallel_loop3A_498, %parallel_loop3A_499 : i32
        %parallel_loop3A_501 = arith.index_cast %parallel_loop3A_482 : i32 to index
        %parallel_loop3A_502 = arith.index_cast %parallel_loop3A_500 : i32 to index
        %parallel_loop3A_503 = tpu.vector_load %arg7[%parallel_loop3A_501, %parallel_loop3A_502] {strides = array<i32>} : memref<8x256xf32, #tpu.memory_space<vmem>>, vector<16xf32>,
        %parallel_loop3A_504 = arith.constant 0 : i32
        %parallel_loop3A_505 = arith.index_cast %parallel_loop3A_504 : i32 to index
        %parallel_loop3A_506 = arith.index_cast %parallel_loop3A_482 : i32 to index
        %parallel_loop3A_507 = arith.index_cast %parallel_loop3A_500 : i32 to index
        %parallel_loop3A_508 = tpu.vector_load %arg6[%parallel_loop3A_505, %parallel_loop3A_506, %parallel_loop3A_507] {strides = array<i32>} : memref<7x8x256xf32, #tpu.memory_space<vmem>>, vector<16xf32>,
        %parallel_loop3A_509 = arith.constant 1 : i32
        %parallel_loop3A_510 = arith.index_cast %parallel_loop3A_509 : i32 to index
        %parallel_loop3A_511 = arith.index_cast %parallel_loop3A_482 : i32 to index
        %parallel_loop3A_512 = arith.index_cast %parallel_loop3A_500 : i32 to index
        %parallel_loop3A_513 = tpu.vector_load %arg6[%parallel_loop3A_510, %parallel_loop3A_511, %parallel_loop3A_512] {strides = array<i32>} : memref<7x8x256xf32, #tpu.memory_space<vmem>>, vector<16xf32>,
        %parallel_loop3A_514 = arith.constant 2 : i32
        %parallel_loop3A_515 = arith.index_cast %parallel_loop3A_514 : i32 to index
        %parallel_loop3A_516 = arith.index_cast %parallel_loop3A_482 : i32 to index
        %parallel_loop3A_517 = arith.index_cast %parallel_loop3A_500 : i32 to index
        %parallel_loop3A_518 = tpu.vector_load %arg6[%parallel_loop3A_515, %parallel_loop3A_516, %parallel_loop3A_517] {strides = array<i32>} : memref<7x8x256xf32, #tpu.memory_space<vmem>>, vector<16xf32>,
        %parallel_loop3A_519 = arith.constant 3 : i32
        %parallel_loop3A_520 = arith.index_cast %parallel_loop3A_519 : i32 to index
        %parallel_loop3A_521 = arith.index_cast %parallel_loop3A_482 : i32 to index
        %parallel_loop3A_522 = arith.index_cast %parallel_loop3A_500 : i32 to index
        %parallel_loop3A_523 = tpu.vector_load %arg6[%parallel_loop3A_520, %parallel_loop3A_521, %parallel_loop3A_522] {strides = array<i32>} : memref<7x8x256xf32, #tpu.memory_space<vmem>>, vector<16xf32>,
        %parallel_loop3A_524 = arith.constant 4 : i32
        %parallel_loop3A_525 = arith.index_cast %parallel_loop3A_524 : i32 to index
        %parallel_loop3A_526 = arith.index_cast %parallel_loop3A_482 : i32 to index
        %parallel_loop3A_527 = arith.index_cast %parallel_loop3A_500 : i32 to index
        %parallel_loop3A_528 = tpu.vector_load %arg6[%parallel_loop3A_525, %parallel_loop3A_526, %parallel_loop3A_527] {strides = array<i32>} : memref<7x8x256xf32, #tpu.memory_space<vmem>>, vector<16xf32>,
        %parallel_loop3A_529 = arith.constant 5.000000e-01 : f32
        %parallel_loop3A_530 = vector.broadcast %parallel_loop3A_529 : f32 to vector<16xf32>
        %parallel_loop3A_531 = arith.cmpf oge, %parallel_loop3A_503, %parallel_loop3A_530 : vector<16xf32>
        %parallel_loop3A_532 = arith.select %parallel_loop3A_531, %parallel_loop3A_503, %broadcast_in_dim3A_38 : vector<16xi1>, vector<16xf32>
        %parallel_loop3A_533 = arith.mulf %parallel_loop3A_508, %gather3A_125 : vector<16xf32>
        %parallel_loop3A_534 = arith.mulf %parallel_loop3A_513, %gather3A_128 : vector<16xf32>
        %parallel_loop3A_535 = arith.addf %parallel_loop3A_533, %parallel_loop3A_534 : vector<16xf32>
        %parallel_loop3A_536 = arith.mulf %parallel_loop3A_518, %gather3A_131 : vector<16xf32>
        %parallel_loop3A_537 = arith.addf %parallel_loop3A_535, %parallel_loop3A_536 : vector<16xf32>
        %parallel_loop3A_538 = arith.mulf %parallel_loop3A_523, %gather3A_134 : vector<16xf32>
        %parallel_loop3A_539 = arith.addf %parallel_loop3A_537, %parallel_loop3A_538 : vector<16xf32>
        %parallel_loop3A_540 = arith.mulf %parallel_loop3A_528, %gather3A_137 : vector<16xf32>
        %parallel_loop3A_541 = arith.addf %parallel_loop3A_539, %parallel_loop3A_540 : vector<16xf32>
        %parallel_loop3A_542 = arith.mulf %parallel_loop3A_541, %parallel_loop3A_503 : vector<16xf32>
        %parallel_loop3A_543 = arith.addf %parallel_loop3A_542, %gather3A_185 : vector<16xf32>
        %parallel_loop3A_544 = arith.constant 0.000000e+00 : f32
        %parallel_loop3A_545 = vector.broadcast %parallel_loop3A_544 : f32 to vector<16xf32>
        %parallel_loop3A_546 = arith.maximumf %parallel_loop3A_543, %parallel_loop3A_545 : vector<16xf32>
        %parallel_loop3A_547 = arith.mulf %parallel_loop3A_546, %parallel_loop3A_532 : vector<16xf32>
        %parallel_loop3A_548 = arith.constant 4 : i32
        %parallel_loop3A_549 = arith.index_cast %parallel_loop3A_548 : i32 to index
        %parallel_loop3A_550 = arith.index_cast %parallel_loop3A_482 : i32 to index
        %parallel_loop3A_551 = arith.index_cast %parallel_loop3A_500 : i32 to index
        %parallel_loop3A_552 = tpu.vector_load %arg8[%parallel_loop3A_549, %parallel_loop3A_550, %parallel_loop3A_551] {strides = array<i32>} : memref<28x8x256xf32, #tpu.memory_space<vmem>>, vector<16xf32>,
        tpu.vector_store %arg8[%parallel_loop3A_549, %parallel_loop3A_550, %parallel_loop3A_551], %parallel_loop3A_547 {strides = array<i32>} : memref<28x8x256xf32, #tpu.memory_space<vmem>>, vector<16xf32>,
        %parallel_loop3A_553 = arith.mulf %parallel_loop3A_508, %gather3A_140 : vector<16xf32>
        %parallel_loop3A_554 = arith.mulf %parallel_loop3A_513, %gather3A_143 : vector<16xf32>
        %parallel_loop3A_555 = arith.addf %parallel_loop3A_553, %parallel_loop3A_554 : vector<16xf32>
        %parallel_loop3A_556 = arith.mulf %parallel_loop3A_518, %gather3A_146 : vector<16xf32>
        %parallel_loop3A_557 = arith.addf %parallel_loop3A_555, %parallel_loop3A_556 : vector<16xf32>
        %parallel_loop3A_558 = arith.mulf %parallel_loop3A_523, %gather3A_149 : vector<16xf32>
        %parallel_loop3A_559 = arith.addf %parallel_loop3A_557, %parallel_loop3A_558 : vector<16xf32>
        %parallel_loop3A_560 = arith.mulf %parallel_loop3A_528, %gather3A_152 : vector<16xf32>
        %parallel_loop3A_561 = arith.addf %parallel_loop3A_559, %parallel_loop3A_560 : vector<16xf32>
        %parallel_loop3A_562 = arith.mulf %parallel_loop3A_561, %parallel_loop3A_503 : vector<16xf32>
        %parallel_loop3A_563 = arith.addf %parallel_loop3A_562, %gather3A_188 : vector<16xf32>
        %parallel_loop3A_564 = arith.constant 0.000000e+00 : f32
        %parallel_loop3A_565 = vector.broadcast %parallel_loop3A_564 : f32 to vector<16xf32>
        %parallel_loop3A_566 = arith.maximumf %parallel_loop3A_563, %parallel_loop3A_565 : vector<16xf32>
        %parallel_loop3A_567 = arith.mulf %parallel_loop3A_566, %parallel_loop3A_532 : vector<16xf32>
        %parallel_loop3A_568 = arith.constant 5 : i32
        %parallel_loop3A_569 = arith.index_cast %parallel_loop3A_568 : i32 to index
        %parallel_loop3A_570 = arith.index_cast %parallel_loop3A_482 : i32 to index
        %parallel_loop3A_571 = arith.index_cast %parallel_loop3A_500 : i32 to index
        %parallel_loop3A_572 = tpu.vector_load %arg8[%parallel_loop3A_569, %parallel_loop3A_570, %parallel_loop3A_571] {strides = array<i32>} : memref<28x8x256xf32, #tpu.memory_space<vmem>>, vector<16xf32>,
        tpu.vector_store %arg8[%parallel_loop3A_569, %parallel_loop3A_570, %parallel_loop3A_571], %parallel_loop3A_567 {strides = array<i32>} : memref<28x8x256xf32, #tpu.memory_space<vmem>>, vector<16xf32>,
        %parallel_loop3A_573 = arith.mulf %parallel_loop3A_508, %gather3A_155 : vector<16xf32>
        %parallel_loop3A_574 = arith.mulf %parallel_loop3A_513, %gather3A_158 : vector<16xf32>
        %parallel_loop3A_575 = arith.addf %parallel_loop3A_573, %parallel_loop3A_574 : vector<16xf32>
        %parallel_loop3A_576 = arith.mulf %parallel_loop3A_518, %gather3A_161 : vector<16xf32>
        %parallel_loop3A_577 = arith.addf %parallel_loop3A_575, %parallel_loop3A_576 : vector<16xf32>
        %parallel_loop3A_578 = arith.mulf %parallel_loop3A_523, %gather3A_164 : vector<16xf32>
        %parallel_loop3A_579 = arith.addf %parallel_loop3A_577, %parallel_loop3A_578 : vector<16xf32>
        %parallel_loop3A_580 = arith.mulf %parallel_loop3A_528, %gather3A_167 : vector<16xf32>
        %parallel_loop3A_581 = arith.addf %parallel_loop3A_579, %parallel_loop3A_580 : vector<16xf32>
        %parallel_loop3A_582 = arith.mulf %parallel_loop3A_581, %parallel_loop3A_503 : vector<16xf32>
        %parallel_loop3A_583 = arith.addf %parallel_loop3A_582, %gather3A_191 : vector<16xf32>
        %parallel_loop3A_584 = arith.constant 0.000000e+00 : f32
        %parallel_loop3A_585 = vector.broadcast %parallel_loop3A_584 : f32 to vector<16xf32>
        %parallel_loop3A_586 = arith.maximumf %parallel_loop3A_583, %parallel_loop3A_585 : vector<16xf32>
        %parallel_loop3A_587 = arith.mulf %parallel_loop3A_586, %parallel_loop3A_532 : vector<16xf32>
        %parallel_loop3A_588 = arith.constant 6 : i32
        %parallel_loop3A_589 = arith.index_cast %parallel_loop3A_588 : i32 to index
        %parallel_loop3A_590 = arith.index_cast %parallel_loop3A_482 : i32 to index
        %parallel_loop3A_591 = arith.index_cast %parallel_loop3A_500 : i32 to index
        %parallel_loop3A_592 = tpu.vector_load %arg8[%parallel_loop3A_589, %parallel_loop3A_590, %parallel_loop3A_591] {strides = array<i32>} : memref<28x8x256xf32, #tpu.memory_space<vmem>>, vector<16xf32>,
        tpu.vector_store %arg8[%parallel_loop3A_589, %parallel_loop3A_590, %parallel_loop3A_591], %parallel_loop3A_587 {strides = array<i32>} : memref<28x8x256xf32, #tpu.memory_space<vmem>>, vector<16xf32>,
        %parallel_loop3A_593 = arith.mulf %parallel_loop3A_508, %gather3A_170 : vector<16xf32>
        %parallel_loop3A_594 = arith.mulf %parallel_loop3A_513, %gather3A_173 : vector<16xf32>
        %parallel_loop3A_595 = arith.addf %parallel_loop3A_593, %parallel_loop3A_594 : vector<16xf32>
        %parallel_loop3A_596 = arith.mulf %parallel_loop3A_518, %gather3A_176 : vector<16xf32>
        %parallel_loop3A_597 = arith.addf %parallel_loop3A_595, %parallel_loop3A_596 : vector<16xf32>
        %parallel_loop3A_598 = arith.mulf %parallel_loop3A_523, %gather3A_179 : vector<16xf32>
        %parallel_loop3A_599 = arith.addf %parallel_loop3A_597, %parallel_loop3A_598 : vector<16xf32>
        %parallel_loop3A_600 = arith.mulf %parallel_loop3A_528, %gather3A_182 : vector<16xf32>
        %parallel_loop3A_601 = arith.addf %parallel_loop3A_599, %parallel_loop3A_600 : vector<16xf32>
        %parallel_loop3A_602 = arith.mulf %parallel_loop3A_601, %parallel_loop3A_503 : vector<16xf32>
        %parallel_loop3A_603 = arith.addf %parallel_loop3A_602, %gather3A_194 : vector<16xf32>
        %parallel_loop3A_604 = arith.constant 0.000000e+00 : f32
        %parallel_loop3A_605 = vector.broadcast %parallel_loop3A_604 : f32 to vector<16xf32>
        %parallel_loop3A_606 = arith.maximumf %parallel_loop3A_603, %parallel_loop3A_605 : vector<16xf32>
        %parallel_loop3A_607 = arith.mulf %parallel_loop3A_606, %parallel_loop3A_532 : vector<16xf32>
        %parallel_loop3A_608 = arith.constant 7 : i32
        %parallel_loop3A_609 = arith.index_cast %parallel_loop3A_608 : i32 to index
        %parallel_loop3A_610 = arith.index_cast %parallel_loop3A_482 : i32 to index
        %parallel_loop3A_611 = arith.index_cast %parallel_loop3A_500 : i32 to index
        %parallel_loop3A_612 = tpu.vector_load %arg8[%parallel_loop3A_609, %parallel_loop3A_610, %parallel_loop3A_611] {strides = array<i32>} : memref<28x8x256xf32, #tpu.memory_space<vmem>>, vector<16xf32>,
        tpu.vector_store %arg8[%parallel_loop3A_609, %parallel_loop3A_610, %parallel_loop3A_611], %parallel_loop3A_607 {strides = array<i32>} : memref<28x8x256xf32, #tpu.memory_space<vmem>>, vector<16xf32>,
      } {sc.loop_unroll_factor = 2 : i64, sc.parallel_access}
      %dma_start3A_198 = arith.constant 4 : i32
      %dma_start3A_199 = arith.constant 0 : i32
      %dma_start3A_200 = arith.constant 0 : i32
      %dma_start3A_201 = tpu.memref_slice %arg8[%dma_start3A_198, %dma_start3A_199, %dma_start3A_200] : memref<28x8x256xf32, #tpu.memory_space<vmem>> -> memref<4x8x256xf32, #tpu.memory_space<vmem>>
      %dma_start3A_202 = arith.constant 4 : i32
      %dma_start3A_203 = tpu.memref_slice %arg5[%dma_start3A_202, %mul3A_20, %mul3A_37] : memref<28x50x1024xf32, #tpu.memory_space<hbm>> -> memref<4x8x256xf32, #tpu.memory_space<hbm>>
      %dma_start3A_204 = arith.constant 4 : i32
      %dma_start3A_205 = tpu.memref_slice %arg5[%dma_start3A_204, %mul3A_20, %mul3A_37] : memref<28x50x1024xf32, #tpu.memory_space<hbm>> -> memref<4x8x256xf32, #tpu.memory_space<hbm>>
      %dma_start3A_206 = arith.constant 4 : i32
      %dma_start3A_207 = arith.constant 0 : i32
      %dma_start3A_208 = arith.constant 0 : i32
      %dma_start3A_209 = tpu.memref_slice %arg8[%dma_start3A_206, %dma_start3A_207, %dma_start3A_208] : memref<28x8x256xf32, #tpu.memory_space<vmem>> -> memref<4x8x256xf32, #tpu.memory_space<vmem>>
      tpu.enqueue_dma source(%dma_start3A_209 : memref<4x8x256xf32, #tpu.memory_space<vmem>>) target(%dma_start3A_205 : memref<4x8x256xf32, #tpu.memory_space<hbm>>) target_semaphore(%arg10 : memref<!tpu.dma_semaphore, #tpu.memory_space<semaphore_mem>>)
      %broadcast_in_dim3A_210 = arith.constant 48 : i32
      %broadcast_in_dim3A_211 = vector.broadcast %broadcast_in_dim3A_210 : i32 to vector<16xi32>
      %gather3A_212 = tpu.vector_load_idx %arg9[%broadcast_in_dim3A_211] : memref<888xf32, #tpu.memory_space<vmem>>[vector<16xi32>], vector<16xf32>,
      %broadcast_in_dim3A_213 = arith.constant 49 : i32
      %broadcast_in_dim3A_214 = vector.broadcast %broadcast_in_dim3A_213 : i32 to vector<16xi32>
      %gather3A_215 = tpu.vector_load_idx %arg9[%broadcast_in_dim3A_214] : memref<888xf32, #tpu.memory_space<vmem>>[vector<16xi32>], vector<16xf32>,
      %broadcast_in_dim3A_216 = arith.constant 50 : i32
      %broadcast_in_dim3A_217 = vector.broadcast %broadcast_in_dim3A_216 : i32 to vector<16xi32>
      %gather3A_218 = tpu.vector_load_idx %arg9[%broadcast_in_dim3A_217] : memref<888xf32, #tpu.memory_space<vmem>>[vector<16xi32>], vector<16xf32>,
      %broadcast_in_dim3A_219 = arith.constant 51 : i32
      %broadcast_in_dim3A_220 = vector.broadcast %broadcast_in_dim3A_219 : i32 to vector<16xi32>
      %gather3A_221 = tpu.vector_load_idx %arg9[%broadcast_in_dim3A_220] : memref<888xf32, #tpu.memory_space<vmem>>[vector<16xi32>], vector<16xf32>,
      %broadcast_in_dim3A_222 = arith.constant 52 : i32
      %broadcast_in_dim3A_223 = vector.broadcast %broadcast_in_dim3A_222 : i32 to vector<16xi32>
      %gather3A_224 = tpu.vector_load_idx %arg9[%broadcast_in_dim3A_223] : memref<888xf32, #tpu.memory_space<vmem>>[vector<16xi32>], vector<16xf32>,
      %broadcast_in_dim3A_225 = arith.constant 53 : i32
      %broadcast_in_dim3A_226 = vector.broadcast %broadcast_in_dim3A_225 : i32 to vector<16xi32>
      %gather3A_227 = tpu.vector_load_idx %arg9[%broadcast_in_dim3A_226] : memref<888xf32, #tpu.memory_space<vmem>>[vector<16xi32>], vector<16xf32>,
      %broadcast_in_dim3A_228 = arith.constant 54 : i32
      %broadcast_in_dim3A_229 = vector.broadcast %broadcast_in_dim3A_228 : i32 to vector<16xi32>
      %gather3A_230 = tpu.vector_load_idx %arg9[%broadcast_in_dim3A_229] : memref<888xf32, #tpu.memory_space<vmem>>[vector<16xi32>], vector<16xf32>,
      %broadcast_in_dim3A_231 = arith.constant 55 : i32
      %broadcast_in_dim3A_232 = vector.broadcast %broadcast_in_dim3A_231 : i32 to vector<16xi32>
      %gather3A_233 = tpu.vector_load_idx %arg9[%broadcast_in_dim3A_232] : memref<888xf32, #tpu.memory_space<vmem>>[vector<16xi32>], vector<16xf32>,
      %broadcast_in_dim3A_234 = arith.constant 56 : i32
      %broadcast_in_dim3A_235 = vector.broadcast %broadcast_in_dim3A_234 : i32 to vector<16xi32>
      %gather3A_236 = tpu.vector_load_idx %arg9[%broadcast_in_dim3A_235] : memref<888xf32, #tpu.memory_space<vmem>>[vector<16xi32>], vector<16xf32>,
      %broadcast_in_dim3A_237 = arith.constant 57 : i32
      %broadcast_in_dim3A_238 = vector.broadcast %broadcast_in_dim3A_237 : i32 to vector<16xi32>
      %gather3A_239 = tpu.vector_load_idx %arg9[%broadcast_in_dim3A_238] : memref<888xf32, #tpu.memory_space<vmem>>[vector<16xi32>], vector<16xf32>,
      %broadcast_in_dim3A_240 = arith.constant 58 : i32
      %broadcast_in_dim3A_241 = vector.broadcast %broadcast_in_dim3A_240 : i32 to vector<16xi32>
      %gather3A_242 = tpu.vector_load_idx %arg9[%broadcast_in_dim3A_241] : memref<888xf32, #tpu.memory_space<vmem>>[vector<16xi32>], vector<16xf32>,
      %broadcast_in_dim3A_243 = arith.constant 59 : i32
      %broadcast_in_dim3A_244 = vector.broadcast %broadcast_in_dim3A_243 : i32 to vector<16xi32>
      %gather3A_245 = tpu.vector_load_idx %arg9[%broadcast_in_dim3A_244] : memref<888xf32, #tpu.memory_space<vmem>>[vector<16xi32>], vector<16xf32>,
      %broadcast_in_dim3A_246 = arith.constant 60 : i32
      %broadcast_in_dim3A_247 = vector.broadcast %broadcast_in_dim3A_246 : i32 to vector<16xi32>
      %gather3A_248 = tpu.vector_load_idx %arg9[%broadcast_in_dim3A_247] : memref<888xf32, #tpu.memory_space<vmem>>[vector<16xi32>], vector<16xf32>,
      %broadcast_in_dim3A_249 = arith.constant 61 : i32
      %broadcast_in_dim3A_250 = vector.broadcast %broadcast_in_dim3A_249 : i32 to vector<16xi32>
      %gather3A_251 = tpu.vector_load_idx %arg9[%broadcast_in_dim3A_250] : memref<888xf32, #tpu.memory_space<vmem>>[vector<16xi32>], vector<16xf32>,
      %broadcast_in_dim3A_252 = arith.constant 62 : i32
      %broadcast_in_dim3A_253 = vector.broadcast %broadcast_in_dim3A_252 : i32 to vector<16xi32>
      %gather3A_254 = tpu.vector_load_idx %arg9[%broadcast_in_dim3A_253] : memref<888xf32, #tpu.memory_space<vmem>>[vector<16xi32>], vector<16xf32>,
      %broadcast_in_dim3A_255 = arith.constant 63 : i32
      %broadcast_in_dim3A_256 = vector.broadcast %broadcast_in_dim3A_255 : i32 to vector<16xi32>
      %gather3A_257 = tpu.vector_load_idx %arg9[%broadcast_in_dim3A_256] : memref<888xf32, #tpu.memory_space<vmem>>[vector<16xi32>], vector<16xf32>,
      %broadcast_in_dim3A_258 = arith.constant 64 : i32
      %broadcast_in_dim3A_259 = vector.broadcast %broadcast_in_dim3A_258 : i32 to vector<16xi32>
      %gather3A_260 = tpu.vector_load_idx %arg9[%broadcast_in_dim3A_259] : memref<888xf32, #tpu.memory_space<vmem>>[vector<16xi32>], vector<16xf32>,
      %broadcast_in_dim3A_261 = arith.constant 65 : i32
      %broadcast_in_dim3A_262 = vector.broadcast %broadcast_in_dim3A_261 : i32 to vector<16xi32>
      %gather3A_263 = tpu.vector_load_idx %arg9[%broadcast_in_dim3A_262] : memref<888xf32, #tpu.memory_space<vmem>>[vector<16xi32>], vector<16xf32>,
      %broadcast_in_dim3A_264 = arith.constant 66 : i32
      %broadcast_in_dim3A_265 = vector.broadcast %broadcast_in_dim3A_264 : i32 to vector<16xi32>
      %gather3A_266 = tpu.vector_load_idx %arg9[%broadcast_in_dim3A_265] : memref<888xf32, #tpu.memory_space<vmem>>[vector<16xi32>], vector<16xf32>,
      %broadcast_in_dim3A_267 = arith.constant 67 : i32
      %broadcast_in_dim3A_268 = vector.broadcast %broadcast_in_dim3A_267 : i32 to vector<16xi32>
      %gather3A_269 = tpu.vector_load_idx %arg9[%broadcast_in_dim3A_268] : memref<888xf32, #tpu.memory_space<vmem>>[vector<16xi32>], vector<16xf32>,
      %broadcast_in_dim3A_270 = arith.constant 96 : i32
      %broadcast_in_dim3A_271 = vector.broadcast %broadcast_in_dim3A_270 : i32 to vector<16xi32>
      %gather3A_272 = tpu.vector_load_idx %arg9[%broadcast_in_dim3A_271] : memref<888xf32, #tpu.memory_space<vmem>>[vector<16xi32>], vector<16xf32>,
      %broadcast_in_dim3A_273 = arith.constant 97 : i32
      %broadcast_in_dim3A_274 = vector.broadcast %broadcast_in_dim3A_273 : i32 to vector<16xi32>
      %gather3A_275 = tpu.vector_load_idx %arg9[%broadcast_in_dim3A_274] : memref<888xf32, #tpu.memory_space<vmem>>[vector<16xi32>], vector<16xf32>,
      %broadcast_in_dim3A_276 = arith.constant 98 : i32
      %broadcast_in_dim3A_277 = vector.broadcast %broadcast_in_dim3A_276 : i32 to vector<16xi32>
      %gather3A_278 = tpu.vector_load_idx %arg9[%broadcast_in_dim3A_277] : memref<888xf32, #tpu.memory_space<vmem>>[vector<16xi32>], vector<16xf32>,
      %broadcast_in_dim3A_279 = arith.constant 99 : i32
      %broadcast_in_dim3A_280 = vector.broadcast %broadcast_in_dim3A_279 : i32 to vector<16xi32>
      %gather3A_281 = tpu.vector_load_idx %arg9[%broadcast_in_dim3A_280] : memref<888xf32, #tpu.memory_space<vmem>>[vector<16xi32>], vector<16xf32>,
      %parallel_loop3A_282 = arith.constant 0 : i32
      %parallel_loop3A_283 = arith.constant 128 : i32
      %parallel_loop3A_284 = arith.constant 1 : i32
      scf.for %parallel_loop3A_458 = %parallel_loop3A_282 to %parallel_loop3A_283 step %parallel_loop3A_284  : i32 {
        %parallel_loop3A_459 = arith.constant 16 : i32
        %parallel_loop3A_460 = arith.divsi %parallel_loop3A_458, %parallel_loop3A_459 : i32
        %parallel_loop3A_461 = arith.constant 0 : i32
        %parallel_loop3A_462 = arith.cmpi sgt, %parallel_loop3A_458, %parallel_loop3A_461 : i32
        %parallel_loop3A_463 = arith.extui %parallel_loop3A_462 : i1 to i32
        %parallel_loop3A_464 = arith.constant 0 : i32
        %parallel_loop3A_465 = arith.cmpi slt, %parallel_loop3A_458, %parallel_loop3A_464 : i32
        %parallel_loop3A_466 = arith.extui %parallel_loop3A_465 : i1 to i32
        %parallel_loop3A_467 = arith.subi %parallel_loop3A_463, %parallel_loop3A_466 : i32
        %parallel_loop3A_468 = arith.constant 0 : i32
        %parallel_loop3A_469 = arith.cmpi sgt, %parallel_loop3A_459, %parallel_loop3A_468 : i32
        %parallel_loop3A_470 = arith.extui %parallel_loop3A_469 : i1 to i32
        %parallel_loop3A_471 = arith.constant 0 : i32
        %parallel_loop3A_472 = arith.cmpi slt, %parallel_loop3A_459, %parallel_loop3A_471 : i32
        %parallel_loop3A_473 = arith.extui %parallel_loop3A_472 : i1 to i32
        %parallel_loop3A_474 = arith.subi %parallel_loop3A_470, %parallel_loop3A_473 : i32
        %parallel_loop3A_475 = arith.cmpi ne, %parallel_loop3A_467, %parallel_loop3A_474 : i32
        %parallel_loop3A_476 = arith.remsi %parallel_loop3A_458, %parallel_loop3A_459 : i32
        %parallel_loop3A_477 = arith.constant 0 : i32
        %parallel_loop3A_478 = arith.cmpi ne, %parallel_loop3A_476, %parallel_loop3A_477 : i32
        %parallel_loop3A_479 = arith.andi %parallel_loop3A_475, %parallel_loop3A_478 : i1
        %parallel_loop3A_480 = arith.constant 1 : i32
        %parallel_loop3A_481 = arith.subi %parallel_loop3A_460, %parallel_loop3A_480 : i32
        %parallel_loop3A_482 = arith.select %parallel_loop3A_479, %parallel_loop3A_481, %parallel_loop3A_460 : i32
        %parallel_loop3A_483 = arith.constant 16 : i32
        %parallel_loop3A_484 = arith.constant 0 : i32
        %parallel_loop3A_485 = arith.cmpi eq, %parallel_loop3A_483, %parallel_loop3A_484 : i32
        %parallel_loop3A_486 = arith.constant 1 : i32
        %parallel_loop3A_487 = arith.select %parallel_loop3A_485, %parallel_loop3A_486, %parallel_loop3A_483 : i32
        %parallel_loop3A_488 = arith.remsi %parallel_loop3A_458, %parallel_loop3A_487 : i32
        %parallel_loop3A_489 = arith.constant 0 : i32
        %parallel_loop3A_490 = arith.cmpi ne, %parallel_loop3A_488, %parallel_loop3A_489 : i32
        %parallel_loop3A_491 = arith.constant 0 : i32
        %parallel_loop3A_492 = arith.cmpi slt, %parallel_loop3A_488, %parallel_loop3A_491 : i32
        %parallel_loop3A_493 = arith.constant 0 : i32
        %parallel_loop3A_494 = arith.cmpi slt, %parallel_loop3A_487, %parallel_loop3A_493 : i32
        %parallel_loop3A_495 = arith.xori %parallel_loop3A_492, %parallel_loop3A_494 : i1
        %parallel_loop3A_496 = arith.andi %parallel_loop3A_495, %parallel_loop3A_490 : i1
        %parallel_loop3A_497 = arith.addi %parallel_loop3A_488, %parallel_loop3A_487 : i32
        %parallel_loop3A_498 = arith.select %parallel_loop3A_496, %parallel_loop3A_497, %parallel_loop3A_488 : i32
        %parallel_loop3A_499 = arith.constant 16 : i32
        %parallel_loop3A_500 = arith.muli %parallel_loop3A_498, %parallel_loop3A_499 : i32
        %parallel_loop3A_501 = arith.index_cast %parallel_loop3A_482 : i32 to index
        %parallel_loop3A_502 = arith.index_cast %parallel_loop3A_500 : i32 to index
        %parallel_loop3A_503 = tpu.vector_load %arg7[%parallel_loop3A_501, %parallel_loop3A_502] {strides = array<i32>} : memref<8x256xf32, #tpu.memory_space<vmem>>, vector<16xf32>,
        %parallel_loop3A_504 = arith.constant 0 : i32
        %parallel_loop3A_505 = arith.index_cast %parallel_loop3A_504 : i32 to index
        %parallel_loop3A_506 = arith.index_cast %parallel_loop3A_482 : i32 to index
        %parallel_loop3A_507 = arith.index_cast %parallel_loop3A_500 : i32 to index
        %parallel_loop3A_508 = tpu.vector_load %arg6[%parallel_loop3A_505, %parallel_loop3A_506, %parallel_loop3A_507] {strides = array<i32>} : memref<7x8x256xf32, #tpu.memory_space<vmem>>, vector<16xf32>,
        %parallel_loop3A_509 = arith.constant 1 : i32
        %parallel_loop3A_510 = arith.index_cast %parallel_loop3A_509 : i32 to index
        %parallel_loop3A_511 = arith.index_cast %parallel_loop3A_482 : i32 to index
        %parallel_loop3A_512 = arith.index_cast %parallel_loop3A_500 : i32 to index
        %parallel_loop3A_513 = tpu.vector_load %arg6[%parallel_loop3A_510, %parallel_loop3A_511, %parallel_loop3A_512] {strides = array<i32>} : memref<7x8x256xf32, #tpu.memory_space<vmem>>, vector<16xf32>,
        %parallel_loop3A_514 = arith.constant 2 : i32
        %parallel_loop3A_515 = arith.index_cast %parallel_loop3A_514 : i32 to index
        %parallel_loop3A_516 = arith.index_cast %parallel_loop3A_482 : i32 to index
        %parallel_loop3A_517 = arith.index_cast %parallel_loop3A_500 : i32 to index
        %parallel_loop3A_518 = tpu.vector_load %arg6[%parallel_loop3A_515, %parallel_loop3A_516, %parallel_loop3A_517] {strides = array<i32>} : memref<7x8x256xf32, #tpu.memory_space<vmem>>, vector<16xf32>,
        %parallel_loop3A_519 = arith.constant 3 : i32
        %parallel_loop3A_520 = arith.index_cast %parallel_loop3A_519 : i32 to index
        %parallel_loop3A_521 = arith.index_cast %parallel_loop3A_482 : i32 to index
        %parallel_loop3A_522 = arith.index_cast %parallel_loop3A_500 : i32 to index
        %parallel_loop3A_523 = tpu.vector_load %arg6[%parallel_loop3A_520, %parallel_loop3A_521, %parallel_loop3A_522] {strides = array<i32>} : memref<7x8x256xf32, #tpu.memory_space<vmem>>, vector<16xf32>,
        %parallel_loop3A_524 = arith.constant 4 : i32
        %parallel_loop3A_525 = arith.index_cast %parallel_loop3A_524 : i32 to index
        %parallel_loop3A_526 = arith.index_cast %parallel_loop3A_482 : i32 to index
        %parallel_loop3A_527 = arith.index_cast %parallel_loop3A_500 : i32 to index
        %parallel_loop3A_528 = tpu.vector_load %arg6[%parallel_loop3A_525, %parallel_loop3A_526, %parallel_loop3A_527] {strides = array<i32>} : memref<7x8x256xf32, #tpu.memory_space<vmem>>, vector<16xf32>,
        %parallel_loop3A_529 = arith.constant 5.000000e-01 : f32
        %parallel_loop3A_530 = vector.broadcast %parallel_loop3A_529 : f32 to vector<16xf32>
        %parallel_loop3A_531 = arith.cmpf oge, %parallel_loop3A_503, %parallel_loop3A_530 : vector<16xf32>
        %parallel_loop3A_532 = arith.select %parallel_loop3A_531, %parallel_loop3A_503, %broadcast_in_dim3A_38 : vector<16xi1>, vector<16xf32>
        %parallel_loop3A_533 = arith.mulf %parallel_loop3A_508, %gather3A_212 : vector<16xf32>
        %parallel_loop3A_534 = arith.mulf %parallel_loop3A_513, %gather3A_215 : vector<16xf32>
        %parallel_loop3A_535 = arith.addf %parallel_loop3A_533, %parallel_loop3A_534 : vector<16xf32>
        %parallel_loop3A_536 = arith.mulf %parallel_loop3A_518, %gather3A_218 : vector<16xf32>
        %parallel_loop3A_537 = arith.addf %parallel_loop3A_535, %parallel_loop3A_536 : vector<16xf32>
        %parallel_loop3A_538 = arith.mulf %parallel_loop3A_523, %gather3A_221 : vector<16xf32>
        %parallel_loop3A_539 = arith.addf %parallel_loop3A_537, %parallel_loop3A_538 : vector<16xf32>
        %parallel_loop3A_540 = arith.mulf %parallel_loop3A_528, %gather3A_224 : vector<16xf32>
        %parallel_loop3A_541 = arith.addf %parallel_loop3A_539, %parallel_loop3A_540 : vector<16xf32>
        %parallel_loop3A_542 = arith.mulf %parallel_loop3A_541, %parallel_loop3A_503 : vector<16xf32>
        %parallel_loop3A_543 = arith.addf %parallel_loop3A_542, %gather3A_272 : vector<16xf32>
        %parallel_loop3A_544 = arith.constant 0.000000e+00 : f32
        %parallel_loop3A_545 = vector.broadcast %parallel_loop3A_544 : f32 to vector<16xf32>
        %parallel_loop3A_546 = arith.maximumf %parallel_loop3A_543, %parallel_loop3A_545 : vector<16xf32>
        %parallel_loop3A_547 = arith.mulf %parallel_loop3A_546, %parallel_loop3A_532 : vector<16xf32>
        %parallel_loop3A_548 = arith.constant 8 : i32
        %parallel_loop3A_549 = arith.index_cast %parallel_loop3A_548 : i32 to index
        %parallel_loop3A_550 = arith.index_cast %parallel_loop3A_482 : i32 to index
        %parallel_loop3A_551 = arith.index_cast %parallel_loop3A_500 : i32 to index
        %parallel_loop3A_552 = tpu.vector_load %arg8[%parallel_loop3A_549, %parallel_loop3A_550, %parallel_loop3A_551] {strides = array<i32>} : memref<28x8x256xf32, #tpu.memory_space<vmem>>, vector<16xf32>,
        tpu.vector_store %arg8[%parallel_loop3A_549, %parallel_loop3A_550, %parallel_loop3A_551], %parallel_loop3A_547 {strides = array<i32>} : memref<28x8x256xf32, #tpu.memory_space<vmem>>, vector<16xf32>,
        %parallel_loop3A_553 = arith.mulf %parallel_loop3A_508, %gather3A_227 : vector<16xf32>
        %parallel_loop3A_554 = arith.mulf %parallel_loop3A_513, %gather3A_230 : vector<16xf32>
        %parallel_loop3A_555 = arith.addf %parallel_loop3A_553, %parallel_loop3A_554 : vector<16xf32>
        %parallel_loop3A_556 = arith.mulf %parallel_loop3A_518, %gather3A_233 : vector<16xf32>
        %parallel_loop3A_557 = arith.addf %parallel_loop3A_555, %parallel_loop3A_556 : vector<16xf32>
        %parallel_loop3A_558 = arith.mulf %parallel_loop3A_523, %gather3A_236 : vector<16xf32>
        %parallel_loop3A_559 = arith.addf %parallel_loop3A_557, %parallel_loop3A_558 : vector<16xf32>
        %parallel_loop3A_560 = arith.mulf %parallel_loop3A_528, %gather3A_239 : vector<16xf32>
        %parallel_loop3A_561 = arith.addf %parallel_loop3A_559, %parallel_loop3A_560 : vector<16xf32>
        %parallel_loop3A_562 = arith.mulf %parallel_loop3A_561, %parallel_loop3A_503 : vector<16xf32>
        %parallel_loop3A_563 = arith.addf %parallel_loop3A_562, %gather3A_275 : vector<16xf32>
        %parallel_loop3A_564 = arith.constant 0.000000e+00 : f32
        %parallel_loop3A_565 = vector.broadcast %parallel_loop3A_564 : f32 to vector<16xf32>
        %parallel_loop3A_566 = arith.maximumf %parallel_loop3A_563, %parallel_loop3A_565 : vector<16xf32>
        %parallel_loop3A_567 = arith.mulf %parallel_loop3A_566, %parallel_loop3A_532 : vector<16xf32>
        %parallel_loop3A_568 = arith.constant 9 : i32
        %parallel_loop3A_569 = arith.index_cast %parallel_loop3A_568 : i32 to index
        %parallel_loop3A_570 = arith.index_cast %parallel_loop3A_482 : i32 to index
        %parallel_loop3A_571 = arith.index_cast %parallel_loop3A_500 : i32 to index
        %parallel_loop3A_572 = tpu.vector_load %arg8[%parallel_loop3A_569, %parallel_loop3A_570, %parallel_loop3A_571] {strides = array<i32>} : memref<28x8x256xf32, #tpu.memory_space<vmem>>, vector<16xf32>,
        tpu.vector_store %arg8[%parallel_loop3A_569, %parallel_loop3A_570, %parallel_loop3A_571], %parallel_loop3A_567 {strides = array<i32>} : memref<28x8x256xf32, #tpu.memory_space<vmem>>, vector<16xf32>,
        %parallel_loop3A_573 = arith.mulf %parallel_loop3A_508, %gather3A_242 : vector<16xf32>
        %parallel_loop3A_574 = arith.mulf %parallel_loop3A_513, %gather3A_245 : vector<16xf32>
        %parallel_loop3A_575 = arith.addf %parallel_loop3A_573, %parallel_loop3A_574 : vector<16xf32>
        %parallel_loop3A_576 = arith.mulf %parallel_loop3A_518, %gather3A_248 : vector<16xf32>
        %parallel_loop3A_577 = arith.addf %parallel_loop3A_575, %parallel_loop3A_576 : vector<16xf32>
        %parallel_loop3A_578 = arith.mulf %parallel_loop3A_523, %gather3A_251 : vector<16xf32>
        %parallel_loop3A_579 = arith.addf %parallel_loop3A_577, %parallel_loop3A_578 : vector<16xf32>
        %parallel_loop3A_580 = arith.mulf %parallel_loop3A_528, %gather3A_254 : vector<16xf32>
        %parallel_loop3A_581 = arith.addf %parallel_loop3A_579, %parallel_loop3A_580 : vector<16xf32>
        %parallel_loop3A_582 = arith.mulf %parallel_loop3A_581, %parallel_loop3A_503 : vector<16xf32>
        %parallel_loop3A_583 = arith.addf %parallel_loop3A_582, %gather3A_278 : vector<16xf32>
        %parallel_loop3A_584 = arith.constant 0.000000e+00 : f32
        %parallel_loop3A_585 = vector.broadcast %parallel_loop3A_584 : f32 to vector<16xf32>
        %parallel_loop3A_586 = arith.maximumf %parallel_loop3A_583, %parallel_loop3A_585 : vector<16xf32>
        %parallel_loop3A_587 = arith.mulf %parallel_loop3A_586, %parallel_loop3A_532 : vector<16xf32>
        %parallel_loop3A_588 = arith.constant 10 : i32
        %parallel_loop3A_589 = arith.index_cast %parallel_loop3A_588 : i32 to index
        %parallel_loop3A_590 = arith.index_cast %parallel_loop3A_482 : i32 to index
        %parallel_loop3A_591 = arith.index_cast %parallel_loop3A_500 : i32 to index
        %parallel_loop3A_592 = tpu.vector_load %arg8[%parallel_loop3A_589, %parallel_loop3A_590, %parallel_loop3A_591] {strides = array<i32>} : memref<28x8x256xf32, #tpu.memory_space<vmem>>, vector<16xf32>,
        tpu.vector_store %arg8[%parallel_loop3A_589, %parallel_loop3A_590, %parallel_loop3A_591], %parallel_loop3A_587 {strides = array<i32>} : memref<28x8x256xf32, #tpu.memory_space<vmem>>, vector<16xf32>,
        %parallel_loop3A_593 = arith.mulf %parallel_loop3A_508, %gather3A_257 : vector<16xf32>
        %parallel_loop3A_594 = arith.mulf %parallel_loop3A_513, %gather3A_260 : vector<16xf32>
        %parallel_loop3A_595 = arith.addf %parallel_loop3A_593, %parallel_loop3A_594 : vector<16xf32>
        %parallel_loop3A_596 = arith.mulf %parallel_loop3A_518, %gather3A_263 : vector<16xf32>
        %parallel_loop3A_597 = arith.addf %parallel_loop3A_595, %parallel_loop3A_596 : vector<16xf32>
        %parallel_loop3A_598 = arith.mulf %parallel_loop3A_523, %gather3A_266 : vector<16xf32>
        %parallel_loop3A_599 = arith.addf %parallel_loop3A_597, %parallel_loop3A_598 : vector<16xf32>
        %parallel_loop3A_600 = arith.mulf %parallel_loop3A_528, %gather3A_269 : vector<16xf32>
        %parallel_loop3A_601 = arith.addf %parallel_loop3A_599, %parallel_loop3A_600 : vector<16xf32>
        %parallel_loop3A_602 = arith.mulf %parallel_loop3A_601, %parallel_loop3A_503 : vector<16xf32>
        %parallel_loop3A_603 = arith.addf %parallel_loop3A_602, %gather3A_281 : vector<16xf32>
        %parallel_loop3A_604 = arith.constant 0.000000e+00 : f32
        %parallel_loop3A_605 = vector.broadcast %parallel_loop3A_604 : f32 to vector<16xf32>
        %parallel_loop3A_606 = arith.maximumf %parallel_loop3A_603, %parallel_loop3A_605 : vector<16xf32>
        %parallel_loop3A_607 = arith.mulf %parallel_loop3A_606, %parallel_loop3A_532 : vector<16xf32>
        %parallel_loop3A_608 = arith.constant 11 : i32
        %parallel_loop3A_609 = arith.index_cast %parallel_loop3A_608 : i32 to index
        %parallel_loop3A_610 = arith.index_cast %parallel_loop3A_482 : i32 to index
        %parallel_loop3A_611 = arith.index_cast %parallel_loop3A_500 : i32 to index
        %parallel_loop3A_612 = tpu.vector_load %arg8[%parallel_loop3A_609, %parallel_loop3A_610, %parallel_loop3A_611] {strides = array<i32>} : memref<28x8x256xf32, #tpu.memory_space<vmem>>, vector<16xf32>,
        tpu.vector_store %arg8[%parallel_loop3A_609, %parallel_loop3A_610, %parallel_loop3A_611], %parallel_loop3A_607 {strides = array<i32>} : memref<28x8x256xf32, #tpu.memory_space<vmem>>, vector<16xf32>,
      } {sc.loop_unroll_factor = 2 : i64, sc.parallel_access}
      %dma_start3A_285 = arith.constant 8 : i32
      %dma_start3A_286 = arith.constant 0 : i32
      %dma_start3A_287 = arith.constant 0 : i32
      %dma_start3A_288 = tpu.memref_slice %arg8[%dma_start3A_285, %dma_start3A_286, %dma_start3A_287] : memref<28x8x256xf32, #tpu.memory_space<vmem>> -> memref<4x8x256xf32, #tpu.memory_space<vmem>>
      %dma_start3A_289 = arith.constant 8 : i32
      %dma_start3A_290 = tpu.memref_slice %arg5[%dma_start3A_289, %mul3A_20, %mul3A_37] : memref<28x50x1024xf32, #tpu.memory_space<hbm>> -> memref<4x8x256xf32, #tpu.memory_space<hbm>>
      %dma_start3A_291 = arith.constant 8 : i32
      %dma_start3A_292 = tpu.memref_slice %arg5[%dma_start3A_291, %mul3A_20, %mul3A_37] : memref<28x50x1024xf32, #tpu.memory_space<hbm>> -> memref<4x8x256xf32, #tpu.memory_space<hbm>>
      %dma_start3A_293 = arith.constant 8 : i32
      %dma_start3A_294 = arith.constant 0 : i32
      %dma_start3A_295 = arith.constant 0 : i32
      %dma_start3A_296 = tpu.memref_slice %arg8[%dma_start3A_293, %dma_start3A_294, %dma_start3A_295] : memref<28x8x256xf32, #tpu.memory_space<vmem>> -> memref<4x8x256xf32, #tpu.memory_space<vmem>>
      tpu.enqueue_dma source(%dma_start3A_296 : memref<4x8x256xf32, #tpu.memory_space<vmem>>) target(%dma_start3A_292 : memref<4x8x256xf32, #tpu.memory_space<hbm>>) target_semaphore(%arg10 : memref<!tpu.dma_semaphore, #tpu.memory_space<semaphore_mem>>)
      %broadcast_in_dim3A_297 = arith.constant 68 : i32
      %broadcast_in_dim3A_298 = vector.broadcast %broadcast_in_dim3A_297 : i32 to vector<16xi32>
      %gather3A_299 = tpu.vector_load_idx %arg9[%broadcast_in_dim3A_298] : memref<888xf32, #tpu.memory_space<vmem>>[vector<16xi32>], vector<16xf32>,
      %broadcast_in_dim3A_300 = arith.constant 69 : i32
      %broadcast_in_dim3A_301 = vector.broadcast %broadcast_in_dim3A_300 : i32 to vector<16xi32>
      %gather3A_302 = tpu.vector_load_idx %arg9[%broadcast_in_dim3A_301] : memref<888xf32, #tpu.memory_space<vmem>>[vector<16xi32>], vector<16xf32>,
      %broadcast_in_dim3A_303 = arith.constant 70 : i32
      %broadcast_in_dim3A_304 = vector.broadcast %broadcast_in_dim3A_303 : i32 to vector<16xi32>
      %gather3A_305 = tpu.vector_load_idx %arg9[%broadcast_in_dim3A_304] : memref<888xf32, #tpu.memory_space<vmem>>[vector<16xi32>], vector<16xf32>,
      %broadcast_in_dim3A_306 = arith.constant 71 : i32
      %broadcast_in_dim3A_307 = vector.broadcast %broadcast_in_dim3A_306 : i32 to vector<16xi32>
      %gather3A_308 = tpu.vector_load_idx %arg9[%broadcast_in_dim3A_307] : memref<888xf32, #tpu.memory_space<vmem>>[vector<16xi32>], vector<16xf32>,
      %broadcast_in_dim3A_309 = arith.constant 72 : i32
      %broadcast_in_dim3A_310 = vector.broadcast %broadcast_in_dim3A_309 : i32 to vector<16xi32>
      %gather3A_311 = tpu.vector_load_idx %arg9[%broadcast_in_dim3A_310] : memref<888xf32, #tpu.memory_space<vmem>>[vector<16xi32>], vector<16xf32>,
      %broadcast_in_dim3A_312 = arith.constant 73 : i32
      %broadcast_in_dim3A_313 = vector.broadcast %broadcast_in_dim3A_312 : i32 to vector<16xi32>
      %gather3A_314 = tpu.vector_load_idx %arg9[%broadcast_in_dim3A_313] : memref<888xf32, #tpu.memory_space<vmem>>[vector<16xi32>], vector<16xf32>,
      %broadcast_in_dim3A_315 = arith.constant 74 : i32
      %broadcast_in_dim3A_316 = vector.broadcast %broadcast_in_dim3A_315 : i32 to vector<16xi32>
      %gather3A_317 = tpu.vector_load_idx %arg9[%broadcast_in_dim3A_316] : memref<888xf32, #tpu.memory_space<vmem>>[vector<16xi32>], vector<16xf32>,
      %broadcast_in_dim3A_318 = arith.constant 75 : i32
      %broadcast_in_dim3A_319 = vector.broadcast %broadcast_in_dim3A_318 : i32 to vector<16xi32>
      %gather3A_320 = tpu.vector_load_idx %arg9[%broadcast_in_dim3A_319] : memref<888xf32, #tpu.memory_space<vmem>>[vector<16xi32>], vector<16xf32>,
      %broadcast_in_dim3A_321 = arith.constant 76 : i32
      %broadcast_in_dim3A_322 = vector.broadcast %broadcast_in_dim3A_321 : i32 to vector<16xi32>
      %gather3A_323 = tpu.vector_load_idx %arg9[%broadcast_in_dim3A_322] : memref<888xf32, #tpu.memory_space<vmem>>[vector<16xi32>], vector<16xf32>,
      %broadcast_in_dim3A_324 = arith.constant 77 : i32
      %broadcast_in_dim3A_325 = vector.broadcast %broadcast_in_dim3A_324 : i32 to vector<16xi32>
      %gather3A_326 = tpu.vector_load_idx %arg9[%broadcast_in_dim3A_325] : memref<888xf32, #tpu.memory_space<vmem>>[vector<16xi32>], vector<16xf32>,
      %broadcast_in_dim3A_327 = arith.constant 78 : i32
      %broadcast_in_dim3A_328 = vector.broadcast %broadcast_in_dim3A_327 : i32 to vector<16xi32>
      %gather3A_329 = tpu.vector_load_idx %arg9[%broadcast_in_dim3A_328] : memref<888xf32, #tpu.memory_space<vmem>>[vector<16xi32>], vector<16xf32>,
      %broadcast_in_dim3A_330 = arith.constant 79 : i32
      %broadcast_in_dim3A_331 = vector.broadcast %broadcast_in_dim3A_330 : i32 to vector<16xi32>
      %gather3A_332 = tpu.vector_load_idx %arg9[%broadcast_in_dim3A_331] : memref<888xf32, #tpu.memory_space<vmem>>[vector<16xi32>], vector<16xf32>,
      %broadcast_in_dim3A_333 = arith.constant 80 : i32
      %broadcast_in_dim3A_334 = vector.broadcast %broadcast_in_dim3A_333 : i32 to vector<16xi32>
      %gather3A_335 = tpu.vector_load_idx %arg9[%broadcast_in_dim3A_334] : memref<888xf32, #tpu.memory_space<vmem>>[vector<16xi32>], vector<16xf32>,
      %broadcast_in_dim3A_336 = arith.constant 81 : i32
      %broadcast_in_dim3A_337 = vector.broadcast %broadcast_in_dim3A_336 : i32 to vector<16xi32>
      %gather3A_338 = tpu.vector_load_idx %arg9[%broadcast_in_dim3A_337] : memref<888xf32, #tpu.memory_space<vmem>>[vector<16xi32>], vector<16xf32>,
      %broadcast_in_dim3A_339 = arith.constant 82 : i32
      %broadcast_in_dim3A_340 = vector.broadcast %broadcast_in_dim3A_339 : i32 to vector<16xi32>
      %gather3A_341 = tpu.vector_load_idx %arg9[%broadcast_in_dim3A_340] : memref<888xf32, #tpu.memory_space<vmem>>[vector<16xi32>], vector<16xf32>,
      %broadcast_in_dim3A_342 = arith.constant 83 : i32
      %broadcast_in_dim3A_343 = vector.broadcast %broadcast_in_dim3A_342 : i32 to vector<16xi32>
      %gather3A_344 = tpu.vector_load_idx %arg9[%broadcast_in_dim3A_343] : memref<888xf32, #tpu.memory_space<vmem>>[vector<16xi32>], vector<16xf32>,
      %broadcast_in_dim3A_345 = arith.constant 84 : i32
      %broadcast_in_dim3A_346 = vector.broadcast %broadcast_in_dim3A_345 : i32 to vector<16xi32>
      %gather3A_347 = tpu.vector_load_idx %arg9[%broadcast_in_dim3A_346] : memref<888xf32, #tpu.memory_space<vmem>>[vector<16xi32>], vector<16xf32>,
      %broadcast_in_dim3A_348 = arith.constant 85 : i32
      %broadcast_in_dim3A_349 = vector.broadcast %broadcast_in_dim3A_348 : i32 to vector<16xi32>
      %gather3A_350 = tpu.vector_load_idx %arg9[%broadcast_in_dim3A_349] : memref<888xf32, #tpu.memory_space<vmem>>[vector<16xi32>], vector<16xf32>,
      %broadcast_in_dim3A_351 = arith.constant 86 : i32
      %broadcast_in_dim3A_352 = vector.broadcast %broadcast_in_dim3A_351 : i32 to vector<16xi32>
      %gather3A_353 = tpu.vector_load_idx %arg9[%broadcast_in_dim3A_352] : memref<888xf32, #tpu.memory_space<vmem>>[vector<16xi32>], vector<16xf32>,
      %broadcast_in_dim3A_354 = arith.constant 87 : i32
      %broadcast_in_dim3A_355 = vector.broadcast %broadcast_in_dim3A_354 : i32 to vector<16xi32>
      %gather3A_356 = tpu.vector_load_idx %arg9[%broadcast_in_dim3A_355] : memref<888xf32, #tpu.memory_space<vmem>>[vector<16xi32>], vector<16xf32>,
      %broadcast_in_dim3A_357 = arith.constant 100 : i32
      %broadcast_in_dim3A_358 = vector.broadcast %broadcast_in_dim3A_357 : i32 to vector<16xi32>
      %gather3A_359 = tpu.vector_load_idx %arg9[%broadcast_in_dim3A_358] : memref<888xf32, #tpu.memory_space<vmem>>[vector<16xi32>], vector<16xf32>,
      %broadcast_in_dim3A_360 = arith.constant 101 : i32
      %broadcast_in_dim3A_361 = vector.broadcast %broadcast_in_dim3A_360 : i32 to vector<16xi32>
      %gather3A_362 = tpu.vector_load_idx %arg9[%broadcast_in_dim3A_361] : memref<888xf32, #tpu.memory_space<vmem>>[vector<16xi32>], vector<16xf32>,
      %broadcast_in_dim3A_363 = arith.constant 102 : i32
      %broadcast_in_dim3A_364 = vector.broadcast %broadcast_in_dim3A_363 : i32 to vector<16xi32>
      %gather3A_365 = tpu.vector_load_idx %arg9[%broadcast_in_dim3A_364] : memref<888xf32, #tpu.memory_space<vmem>>[vector<16xi32>], vector<16xf32>,
      %broadcast_in_dim3A_366 = arith.constant 103 : i32
      %broadcast_in_dim3A_367 = vector.broadcast %broadcast_in_dim3A_366 : i32 to vector<16xi32>
      %gather3A_368 = tpu.vector_load_idx %arg9[%broadcast_in_dim3A_367] : memref<888xf32, #tpu.memory_space<vmem>>[vector<16xi32>], vector<16xf32>,
      %parallel_loop3A_369 = arith.constant 0 : i32
      %parallel_loop3A_370 = arith.constant 128 : i32
      %parallel_loop3A_371 = arith.constant 1 : i32
      scf.for %parallel_loop3A_458 = %parallel_loop3A_369 to %parallel_loop3A_370 step %parallel_loop3A_371  : i32 {
        %parallel_loop3A_459 = arith.constant 16 : i32
        %parallel_loop3A_460 = arith.divsi %parallel_loop3A_458, %parallel_loop3A_459 : i32
        %parallel_loop3A_461 = arith.constant 0 : i32
        %parallel_loop3A_462 = arith.cmpi sgt, %parallel_loop3A_458, %parallel_loop3A_461 : i32
        %parallel_loop3A_463 = arith.extui %parallel_loop3A_462 : i1 to i32
        %parallel_loop3A_464 = arith.constant 0 : i32
        %parallel_loop3A_465 = arith.cmpi slt, %parallel_loop3A_458, %parallel_loop3A_464 : i32
        %parallel_loop3A_466 = arith.extui %parallel_loop3A_465 : i1 to i32
        %parallel_loop3A_467 = arith.subi %parallel_loop3A_463, %parallel_loop3A_466 : i32
        %parallel_loop3A_468 = arith.constant 0 : i32
        %parallel_loop3A_469 = arith.cmpi sgt, %parallel_loop3A_459, %parallel_loop3A_468 : i32
        %parallel_loop3A_470 = arith.extui %parallel_loop3A_469 : i1 to i32
        %parallel_loop3A_471 = arith.constant 0 : i32
        %parallel_loop3A_472 = arith.cmpi slt, %parallel_loop3A_459, %parallel_loop3A_471 : i32
        %parallel_loop3A_473 = arith.extui %parallel_loop3A_472 : i1 to i32
        %parallel_loop3A_474 = arith.subi %parallel_loop3A_470, %parallel_loop3A_473 : i32
        %parallel_loop3A_475 = arith.cmpi ne, %parallel_loop3A_467, %parallel_loop3A_474 : i32
        %parallel_loop3A_476 = arith.remsi %parallel_loop3A_458, %parallel_loop3A_459 : i32
        %parallel_loop3A_477 = arith.constant 0 : i32
        %parallel_loop3A_478 = arith.cmpi ne, %parallel_loop3A_476, %parallel_loop3A_477 : i32
        %parallel_loop3A_479 = arith.andi %parallel_loop3A_475, %parallel_loop3A_478 : i1
        %parallel_loop3A_480 = arith.constant 1 : i32
        %parallel_loop3A_481 = arith.subi %parallel_loop3A_460, %parallel_loop3A_480 : i32
        %parallel_loop3A_482 = arith.select %parallel_loop3A_479, %parallel_loop3A_481, %parallel_loop3A_460 : i32
        %parallel_loop3A_483 = arith.constant 16 : i32
        %parallel_loop3A_484 = arith.constant 0 : i32
        %parallel_loop3A_485 = arith.cmpi eq, %parallel_loop3A_483, %parallel_loop3A_484 : i32
        %parallel_loop3A_486 = arith.constant 1 : i32
        %parallel_loop3A_487 = arith.select %parallel_loop3A_485, %parallel_loop3A_486, %parallel_loop3A_483 : i32
        %parallel_loop3A_488 = arith.remsi %parallel_loop3A_458, %parallel_loop3A_487 : i32
        %parallel_loop3A_489 = arith.constant 0 : i32
        %parallel_loop3A_490 = arith.cmpi ne, %parallel_loop3A_488, %parallel_loop3A_489 : i32
        %parallel_loop3A_491 = arith.constant 0 : i32
        %parallel_loop3A_492 = arith.cmpi slt, %parallel_loop3A_488, %parallel_loop3A_491 : i32
        %parallel_loop3A_493 = arith.constant 0 : i32
        %parallel_loop3A_494 = arith.cmpi slt, %parallel_loop3A_487, %parallel_loop3A_493 : i32
        %parallel_loop3A_495 = arith.xori %parallel_loop3A_492, %parallel_loop3A_494 : i1
        %parallel_loop3A_496 = arith.andi %parallel_loop3A_495, %parallel_loop3A_490 : i1
        %parallel_loop3A_497 = arith.addi %parallel_loop3A_488, %parallel_loop3A_487 : i32
        %parallel_loop3A_498 = arith.select %parallel_loop3A_496, %parallel_loop3A_497, %parallel_loop3A_488 : i32
        %parallel_loop3A_499 = arith.constant 16 : i32
        %parallel_loop3A_500 = arith.muli %parallel_loop3A_498, %parallel_loop3A_499 : i32
        %parallel_loop3A_501 = arith.index_cast %parallel_loop3A_482 : i32 to index
        %parallel_loop3A_502 = arith.index_cast %parallel_loop3A_500 : i32 to index
        %parallel_loop3A_503 = tpu.vector_load %arg7[%parallel_loop3A_501, %parallel_loop3A_502] {strides = array<i32>} : memref<8x256xf32, #tpu.memory_space<vmem>>, vector<16xf32>,
        %parallel_loop3A_504 = arith.constant 0 : i32
        %parallel_loop3A_505 = arith.index_cast %parallel_loop3A_504 : i32 to index
        %parallel_loop3A_506 = arith.index_cast %parallel_loop3A_482 : i32 to index
        %parallel_loop3A_507 = arith.index_cast %parallel_loop3A_500 : i32 to index
        %parallel_loop3A_508 = tpu.vector_load %arg6[%parallel_loop3A_505, %parallel_loop3A_506, %parallel_loop3A_507] {strides = array<i32>} : memref<7x8x256xf32, #tpu.memory_space<vmem>>, vector<16xf32>,
        %parallel_loop3A_509 = arith.constant 1 : i32
        %parallel_loop3A_510 = arith.index_cast %parallel_loop3A_509 : i32 to index
        %parallel_loop3A_511 = arith.index_cast %parallel_loop3A_482 : i32 to index
        %parallel_loop3A_512 = arith.index_cast %parallel_loop3A_500 : i32 to index
        %parallel_loop3A_513 = tpu.vector_load %arg6[%parallel_loop3A_510, %parallel_loop3A_511, %parallel_loop3A_512] {strides = array<i32>} : memref<7x8x256xf32, #tpu.memory_space<vmem>>, vector<16xf32>,
        %parallel_loop3A_514 = arith.constant 2 : i32
        %parallel_loop3A_515 = arith.index_cast %parallel_loop3A_514 : i32 to index
        %parallel_loop3A_516 = arith.index_cast %parallel_loop3A_482 : i32 to index
        %parallel_loop3A_517 = arith.index_cast %parallel_loop3A_500 : i32 to index
        %parallel_loop3A_518 = tpu.vector_load %arg6[%parallel_loop3A_515, %parallel_loop3A_516, %parallel_loop3A_517] {strides = array<i32>} : memref<7x8x256xf32, #tpu.memory_space<vmem>>, vector<16xf32>,
        %parallel_loop3A_519 = arith.constant 3 : i32
        %parallel_loop3A_520 = arith.index_cast %parallel_loop3A_519 : i32 to index
        %parallel_loop3A_521 = arith.index_cast %parallel_loop3A_482 : i32 to index
        %parallel_loop3A_522 = arith.index_cast %parallel_loop3A_500 : i32 to index
        %parallel_loop3A_523 = tpu.vector_load %arg6[%parallel_loop3A_520, %parallel_loop3A_521, %parallel_loop3A_522] {strides = array<i32>} : memref<7x8x256xf32, #tpu.memory_space<vmem>>, vector<16xf32>,
        %parallel_loop3A_524 = arith.constant 4 : i32
        %parallel_loop3A_525 = arith.index_cast %parallel_loop3A_524 : i32 to index
        %parallel_loop3A_526 = arith.index_cast %parallel_loop3A_482 : i32 to index
        %parallel_loop3A_527 = arith.index_cast %parallel_loop3A_500 : i32 to index
        %parallel_loop3A_528 = tpu.vector_load %arg6[%parallel_loop3A_525, %parallel_loop3A_526, %parallel_loop3A_527] {strides = array<i32>} : memref<7x8x256xf32, #tpu.memory_space<vmem>>, vector<16xf32>,
        %parallel_loop3A_529 = arith.constant 5.000000e-01 : f32
        %parallel_loop3A_530 = vector.broadcast %parallel_loop3A_529 : f32 to vector<16xf32>
        %parallel_loop3A_531 = arith.cmpf oge, %parallel_loop3A_503, %parallel_loop3A_530 : vector<16xf32>
        %parallel_loop3A_532 = arith.select %parallel_loop3A_531, %parallel_loop3A_503, %broadcast_in_dim3A_38 : vector<16xi1>, vector<16xf32>
        %parallel_loop3A_533 = arith.mulf %parallel_loop3A_508, %gather3A_299 : vector<16xf32>
        %parallel_loop3A_534 = arith.mulf %parallel_loop3A_513, %gather3A_302 : vector<16xf32>
        %parallel_loop3A_535 = arith.addf %parallel_loop3A_533, %parallel_loop3A_534 : vector<16xf32>
        %parallel_loop3A_536 = arith.mulf %parallel_loop3A_518, %gather3A_305 : vector<16xf32>
        %parallel_loop3A_537 = arith.addf %parallel_loop3A_535, %parallel_loop3A_536 : vector<16xf32>
        %parallel_loop3A_538 = arith.mulf %parallel_loop3A_523, %gather3A_308 : vector<16xf32>
        %parallel_loop3A_539 = arith.addf %parallel_loop3A_537, %parallel_loop3A_538 : vector<16xf32>
        %parallel_loop3A_540 = arith.mulf %parallel_loop3A_528, %gather3A_311 : vector<16xf32>
        %parallel_loop3A_541 = arith.addf %parallel_loop3A_539, %parallel_loop3A_540 : vector<16xf32>
        %parallel_loop3A_542 = arith.mulf %parallel_loop3A_541, %parallel_loop3A_503 : vector<16xf32>
        %parallel_loop3A_543 = arith.addf %parallel_loop3A_542, %gather3A_359 : vector<16xf32>
        %parallel_loop3A_544 = arith.constant 0.000000e+00 : f32
        %parallel_loop3A_545 = vector.broadcast %parallel_loop3A_544 : f32 to vector<16xf32>
        %parallel_loop3A_546 = arith.maximumf %parallel_loop3A_543, %parallel_loop3A_545 : vector<16xf32>
        %parallel_loop3A_547 = arith.mulf %parallel_loop3A_546, %parallel_loop3A_532 : vector<16xf32>
        %parallel_loop3A_548 = arith.constant 12 : i32
        %parallel_loop3A_549 = arith.index_cast %parallel_loop3A_548 : i32 to index
        %parallel_loop3A_550 = arith.index_cast %parallel_loop3A_482 : i32 to index
        %parallel_loop3A_551 = arith.index_cast %parallel_loop3A_500 : i32 to index
        %parallel_loop3A_552 = tpu.vector_load %arg8[%parallel_loop3A_549, %parallel_loop3A_550, %parallel_loop3A_551] {strides = array<i32>} : memref<28x8x256xf32, #tpu.memory_space<vmem>>, vector<16xf32>,
        tpu.vector_store %arg8[%parallel_loop3A_549, %parallel_loop3A_550, %parallel_loop3A_551], %parallel_loop3A_547 {strides = array<i32>} : memref<28x8x256xf32, #tpu.memory_space<vmem>>, vector<16xf32>,
        %parallel_loop3A_553 = arith.mulf %parallel_loop3A_508, %gather3A_314 : vector<16xf32>
        %parallel_loop3A_554 = arith.mulf %parallel_loop3A_513, %gather3A_317 : vector<16xf32>
        %parallel_loop3A_555 = arith.addf %parallel_loop3A_553, %parallel_loop3A_554 : vector<16xf32>
        %parallel_loop3A_556 = arith.mulf %parallel_loop3A_518, %gather3A_320 : vector<16xf32>
        %parallel_loop3A_557 = arith.addf %parallel_loop3A_555, %parallel_loop3A_556 : vector<16xf32>
        %parallel_loop3A_558 = arith.mulf %parallel_loop3A_523, %gather3A_323 : vector<16xf32>
        %parallel_loop3A_559 = arith.addf %parallel_loop3A_557, %parallel_loop3A_558 : vector<16xf32>
        %parallel_loop3A_560 = arith.mulf %parallel_loop3A_528, %gather3A_326 : vector<16xf32>
        %parallel_loop3A_561 = arith.addf %parallel_loop3A_559, %parallel_loop3A_560 : vector<16xf32>
        %parallel_loop3A_562 = arith.mulf %parallel_loop3A_561, %parallel_loop3A_503 : vector<16xf32>
        %parallel_loop3A_563 = arith.addf %parallel_loop3A_562, %gather3A_362 : vector<16xf32>
        %parallel_loop3A_564 = arith.constant 0.000000e+00 : f32
        %parallel_loop3A_565 = vector.broadcast %parallel_loop3A_564 : f32 to vector<16xf32>
        %parallel_loop3A_566 = arith.maximumf %parallel_loop3A_563, %parallel_loop3A_565 : vector<16xf32>
        %parallel_loop3A_567 = arith.mulf %parallel_loop3A_566, %parallel_loop3A_532 : vector<16xf32>
        %parallel_loop3A_568 = arith.constant 13 : i32
        %parallel_loop3A_569 = arith.index_cast %parallel_loop3A_568 : i32 to index
        %parallel_loop3A_570 = arith.index_cast %parallel_loop3A_482 : i32 to index
        %parallel_loop3A_571 = arith.index_cast %parallel_loop3A_500 : i32 to index
        %parallel_loop3A_572 = tpu.vector_load %arg8[%parallel_loop3A_569, %parallel_loop3A_570, %parallel_loop3A_571] {strides = array<i32>} : memref<28x8x256xf32, #tpu.memory_space<vmem>>, vector<16xf32>,
        tpu.vector_store %arg8[%parallel_loop3A_569, %parallel_loop3A_570, %parallel_loop3A_571], %parallel_loop3A_567 {strides = array<i32>} : memref<28x8x256xf32, #tpu.memory_space<vmem>>, vector<16xf32>,
        %parallel_loop3A_573 = arith.mulf %parallel_loop3A_508, %gather3A_329 : vector<16xf32>
        %parallel_loop3A_574 = arith.mulf %parallel_loop3A_513, %gather3A_332 : vector<16xf32>
        %parallel_loop3A_575 = arith.addf %parallel_loop3A_573, %parallel_loop3A_574 : vector<16xf32>
        %parallel_loop3A_576 = arith.mulf %parallel_loop3A_518, %gather3A_335 : vector<16xf32>
        %parallel_loop3A_577 = arith.addf %parallel_loop3A_575, %parallel_loop3A_576 : vector<16xf32>
        %parallel_loop3A_578 = arith.mulf %parallel_loop3A_523, %gather3A_338 : vector<16xf32>
        %parallel_loop3A_579 = arith.addf %parallel_loop3A_577, %parallel_loop3A_578 : vector<16xf32>
        %parallel_loop3A_580 = arith.mulf %parallel_loop3A_528, %gather3A_341 : vector<16xf32>
        %parallel_loop3A_581 = arith.addf %parallel_loop3A_579, %parallel_loop3A_580 : vector<16xf32>
        %parallel_loop3A_582 = arith.mulf %parallel_loop3A_581, %parallel_loop3A_503 : vector<16xf32>
        %parallel_loop3A_583 = arith.addf %parallel_loop3A_582, %gather3A_365 : vector<16xf32>
        %parallel_loop3A_584 = arith.constant 0.000000e+00 : f32
        %parallel_loop3A_585 = vector.broadcast %parallel_loop3A_584 : f32 to vector<16xf32>
        %parallel_loop3A_586 = arith.maximumf %parallel_loop3A_583, %parallel_loop3A_585 : vector<16xf32>
        %parallel_loop3A_587 = arith.mulf %parallel_loop3A_586, %parallel_loop3A_532 : vector<16xf32>
        %parallel_loop3A_588 = arith.constant 14 : i32
        %parallel_loop3A_589 = arith.index_cast %parallel_loop3A_588 : i32 to index
        %parallel_loop3A_590 = arith.index_cast %parallel_loop3A_482 : i32 to index
        %parallel_loop3A_591 = arith.index_cast %parallel_loop3A_500 : i32 to index
        %parallel_loop3A_592 = tpu.vector_load %arg8[%parallel_loop3A_589, %parallel_loop3A_590, %parallel_loop3A_591] {strides = array<i32>} : memref<28x8x256xf32, #tpu.memory_space<vmem>>, vector<16xf32>,
        tpu.vector_store %arg8[%parallel_loop3A_589, %parallel_loop3A_590, %parallel_loop3A_591], %parallel_loop3A_587 {strides = array<i32>} : memref<28x8x256xf32, #tpu.memory_space<vmem>>, vector<16xf32>,
        %parallel_loop3A_593 = arith.mulf %parallel_loop3A_508, %gather3A_344 : vector<16xf32>
        %parallel_loop3A_594 = arith.mulf %parallel_loop3A_513, %gather3A_347 : vector<16xf32>
        %parallel_loop3A_595 = arith.addf %parallel_loop3A_593, %parallel_loop3A_594 : vector<16xf32>
        %parallel_loop3A_596 = arith.mulf %parallel_loop3A_518, %gather3A_350 : vector<16xf32>
        %parallel_loop3A_597 = arith.addf %parallel_loop3A_595, %parallel_loop3A_596 : vector<16xf32>
        %parallel_loop3A_598 = arith.mulf %parallel_loop3A_523, %gather3A_353 : vector<16xf32>
        %parallel_loop3A_599 = arith.addf %parallel_loop3A_597, %parallel_loop3A_598 : vector<16xf32>
        %parallel_loop3A_600 = arith.mulf %parallel_loop3A_528, %gather3A_356 : vector<16xf32>
        %parallel_loop3A_601 = arith.addf %parallel_loop3A_599, %parallel_loop3A_600 : vector<16xf32>
        %parallel_loop3A_602 = arith.mulf %parallel_loop3A_601, %parallel_loop3A_503 : vector<16xf32>
        %parallel_loop3A_603 = arith.addf %parallel_loop3A_602, %gather3A_368 : vector<16xf32>
        %parallel_loop3A_604 = arith.constant 0.000000e+00 : f32
        %parallel_loop3A_605 = vector.broadcast %parallel_loop3A_604 : f32 to vector<16xf32>
        %parallel_loop3A_606 = arith.maximumf %parallel_loop3A_603, %parallel_loop3A_605 : vector<16xf32>
        %parallel_loop3A_607 = arith.mulf %parallel_loop3A_606, %parallel_loop3A_532 : vector<16xf32>
        %parallel_loop3A_608 = arith.constant 15 : i32
        %parallel_loop3A_609 = arith.index_cast %parallel_loop3A_608 : i32 to index
        %parallel_loop3A_610 = arith.index_cast %parallel_loop3A_482 : i32 to index
        %parallel_loop3A_611 = arith.index_cast %parallel_loop3A_500 : i32 to index
        %parallel_loop3A_612 = tpu.vector_load %arg8[%parallel_loop3A_609, %parallel_loop3A_610, %parallel_loop3A_611] {strides = array<i32>} : memref<28x8x256xf32, #tpu.memory_space<vmem>>, vector<16xf32>,
        tpu.vector_store %arg8[%parallel_loop3A_609, %parallel_loop3A_610, %parallel_loop3A_611], %parallel_loop3A_607 {strides = array<i32>} : memref<28x8x256xf32, #tpu.memory_space<vmem>>, vector<16xf32>,
      } {sc.loop_unroll_factor = 2 : i64, sc.parallel_access}
      %dma_start3A_372 = arith.constant 12 : i32
      %dma_start3A_373 = arith.constant 0 : i32
      %dma_start3A_374 = arith.constant 0 : i32
      %dma_start3A_375 = tpu.memref_slice %arg8[%dma_start3A_372, %dma_start3A_373, %dma_start3A_374] : memref<28x8x256xf32, #tpu.memory_space<vmem>> -> memref<4x8x256xf32, #tpu.memory_space<vmem>>
      %dma_start3A_376 = arith.constant 12 : i32
      %dma_start3A_377 = tpu.memref_slice %arg5[%dma_start3A_376, %mul3A_20, %mul3A_37] : memref<28x50x1024xf32, #tpu.memory_space<hbm>> -> memref<4x8x256xf32, #tpu.memory_space<hbm>>
      %dma_start3A_378 = arith.constant 12 : i32
      %dma_start3A_379 = tpu.memref_slice %arg5[%dma_start3A_378, %mul3A_20, %mul3A_37] : memref<28x50x1024xf32, #tpu.memory_space<hbm>> -> memref<4x8x256xf32, #tpu.memory_space<hbm>>
      %dma_start3A_380 = arith.constant 12 : i32
      %dma_start3A_381 = arith.constant 0 : i32
      %dma_start3A_382 = arith.constant 0 : i32
      %dma_start3A_383 = tpu.memref_slice %arg8[%dma_start3A_380, %dma_start3A_381, %dma_start3A_382] : memref<28x8x256xf32, #tpu.memory_space<vmem>> -> memref<4x8x256xf32, #tpu.memory_space<vmem>>
      tpu.enqueue_dma source(%dma_start3A_383 : memref<4x8x256xf32, #tpu.memory_space<vmem>>) target(%dma_start3A_379 : memref<4x8x256xf32, #tpu.memory_space<hbm>>) target_semaphore(%arg10 : memref<!tpu.dma_semaphore, #tpu.memory_space<semaphore_mem>>)
      %parallel_loop3A_384 = arith.constant 0 : i32
      %parallel_loop3A_385 = arith.constant 128 : i32
      %parallel_loop3A_386 = arith.constant 1 : i32
      scf.for %parallel_loop3A_458 = %parallel_loop3A_384 to %parallel_loop3A_385 step %parallel_loop3A_386  : i32 {
        %parallel_loop3A_459 = arith.constant 16 : i32
        %parallel_loop3A_460 = arith.divsi %parallel_loop3A_458, %parallel_loop3A_459 : i32
        %parallel_loop3A_461 = arith.constant 0 : i32
        %parallel_loop3A_462 = arith.cmpi sgt, %parallel_loop3A_458, %parallel_loop3A_461 : i32
        %parallel_loop3A_463 = arith.extui %parallel_loop3A_462 : i1 to i32
        %parallel_loop3A_464 = arith.constant 0 : i32
        %parallel_loop3A_465 = arith.cmpi slt, %parallel_loop3A_458, %parallel_loop3A_464 : i32
        %parallel_loop3A_466 = arith.extui %parallel_loop3A_465 : i1 to i32
        %parallel_loop3A_467 = arith.subi %parallel_loop3A_463, %parallel_loop3A_466 : i32
        %parallel_loop3A_468 = arith.constant 0 : i32
        %parallel_loop3A_469 = arith.cmpi sgt, %parallel_loop3A_459, %parallel_loop3A_468 : i32
        %parallel_loop3A_470 = arith.extui %parallel_loop3A_469 : i1 to i32
        %parallel_loop3A_471 = arith.constant 0 : i32
        %parallel_loop3A_472 = arith.cmpi slt, %parallel_loop3A_459, %parallel_loop3A_471 : i32
        %parallel_loop3A_473 = arith.extui %parallel_loop3A_472 : i1 to i32
        %parallel_loop3A_474 = arith.subi %parallel_loop3A_470, %parallel_loop3A_473 : i32
        %parallel_loop3A_475 = arith.cmpi ne, %parallel_loop3A_467, %parallel_loop3A_474 : i32
        %parallel_loop3A_476 = arith.remsi %parallel_loop3A_458, %parallel_loop3A_459 : i32
        %parallel_loop3A_477 = arith.constant 0 : i32
        %parallel_loop3A_478 = arith.cmpi ne, %parallel_loop3A_476, %parallel_loop3A_477 : i32
        %parallel_loop3A_479 = arith.andi %parallel_loop3A_475, %parallel_loop3A_478 : i1
        %parallel_loop3A_480 = arith.constant 1 : i32
        %parallel_loop3A_481 = arith.subi %parallel_loop3A_460, %parallel_loop3A_480 : i32
        %parallel_loop3A_482 = arith.select %parallel_loop3A_479, %parallel_loop3A_481, %parallel_loop3A_460 : i32
        %parallel_loop3A_483 = arith.constant 16 : i32
        %parallel_loop3A_484 = arith.constant 0 : i32
        %parallel_loop3A_485 = arith.cmpi eq, %parallel_loop3A_483, %parallel_loop3A_484 : i32
        %parallel_loop3A_486 = arith.constant 1 : i32
        %parallel_loop3A_487 = arith.select %parallel_loop3A_485, %parallel_loop3A_486, %parallel_loop3A_483 : i32
        %parallel_loop3A_488 = arith.remsi %parallel_loop3A_458, %parallel_loop3A_487 : i32
        %parallel_loop3A_489 = arith.constant 0 : i32
        %parallel_loop3A_490 = arith.cmpi ne, %parallel_loop3A_488, %parallel_loop3A_489 : i32
        %parallel_loop3A_491 = arith.constant 0 : i32
        %parallel_loop3A_492 = arith.cmpi slt, %parallel_loop3A_488, %parallel_loop3A_491 : i32
        %parallel_loop3A_493 = arith.constant 0 : i32
        %parallel_loop3A_494 = arith.cmpi slt, %parallel_loop3A_487, %parallel_loop3A_493 : i32
        %parallel_loop3A_495 = arith.xori %parallel_loop3A_492, %parallel_loop3A_494 : i1
        %parallel_loop3A_496 = arith.andi %parallel_loop3A_495, %parallel_loop3A_490 : i1
        %parallel_loop3A_497 = arith.addi %parallel_loop3A_488, %parallel_loop3A_487 : i32
        %parallel_loop3A_498 = arith.select %parallel_loop3A_496, %parallel_loop3A_497, %parallel_loop3A_488 : i32
        %parallel_loop3A_499 = arith.constant 16 : i32
        %parallel_loop3A_500 = arith.muli %parallel_loop3A_498, %parallel_loop3A_499 : i32
        %parallel_loop3A_501 = arith.index_cast %parallel_loop3A_482 : i32 to index
        %parallel_loop3A_502 = arith.index_cast %parallel_loop3A_500 : i32 to index
        %parallel_loop3A_503 = tpu.vector_load %arg7[%parallel_loop3A_501, %parallel_loop3A_502] {strides = array<i32>} : memref<8x256xf32, #tpu.memory_space<vmem>>, vector<16xf32>,
        %parallel_loop3A_504 = arith.constant 5 : i32
        %parallel_loop3A_505 = arith.index_cast %parallel_loop3A_504 : i32 to index
        %parallel_loop3A_506 = arith.index_cast %parallel_loop3A_482 : i32 to index
        %parallel_loop3A_507 = arith.index_cast %parallel_loop3A_500 : i32 to index
        %parallel_loop3A_508 = tpu.vector_load %arg6[%parallel_loop3A_505, %parallel_loop3A_506, %parallel_loop3A_507] {strides = array<i32>} : memref<7x8x256xf32, #tpu.memory_space<vmem>>, vector<16xf32>,
        %parallel_loop3A_509 = arith.mulf %parallel_loop3A_508, %parallel_loop3A_503 : vector<16xf32>
        %parallel_loop3A_510 = arith.fptosi %parallel_loop3A_509 : vector<16xf32> to vector<16xi32>
        %parallel_loop3A_511 = arith.constant 6 : i32
        %parallel_loop3A_512 = arith.index_cast %parallel_loop3A_511 : i32 to index
        %parallel_loop3A_513 = arith.index_cast %parallel_loop3A_482 : i32 to index
        %parallel_loop3A_514 = arith.index_cast %parallel_loop3A_500 : i32 to index
        %parallel_loop3A_515 = tpu.vector_load %arg6[%parallel_loop3A_512, %parallel_loop3A_513, %parallel_loop3A_514] {strides = array<i32>} : memref<7x8x256xf32, #tpu.memory_space<vmem>>, vector<16xf32>,
        %parallel_loop3A_516 = arith.mulf %parallel_loop3A_515, %parallel_loop3A_503 : vector<16xf32>
        %parallel_loop3A_517 = arith.fptosi %parallel_loop3A_516 : vector<16xf32> to vector<16xi32>
        %parallel_loop3A_518 = arith.constant 5.000000e-01 : f32
        %parallel_loop3A_519 = vector.broadcast %parallel_loop3A_518 : f32 to vector<16xf32>
        %parallel_loop3A_520 = arith.cmpf oge, %parallel_loop3A_503, %parallel_loop3A_519 : vector<16xf32>
        %parallel_loop3A_521 = arith.constant 1 : i32
        %parallel_loop3A_522 = vector.broadcast %parallel_loop3A_521 : i32 to vector<16xi32>
        %parallel_loop3A_523 = arith.cmpi sge, %parallel_loop3A_510, %parallel_loop3A_522 : vector<16xi32>
        %parallel_loop3A_524 = arith.andi %parallel_loop3A_520, %parallel_loop3A_523 : vector<16xi1>
        %parallel_loop3A_525 = arith.constant 94 : i32
        %parallel_loop3A_526 = vector.broadcast %parallel_loop3A_525 : i32 to vector<16xi32>
        %parallel_loop3A_527 = arith.cmpi sle, %parallel_loop3A_510, %parallel_loop3A_526 : vector<16xi32>
        %parallel_loop3A_528 = arith.andi %parallel_loop3A_524, %parallel_loop3A_527 : vector<16xi1>
        %parallel_loop3A_529 = arith.select %parallel_loop3A_528, %parallel_loop3A_503, %broadcast_in_dim3A_38 : vector<16xi1>, vector<16xf32>
        %parallel_loop3A_530 = arith.constant 0 : i32
        %parallel_loop3A_531 = arith.constant 94 : i32
        %parallel_loop3A_532 = vector.broadcast %parallel_loop3A_530 : i32 to vector<16xi32>
        %parallel_loop3A_533 = arith.maxsi %parallel_loop3A_532, %parallel_loop3A_510 : vector<16xi32>
        %parallel_loop3A_534 = vector.broadcast %parallel_loop3A_531 : i32 to vector<16xi32>
        %parallel_loop3A_535 = arith.minsi %parallel_loop3A_534, %parallel_loop3A_533 : vector<16xi32>
        %parallel_loop3A_536 = arith.constant 8 : i32
        %parallel_loop3A_537 = vector.broadcast %parallel_loop3A_536 : i32 to vector<16xi32>
        %parallel_loop3A_538 = arith.muli %parallel_loop3A_535, %parallel_loop3A_537 : vector<16xi32>
        %parallel_loop3A_539 = arith.constant 104 : i32
        %parallel_loop3A_540 = vector.broadcast %parallel_loop3A_539 : i32 to vector<16xi32>
        %parallel_loop3A_541 = arith.addi %parallel_loop3A_538, %parallel_loop3A_540 : vector<16xi32>
        %parallel_loop3A_542 = arith.constant 0 : i32
        %parallel_loop3A_543 = vector.broadcast %parallel_loop3A_542 : i32 to vector<16xi32>
        %parallel_loop3A_544 = arith.addi %parallel_loop3A_541, %parallel_loop3A_543 : vector<16xi32>
        %parallel_loop3A_545 = tpu.vector_load_idx %arg9[%parallel_loop3A_544] : memref<888xf32, #tpu.memory_space<vmem>>[vector<16xi32>], vector<16xf32>,
        %parallel_loop3A_546 = arith.mulf %parallel_loop3A_545, %parallel_loop3A_529 : vector<16xf32>
        %parallel_loop3A_547 = arith.constant 16 : i32
        %parallel_loop3A_548 = arith.index_cast %parallel_loop3A_547 : i32 to index
        %parallel_loop3A_549 = arith.index_cast %parallel_loop3A_482 : i32 to index
        %parallel_loop3A_550 = arith.index_cast %parallel_loop3A_500 : i32 to index
        %parallel_loop3A_551 = tpu.vector_load %arg8[%parallel_loop3A_548, %parallel_loop3A_549, %parallel_loop3A_550] {strides = array<i32>} : memref<28x8x256xf32, #tpu.memory_space<vmem>>, vector<16xf32>,
        tpu.vector_store %arg8[%parallel_loop3A_548, %parallel_loop3A_549, %parallel_loop3A_550], %parallel_loop3A_546 {strides = array<i32>} : memref<28x8x256xf32, #tpu.memory_space<vmem>>, vector<16xf32>,
        %parallel_loop3A_552 = arith.constant 1 : i32
        %parallel_loop3A_553 = vector.broadcast %parallel_loop3A_552 : i32 to vector<16xi32>
        %parallel_loop3A_554 = arith.addi %parallel_loop3A_541, %parallel_loop3A_553 : vector<16xi32>
        %parallel_loop3A_555 = tpu.vector_load_idx %arg9[%parallel_loop3A_554] : memref<888xf32, #tpu.memory_space<vmem>>[vector<16xi32>], vector<16xf32>,
        %parallel_loop3A_556 = arith.mulf %parallel_loop3A_555, %parallel_loop3A_529 : vector<16xf32>
        %parallel_loop3A_557 = arith.constant 17 : i32
        %parallel_loop3A_558 = arith.index_cast %parallel_loop3A_557 : i32 to index
        %parallel_loop3A_559 = arith.index_cast %parallel_loop3A_482 : i32 to index
        %parallel_loop3A_560 = arith.index_cast %parallel_loop3A_500 : i32 to index
        %parallel_loop3A_561 = tpu.vector_load %arg8[%parallel_loop3A_558, %parallel_loop3A_559, %parallel_loop3A_560] {strides = array<i32>} : memref<28x8x256xf32, #tpu.memory_space<vmem>>, vector<16xf32>,
        tpu.vector_store %arg8[%parallel_loop3A_558, %parallel_loop3A_559, %parallel_loop3A_560], %parallel_loop3A_556 {strides = array<i32>} : memref<28x8x256xf32, #tpu.memory_space<vmem>>, vector<16xf32>,
        %parallel_loop3A_562 = arith.constant 2 : i32
        %parallel_loop3A_563 = vector.broadcast %parallel_loop3A_562 : i32 to vector<16xi32>
        %parallel_loop3A_564 = arith.addi %parallel_loop3A_541, %parallel_loop3A_563 : vector<16xi32>
        %parallel_loop3A_565 = tpu.vector_load_idx %arg9[%parallel_loop3A_564] : memref<888xf32, #tpu.memory_space<vmem>>[vector<16xi32>], vector<16xf32>,
        %parallel_loop3A_566 = arith.mulf %parallel_loop3A_565, %parallel_loop3A_529 : vector<16xf32>
        %parallel_loop3A_567 = arith.constant 18 : i32
        %parallel_loop3A_568 = arith.index_cast %parallel_loop3A_567 : i32 to index
        %parallel_loop3A_569 = arith.index_cast %parallel_loop3A_482 : i32 to index
        %parallel_loop3A_570 = arith.index_cast %parallel_loop3A_500 : i32 to index
        %parallel_loop3A_571 = tpu.vector_load %arg8[%parallel_loop3A_568, %parallel_loop3A_569, %parallel_loop3A_570] {strides = array<i32>} : memref<28x8x256xf32, #tpu.memory_space<vmem>>, vector<16xf32>,
        tpu.vector_store %arg8[%parallel_loop3A_568, %parallel_loop3A_569, %parallel_loop3A_570], %parallel_loop3A_566 {strides = array<i32>} : memref<28x8x256xf32, #tpu.memory_space<vmem>>, vector<16xf32>,
        %parallel_loop3A_572 = arith.constant 3 : i32
        %parallel_loop3A_573 = vector.broadcast %parallel_loop3A_572 : i32 to vector<16xi32>
        %parallel_loop3A_574 = arith.addi %parallel_loop3A_541, %parallel_loop3A_573 : vector<16xi32>
        %parallel_loop3A_575 = tpu.vector_load_idx %arg9[%parallel_loop3A_574] : memref<888xf32, #tpu.memory_space<vmem>>[vector<16xi32>], vector<16xf32>,
        %parallel_loop3A_576 = arith.mulf %parallel_loop3A_575, %parallel_loop3A_529 : vector<16xf32>
        %parallel_loop3A_577 = arith.constant 19 : i32
        %parallel_loop3A_578 = arith.index_cast %parallel_loop3A_577 : i32 to index
        %parallel_loop3A_579 = arith.index_cast %parallel_loop3A_482 : i32 to index
        %parallel_loop3A_580 = arith.index_cast %parallel_loop3A_500 : i32 to index
        %parallel_loop3A_581 = tpu.vector_load %arg8[%parallel_loop3A_578, %parallel_loop3A_579, %parallel_loop3A_580] {strides = array<i32>} : memref<28x8x256xf32, #tpu.memory_space<vmem>>, vector<16xf32>,
        tpu.vector_store %arg8[%parallel_loop3A_578, %parallel_loop3A_579, %parallel_loop3A_580], %parallel_loop3A_576 {strides = array<i32>} : memref<28x8x256xf32, #tpu.memory_space<vmem>>, vector<16xf32>,
        %parallel_loop3A_582 = arith.constant 4 : i32
        %parallel_loop3A_583 = vector.broadcast %parallel_loop3A_582 : i32 to vector<16xi32>
        %parallel_loop3A_584 = arith.addi %parallel_loop3A_541, %parallel_loop3A_583 : vector<16xi32>
        %parallel_loop3A_585 = tpu.vector_load_idx %arg9[%parallel_loop3A_584] : memref<888xf32, #tpu.memory_space<vmem>>[vector<16xi32>], vector<16xf32>,
        %parallel_loop3A_586 = arith.mulf %parallel_loop3A_585, %parallel_loop3A_529 : vector<16xf32>
        %parallel_loop3A_587 = arith.constant 20 : i32
        %parallel_loop3A_588 = arith.index_cast %parallel_loop3A_587 : i32 to index
        %parallel_loop3A_589 = arith.index_cast %parallel_loop3A_482 : i32 to index
        %parallel_loop3A_590 = arith.index_cast %parallel_loop3A_500 : i32 to index
        %parallel_loop3A_591 = tpu.vector_load %arg8[%parallel_loop3A_588, %parallel_loop3A_589, %parallel_loop3A_590] {strides = array<i32>} : memref<28x8x256xf32, #tpu.memory_space<vmem>>, vector<16xf32>,
        tpu.vector_store %arg8[%parallel_loop3A_588, %parallel_loop3A_589, %parallel_loop3A_590], %parallel_loop3A_586 {strides = array<i32>} : memref<28x8x256xf32, #tpu.memory_space<vmem>>, vector<16xf32>,
        %parallel_loop3A_592 = arith.constant 5 : i32
        %parallel_loop3A_593 = vector.broadcast %parallel_loop3A_592 : i32 to vector<16xi32>
        %parallel_loop3A_594 = arith.addi %parallel_loop3A_541, %parallel_loop3A_593 : vector<16xi32>
        %parallel_loop3A_595 = tpu.vector_load_idx %arg9[%parallel_loop3A_594] : memref<888xf32, #tpu.memory_space<vmem>>[vector<16xi32>], vector<16xf32>,
        %parallel_loop3A_596 = arith.mulf %parallel_loop3A_595, %parallel_loop3A_529 : vector<16xf32>
        %parallel_loop3A_597 = arith.constant 21 : i32
        %parallel_loop3A_598 = arith.index_cast %parallel_loop3A_597 : i32 to index
        %parallel_loop3A_599 = arith.index_cast %parallel_loop3A_482 : i32 to index
        %parallel_loop3A_600 = arith.index_cast %parallel_loop3A_500 : i32 to index
        %parallel_loop3A_601 = tpu.vector_load %arg8[%parallel_loop3A_598, %parallel_loop3A_599, %parallel_loop3A_600] {strides = array<i32>} : memref<28x8x256xf32, #tpu.memory_space<vmem>>, vector<16xf32>,
        tpu.vector_store %arg8[%parallel_loop3A_598, %parallel_loop3A_599, %parallel_loop3A_600], %parallel_loop3A_596 {strides = array<i32>} : memref<28x8x256xf32, #tpu.memory_space<vmem>>, vector<16xf32>,
        %parallel_loop3A_602 = arith.constant 6 : i32
        %parallel_loop3A_603 = vector.broadcast %parallel_loop3A_602 : i32 to vector<16xi32>
        %parallel_loop3A_604 = arith.addi %parallel_loop3A_541, %parallel_loop3A_603 : vector<16xi32>
        %parallel_loop3A_605 = tpu.vector_load_idx %arg9[%parallel_loop3A_604] : memref<888xf32, #tpu.memory_space<vmem>>[vector<16xi32>], vector<16xf32>,
        %parallel_loop3A_606 = arith.mulf %parallel_loop3A_605, %parallel_loop3A_529 : vector<16xf32>
        %parallel_loop3A_607 = arith.constant 22 : i32
        %parallel_loop3A_608 = arith.index_cast %parallel_loop3A_607 : i32 to index
        %parallel_loop3A_609 = arith.index_cast %parallel_loop3A_482 : i32 to index
        %parallel_loop3A_610 = arith.index_cast %parallel_loop3A_500 : i32 to index
        %parallel_loop3A_611 = tpu.vector_load %arg8[%parallel_loop3A_608, %parallel_loop3A_609, %parallel_loop3A_610] {strides = array<i32>} : memref<28x8x256xf32, #tpu.memory_space<vmem>>, vector<16xf32>,
        tpu.vector_store %arg8[%parallel_loop3A_608, %parallel_loop3A_609, %parallel_loop3A_610], %parallel_loop3A_606 {strides = array<i32>} : memref<28x8x256xf32, #tpu.memory_space<vmem>>, vector<16xf32>,
        %parallel_loop3A_612 = arith.constant 7 : i32
        %parallel_loop3A_613 = vector.broadcast %parallel_loop3A_612 : i32 to vector<16xi32>
        %parallel_loop3A_614 = arith.addi %parallel_loop3A_541, %parallel_loop3A_613 : vector<16xi32>
        %parallel_loop3A_615 = tpu.vector_load_idx %arg9[%parallel_loop3A_614] : memref<888xf32, #tpu.memory_space<vmem>>[vector<16xi32>], vector<16xf32>,
        %parallel_loop3A_616 = arith.mulf %parallel_loop3A_615, %parallel_loop3A_529 : vector<16xf32>
        %parallel_loop3A_617 = arith.constant 23 : i32
        %parallel_loop3A_618 = arith.index_cast %parallel_loop3A_617 : i32 to index
        %parallel_loop3A_619 = arith.index_cast %parallel_loop3A_482 : i32 to index
        %parallel_loop3A_620 = arith.index_cast %parallel_loop3A_500 : i32 to index
        %parallel_loop3A_621 = tpu.vector_load %arg8[%parallel_loop3A_618, %parallel_loop3A_619, %parallel_loop3A_620] {strides = array<i32>} : memref<28x8x256xf32, #tpu.memory_space<vmem>>, vector<16xf32>,
        tpu.vector_store %arg8[%parallel_loop3A_618, %parallel_loop3A_619, %parallel_loop3A_620], %parallel_loop3A_616 {strides = array<i32>} : memref<28x8x256xf32, #tpu.memory_space<vmem>>, vector<16xf32>,
        %parallel_loop3A_622 = arith.constant 0 : i32
        %parallel_loop3A_623 = arith.constant 5 : i32
        %parallel_loop3A_624 = vector.broadcast %parallel_loop3A_622 : i32 to vector<16xi32>
        %parallel_loop3A_625 = arith.maxsi %parallel_loop3A_624, %parallel_loop3A_517 : vector<16xi32>
        %parallel_loop3A_626 = vector.broadcast %parallel_loop3A_623 : i32 to vector<16xi32>
        %parallel_loop3A_627 = arith.minsi %parallel_loop3A_626, %parallel_loop3A_625 : vector<16xi32>
        %parallel_loop3A_628 = arith.constant 4 : i32
        %parallel_loop3A_629 = vector.broadcast %parallel_loop3A_628 : i32 to vector<16xi32>
        %parallel_loop3A_630 = arith.muli %parallel_loop3A_627, %parallel_loop3A_629 : vector<16xi32>
        %parallel_loop3A_631 = arith.constant 864 : i32
        %parallel_loop3A_632 = vector.broadcast %parallel_loop3A_631 : i32 to vector<16xi32>
        %parallel_loop3A_633 = arith.addi %parallel_loop3A_630, %parallel_loop3A_632 : vector<16xi32>
        %parallel_loop3A_634 = arith.constant 0 : i32
        %parallel_loop3A_635 = vector.broadcast %parallel_loop3A_634 : i32 to vector<16xi32>
        %parallel_loop3A_636 = arith.addi %parallel_loop3A_633, %parallel_loop3A_635 : vector<16xi32>
        %parallel_loop3A_637 = tpu.vector_load_idx %arg9[%parallel_loop3A_636] : memref<888xf32, #tpu.memory_space<vmem>>[vector<16xi32>], vector<16xf32>,
        %parallel_loop3A_638 = arith.mulf %parallel_loop3A_637, %parallel_loop3A_529 : vector<16xf32>
        %parallel_loop3A_639 = arith.constant 24 : i32
        %parallel_loop3A_640 = arith.index_cast %parallel_loop3A_639 : i32 to index
        %parallel_loop3A_641 = arith.index_cast %parallel_loop3A_482 : i32 to index
        %parallel_loop3A_642 = arith.index_cast %parallel_loop3A_500 : i32 to index
        %parallel_loop3A_643 = tpu.vector_load %arg8[%parallel_loop3A_640, %parallel_loop3A_641, %parallel_loop3A_642] {strides = array<i32>} : memref<28x8x256xf32, #tpu.memory_space<vmem>>, vector<16xf32>,
        tpu.vector_store %arg8[%parallel_loop3A_640, %parallel_loop3A_641, %parallel_loop3A_642], %parallel_loop3A_638 {strides = array<i32>} : memref<28x8x256xf32, #tpu.memory_space<vmem>>, vector<16xf32>,
        %parallel_loop3A_644 = arith.constant 1 : i32
        %parallel_loop3A_645 = vector.broadcast %parallel_loop3A_644 : i32 to vector<16xi32>
        %parallel_loop3A_646 = arith.addi %parallel_loop3A_633, %parallel_loop3A_645 : vector<16xi32>
        %parallel_loop3A_647 = tpu.vector_load_idx %arg9[%parallel_loop3A_646] : memref<888xf32, #tpu.memory_space<vmem>>[vector<16xi32>], vector<16xf32>,
        %parallel_loop3A_648 = arith.mulf %parallel_loop3A_647, %parallel_loop3A_529 : vector<16xf32>
        %parallel_loop3A_649 = arith.constant 25 : i32
        %parallel_loop3A_650 = arith.index_cast %parallel_loop3A_649 : i32 to index
        %parallel_loop3A_651 = arith.index_cast %parallel_loop3A_482 : i32 to index
        %parallel_loop3A_652 = arith.index_cast %parallel_loop3A_500 : i32 to index
        %parallel_loop3A_653 = tpu.vector_load %arg8[%parallel_loop3A_650, %parallel_loop3A_651, %parallel_loop3A_652] {strides = array<i32>} : memref<28x8x256xf32, #tpu.memory_space<vmem>>, vector<16xf32>,
        tpu.vector_store %arg8[%parallel_loop3A_650, %parallel_loop3A_651, %parallel_loop3A_652], %parallel_loop3A_648 {strides = array<i32>} : memref<28x8x256xf32, #tpu.memory_space<vmem>>, vector<16xf32>,
        %parallel_loop3A_654 = arith.constant 2 : i32
        %parallel_loop3A_655 = vector.broadcast %parallel_loop3A_654 : i32 to vector<16xi32>
        %parallel_loop3A_656 = arith.addi %parallel_loop3A_633, %parallel_loop3A_655 : vector<16xi32>
        %parallel_loop3A_657 = tpu.vector_load_idx %arg9[%parallel_loop3A_656] : memref<888xf32, #tpu.memory_space<vmem>>[vector<16xi32>], vector<16xf32>,
        %parallel_loop3A_658 = arith.mulf %parallel_loop3A_657, %parallel_loop3A_529 : vector<16xf32>
        %parallel_loop3A_659 = arith.constant 26 : i32
        %parallel_loop3A_660 = arith.index_cast %parallel_loop3A_659 : i32 to index
        %parallel_loop3A_661 = arith.index_cast %parallel_loop3A_482 : i32 to index
        %parallel_loop3A_662 = arith.index_cast %parallel_loop3A_500 : i32 to index
        %parallel_loop3A_663 = tpu.vector_load %arg8[%parallel_loop3A_660, %parallel_loop3A_661, %parallel_loop3A_662] {strides = array<i32>} : memref<28x8x256xf32, #tpu.memory_space<vmem>>, vector<16xf32>,
        tpu.vector_store %arg8[%parallel_loop3A_660, %parallel_loop3A_661, %parallel_loop3A_662], %parallel_loop3A_658 {strides = array<i32>} : memref<28x8x256xf32, #tpu.memory_space<vmem>>, vector<16xf32>,
        %parallel_loop3A_664 = arith.constant 3 : i32
        %parallel_loop3A_665 = vector.broadcast %parallel_loop3A_664 : i32 to vector<16xi32>
        %parallel_loop3A_666 = arith.addi %parallel_loop3A_633, %parallel_loop3A_665 : vector<16xi32>
        %parallel_loop3A_667 = tpu.vector_load_idx %arg9[%parallel_loop3A_666] : memref<888xf32, #tpu.memory_space<vmem>>[vector<16xi32>], vector<16xf32>,
        %parallel_loop3A_668 = arith.mulf %parallel_loop3A_667, %parallel_loop3A_529 : vector<16xf32>
        %parallel_loop3A_669 = arith.constant 27 : i32
        %parallel_loop3A_670 = arith.index_cast %parallel_loop3A_669 : i32 to index
        %parallel_loop3A_671 = arith.index_cast %parallel_loop3A_482 : i32 to index
        %parallel_loop3A_672 = arith.index_cast %parallel_loop3A_500 : i32 to index
        %parallel_loop3A_673 = tpu.vector_load %arg8[%parallel_loop3A_670, %parallel_loop3A_671, %parallel_loop3A_672] {strides = array<i32>} : memref<28x8x256xf32, #tpu.memory_space<vmem>>, vector<16xf32>,
        tpu.vector_store %arg8[%parallel_loop3A_670, %parallel_loop3A_671, %parallel_loop3A_672], %parallel_loop3A_668 {strides = array<i32>} : memref<28x8x256xf32, #tpu.memory_space<vmem>>, vector<16xf32>,
      } {sc.loop_unroll_factor = 2 : i64, sc.parallel_access}
      %dma_start3A_387 = arith.constant 16 : i32
      %dma_start3A_388 = arith.constant 0 : i32
      %dma_start3A_389 = arith.constant 0 : i32
      %dma_start3A_390 = tpu.memref_slice %arg8[%dma_start3A_387, %dma_start3A_388, %dma_start3A_389] : memref<28x8x256xf32, #tpu.memory_space<vmem>> -> memref<12x8x256xf32, #tpu.memory_space<vmem>>
      %dma_start3A_391 = arith.constant 16 : i32
      %dma_start3A_392 = tpu.memref_slice %arg5[%dma_start3A_391, %mul3A_20, %mul3A_37] : memref<28x50x1024xf32, #tpu.memory_space<hbm>> -> memref<12x8x256xf32, #tpu.memory_space<hbm>>
      %dma_start3A_393 = arith.constant 16 : i32
      %dma_start3A_394 = tpu.memref_slice %arg5[%dma_start3A_393, %mul3A_20, %mul3A_37] : memref<28x50x1024xf32, #tpu.memory_space<hbm>> -> memref<12x8x256xf32, #tpu.memory_space<hbm>>
      %dma_start3A_395 = arith.constant 16 : i32
      %dma_start3A_396 = arith.constant 0 : i32
      %dma_start3A_397 = arith.constant 0 : i32
      %dma_start3A_398 = tpu.memref_slice %arg8[%dma_start3A_395, %dma_start3A_396, %dma_start3A_397] : memref<28x8x256xf32, #tpu.memory_space<vmem>> -> memref<12x8x256xf32, #tpu.memory_space<vmem>>
      tpu.enqueue_dma source(%dma_start3A_398 : memref<12x8x256xf32, #tpu.memory_space<vmem>>) target(%dma_start3A_394 : memref<12x8x256xf32, #tpu.memory_space<hbm>>) target_semaphore(%arg10 : memref<!tpu.dma_semaphore, #tpu.memory_space<semaphore_mem>>)
      %dma_wait3A = arith.constant 0 : i32
      %dma_wait3A_399 = arith.constant 0 : i32
      %dma_wait3A_400 = arith.constant 0 : i32
      %dma_wait3A_401 = tpu.memref_slice %arg8[%dma_wait3A, %dma_wait3A_399, %dma_wait3A_400] : memref<28x8x256xf32, #tpu.memory_space<vmem>> -> memref<4x8x256xf32, #tpu.memory_space<vmem>>
      %dma_wait3A_402 = arith.constant 0 : i32
      %dma_wait3A_403 = tpu.memref_slice %arg5[%dma_wait3A_402, %mul3A_20, %mul3A_37] : memref<28x50x1024xf32, #tpu.memory_space<hbm>> -> memref<4x8x256xf32, #tpu.memory_space<hbm>>
      %dma_wait3A_404 = arith.constant 0 : i32
      %dma_wait3A_405 = tpu.memref_slice %arg5[%dma_wait3A_404, %mul3A_20, %mul3A_37] : memref<28x50x1024xf32, #tpu.memory_space<hbm>> -> memref<4x8x256xf32, #tpu.memory_space<hbm>>
      %dma_wait3A_406 = arith.constant 0 : i32
      %dma_wait3A_407 = arith.constant 0 : i32
      %dma_wait3A_408 = arith.constant 0 : i32
      %dma_wait3A_409 = tpu.memref_slice %arg8[%dma_wait3A_406, %dma_wait3A_407, %dma_wait3A_408] : memref<28x8x256xf32, #tpu.memory_space<vmem>> -> memref<4x8x256xf32, #tpu.memory_space<vmem>>
      tpu.wait_dma2 semaphore(%arg10 : memref<!tpu.dma_semaphore, #tpu.memory_space<semaphore_mem>>) src(%dma_wait3A_409 : memref<4x8x256xf32, #tpu.memory_space<vmem>>) dst(%dma_wait3A_405 : memref<4x8x256xf32, #tpu.memory_space<hbm>>)
      %dma_wait3A_410 = arith.constant 4 : i32
      %dma_wait3A_411 = arith.constant 0 : i32
      %dma_wait3A_412 = arith.constant 0 : i32
      %dma_wait3A_413 = tpu.memref_slice %arg8[%dma_wait3A_410, %dma_wait3A_411, %dma_wait3A_412] : memref<28x8x256xf32, #tpu.memory_space<vmem>> -> memref<4x8x256xf32, #tpu.memory_space<vmem>>
      %dma_wait3A_414 = arith.constant 4 : i32
      %dma_wait3A_415 = tpu.memref_slice %arg5[%dma_wait3A_414, %mul3A_20, %mul3A_37] : memref<28x50x1024xf32, #tpu.memory_space<hbm>> -> memref<4x8x256xf32, #tpu.memory_space<hbm>>
      %dma_wait3A_416 = arith.constant 4 : i32
      %dma_wait3A_417 = tpu.memref_slice %arg5[%dma_wait3A_416, %mul3A_20, %mul3A_37] : memref<28x50x1024xf32, #tpu.memory_space<hbm>> -> memref<4x8x256xf32, #tpu.memory_space<hbm>>
      %dma_wait3A_418 = arith.constant 4 : i32
      %dma_wait3A_419 = arith.constant 0 : i32
      %dma_wait3A_420 = arith.constant 0 : i32
      %dma_wait3A_421 = tpu.memref_slice %arg8[%dma_wait3A_418, %dma_wait3A_419, %dma_wait3A_420] : memref<28x8x256xf32, #tpu.memory_space<vmem>> -> memref<4x8x256xf32, #tpu.memory_space<vmem>>
      tpu.wait_dma2 semaphore(%arg10 : memref<!tpu.dma_semaphore, #tpu.memory_space<semaphore_mem>>) src(%dma_wait3A_421 : memref<4x8x256xf32, #tpu.memory_space<vmem>>) dst(%dma_wait3A_417 : memref<4x8x256xf32, #tpu.memory_space<hbm>>)
      %dma_wait3A_422 = arith.constant 8 : i32
      %dma_wait3A_423 = arith.constant 0 : i32
      %dma_wait3A_424 = arith.constant 0 : i32
      %dma_wait3A_425 = tpu.memref_slice %arg8[%dma_wait3A_422, %dma_wait3A_423, %dma_wait3A_424] : memref<28x8x256xf32, #tpu.memory_space<vmem>> -> memref<4x8x256xf32, #tpu.memory_space<vmem>>
      %dma_wait3A_426 = arith.constant 8 : i32
      %dma_wait3A_427 = tpu.memref_slice %arg5[%dma_wait3A_426, %mul3A_20, %mul3A_37] : memref<28x50x1024xf32, #tpu.memory_space<hbm>> -> memref<4x8x256xf32, #tpu.memory_space<hbm>>
      %dma_wait3A_428 = arith.constant 8 : i32
      %dma_wait3A_429 = tpu.memref_slice %arg5[%dma_wait3A_428, %mul3A_20, %mul3A_37] : memref<28x50x1024xf32, #tpu.memory_space<hbm>> -> memref<4x8x256xf32, #tpu.memory_space<hbm>>
      %dma_wait3A_430 = arith.constant 8 : i32
      %dma_wait3A_431 = arith.constant 0 : i32
      %dma_wait3A_432 = arith.constant 0 : i32
      %dma_wait3A_433 = tpu.memref_slice %arg8[%dma_wait3A_430, %dma_wait3A_431, %dma_wait3A_432] : memref<28x8x256xf32, #tpu.memory_space<vmem>> -> memref<4x8x256xf32, #tpu.memory_space<vmem>>
      tpu.wait_dma2 semaphore(%arg10 : memref<!tpu.dma_semaphore, #tpu.memory_space<semaphore_mem>>) src(%dma_wait3A_433 : memref<4x8x256xf32, #tpu.memory_space<vmem>>) dst(%dma_wait3A_429 : memref<4x8x256xf32, #tpu.memory_space<hbm>>)
      %dma_wait3A_434 = arith.constant 12 : i32
      %dma_wait3A_435 = arith.constant 0 : i32
      %dma_wait3A_436 = arith.constant 0 : i32
      %dma_wait3A_437 = tpu.memref_slice %arg8[%dma_wait3A_434, %dma_wait3A_435, %dma_wait3A_436] : memref<28x8x256xf32, #tpu.memory_space<vmem>> -> memref<4x8x256xf32, #tpu.memory_space<vmem>>
      %dma_wait3A_438 = arith.constant 12 : i32
      %dma_wait3A_439 = tpu.memref_slice %arg5[%dma_wait3A_438, %mul3A_20, %mul3A_37] : memref<28x50x1024xf32, #tpu.memory_space<hbm>> -> memref<4x8x256xf32, #tpu.memory_space<hbm>>
      %dma_wait3A_440 = arith.constant 12 : i32
      %dma_wait3A_441 = tpu.memref_slice %arg5[%dma_wait3A_440, %mul3A_20, %mul3A_37] : memref<28x50x1024xf32, #tpu.memory_space<hbm>> -> memref<4x8x256xf32, #tpu.memory_space<hbm>>
      %dma_wait3A_442 = arith.constant 12 : i32
      %dma_wait3A_443 = arith.constant 0 : i32
      %dma_wait3A_444 = arith.constant 0 : i32
      %dma_wait3A_445 = tpu.memref_slice %arg8[%dma_wait3A_442, %dma_wait3A_443, %dma_wait3A_444] : memref<28x8x256xf32, #tpu.memory_space<vmem>> -> memref<4x8x256xf32, #tpu.memory_space<vmem>>
      tpu.wait_dma2 semaphore(%arg10 : memref<!tpu.dma_semaphore, #tpu.memory_space<semaphore_mem>>) src(%dma_wait3A_445 : memref<4x8x256xf32, #tpu.memory_space<vmem>>) dst(%dma_wait3A_441 : memref<4x8x256xf32, #tpu.memory_space<hbm>>)
      %dma_wait3A_446 = arith.constant 16 : i32
      %dma_wait3A_447 = arith.constant 0 : i32
      %dma_wait3A_448 = arith.constant 0 : i32
      %dma_wait3A_449 = tpu.memref_slice %arg8[%dma_wait3A_446, %dma_wait3A_447, %dma_wait3A_448] : memref<28x8x256xf32, #tpu.memory_space<vmem>> -> memref<12x8x256xf32, #tpu.memory_space<vmem>>
      %dma_wait3A_450 = arith.constant 16 : i32
      %dma_wait3A_451 = tpu.memref_slice %arg5[%dma_wait3A_450, %mul3A_20, %mul3A_37] : memref<28x50x1024xf32, #tpu.memory_space<hbm>> -> memref<12x8x256xf32, #tpu.memory_space<hbm>>
      %dma_wait3A_452 = arith.constant 16 : i32
      %dma_wait3A_453 = tpu.memref_slice %arg5[%dma_wait3A_452, %mul3A_20, %mul3A_37] : memref<28x50x1024xf32, #tpu.memory_space<hbm>> -> memref<12x8x256xf32, #tpu.memory_space<hbm>>
      %dma_wait3A_454 = arith.constant 16 : i32
      %dma_wait3A_455 = arith.constant 0 : i32
      %dma_wait3A_456 = arith.constant 0 : i32
      %dma_wait3A_457 = tpu.memref_slice %arg8[%dma_wait3A_454, %dma_wait3A_455, %dma_wait3A_456] : memref<28x8x256xf32, #tpu.memory_space<vmem>> -> memref<12x8x256xf32, #tpu.memory_space<vmem>>
      tpu.wait_dma2 semaphore(%arg10 : memref<!tpu.dma_semaphore, #tpu.memory_space<semaphore_mem>>) src(%dma_wait3A_457 : memref<12x8x256xf32, #tpu.memory_space<vmem>>) dst(%dma_wait3A_453 : memref<12x8x256xf32, #tpu.memory_space<hbm>>)
    } else {
    }
    return
  }
}

</mosaic_0001>

<sc_bundles>
// kernel: kernel.3.cloned.1.call-start
scs
__scs_entry_jumppad:
0x0: {  	(pc) =	sbr.rel $0x88, $3  }
0x1: {  	(tag) =	ssettag $0x0;
	lr =	simm.s32 $0x1  }
0x2: {  	[smem:$0x3F9B] =	sst lr;
	_ =	strace $0xD0000000  }
0x3: {  	_ = 	snop  }
0x4: {  	_ = 	snop  }
0x5: {  	_ = 	snop  }
0x6: {  	_ = 	snop  }
0x7: {  	_ = 	snop  }
__scs_overlays_trampoline_lowered:
0x8: {  	[smem:$0x3FAA] =	sst s0  }
0x9: {  	[smem:$0x3FAB] =	sst s1  }
0xa: {  	[smem:$0x3FAC] =	sst s2  }
0xb: {  	[smem:$0x3FAD] =	sst s3  }
0xc: {  	[smem:$0x3FAE] =	sst s4  }
0xd: {  	[smem:$0x3FAF] =	sst s5  }
0xe: {  	[smem:$0x3FB0] =	sst s6  }
0xf: {  	[smem:$0x3FB1] =	sst s7  }
0x10: {  	[smem:$0x3FB2] =	sst s8  }
0x11: {  	[smem:$0x3FB3] =	sst s9;
	s0 =	simm.s32 @!p0 $0x0  }
0x12: {  	s1 =	sld [smem:$0x3F99];
	s0 =	simm.s32 @p0 $0x1  }
0x13: {  	[smem:$0x3FB4] =	sst s0;
	s0 =	simm.s32 @!p1 $0x0  }
0x14: {  	s2 =	sld [smem:$0x3F98];
	s0 =	simm.s32 @p1 $0x1  }
0x15: {  	[smem:$0x3FB5] =	sst s0;
	s0 =	simm.s32 @!p2 $0x0  }
0x16: {  	s3 =	sld [smem:$0x3FDB];
	s0 =	simm.s32 @p2 $0x1  }
0x17: {  	s4 =	simm.s32 $0x1BF5;
	[smem:$0x3FB7] =	sst s0  }
0x18: {  	s0 =	sld [smem:$0x3F9A];
	_ =	swait.ge [sflag:s4], $0x0  }
0x19: {  	s7 =	sld [smem:$0x3F9B]  }
0x1a: {  	s8 =	sadd.s32 $0xFFFFE003, lr  }
0x1b: {  	s9 =	sadd.s32 $0xFFFFFEF7, lr;
	s5 =	simm.s32 $0xFFFFFFFF;
	p2 =	slt.u32 s8, $0xFFFFF086  }
0x1c: {  	p1 =	slt.u32 s9, $0xF7A;
	s5 =	simm.s32 @!p2 $0x0  }
0x1d: {  	s5 =	simm.s32 @p1 $0x1;
	p0 =	seq.s32 s7, s2  }
0x1e: {  	s7 =	smul.u32 @!p0 $0xF7A, s2;
	p2 =	seq.s32 @!p0 s5, $0x0  }
0x1f: {  	s9 =	smul.u32 $0xF7A, s1;
	s8 =	simm.s32 @!p0 $0x1BF5;
	p2 =	por !p2, p0  }
0x20: {  	[sflag:s8] =	ssyncset.s32 @!p0 $0xFFFFF086;
	s6 =	sadd.s32 @!p0 s3, s7;
	s7 =	simm.s32 @!p0 $0x108  }
0x21: {  	s3 =	sadd.s32 s3, s9;
	s6 =	sadd.s32 @!p0 $0x88, s6;
	s7 =	simm.s32 @p2 $0x1082  }
0x22: {  	[simem:s7], [sflag:s8] =	dma.local @!p0 [hbm:s6], $0xF7A  }
0x23: {  	s9 =	sor.u32 $0xD0000000, s2;
	s6 =	simm.s32 $0x108;
	_ =	swait.ge @!p0 [sflag:s8], $0x0  }
0x24: {  	s3 =	sadd.s32 $0x88, s3;
	s6 =	simm.s32 @!p1 $0x1082;
	[sflag:s4] =	ssyncset.s32 $0xFFFFF086  }
0x25: {  	[simem:s6], [sflag:s4] =	dma.local [hbm:s3], $0xF7A  }
0x26: {  	[smem:$0x3F9B] =	sst s1;
	(tag) =	ssettag s2;
	_ =	strace s9  }
0x27: {  	s1 =	sld [smem:$0x3FAB]  }
0x28: {  	s2 =	sld [smem:$0x3FAC]  }
0x29: {  	s4 =	sld [smem:$0x3FAE]  }
0x2a: {  	p0 =	seq.s32 s5, $0x0;
	s5 =	sld [smem:$0x3FAF]  }
0x2b: {  	s6 =	sld [smem:$0x3FB0]  }
0x2c: {  	s7 =	sld [smem:$0x3FB1]  }
0x2d: {  	s3 =	simm.s32 $0x108;
	s8 =	sld [smem:$0x3FB2]  }
0x2e: {  	s3 =	simm.s32 @!p0 $0x1082;
	s9 =	sld [smem:$0x3FB3]  }
0x2f: {  	lr =	sadd.s32 s0, s3;
	s0 =	sld [smem:$0x3FAA]  }
0x30: {  	s3 =	sld [smem:$0x3FAD]  }
0x31: {  	[smem:$0x3FB6] =	sst s10  }
0x32: {  	s10 =	sld [smem:$0x3FB4];
	_ =	sdelay $0x3  }
0x33: {  	p0 =	seq.s32 s10, $0x1;
	s10 =	sld [smem:$0x3FB6];
	_ =	sdelay $0x3  }
0x34: {  	[smem:$0x3FB6] =	sst s10  }
0x35: {  	s10 =	sld [smem:$0x3FB5];
	_ =	sdelay $0x3  }
0x36: {  	p1 =	seq.s32 s10, $0x1;
	s10 =	sld [smem:$0x3FB6];
	_ =	sdelay $0x3  }
0x37: {  	[smem:$0x3FB6] =	sst s10  }
0x38: {  	s10 =	sld [smem:$0x3FB7]  }
0x39: {  	_ = 	snop;
	(pc) =	sbr.ind lr, $3  }
0x3a: {  	_ = 	snop  }
0x3b: {  	_ = 	snop  }
0x3c: {  	p2 =	seq.s32 s10, $0x1;
	s10 =	sld [smem:$0x3FB6]  }
0x3d: {  	_ =	shalt  }
0x3e: {  	_ =	shalt  }
0x3f: {  	_ =	shalt  }
0x40: {  	_ =	shalt  }
0x41: {  	_ =	shalt  }
0x42: {  	_ =	shalt  }
0x43: {  	_ =	shalt  }
0x44: {  	_ =	shalt  }
0x45: {  	_ =	shalt  }
0x46: {  	_ =	shalt  }
0x47: {  	_ =	shalt  }
0x48: {  	_ =	shalt  }
0x49: {  	_ =	shalt  }
0x4a: {  	_ =	shalt  }
0x4b: {  	_ =	shalt  }
0x4c: {  	_ =	shalt  }
0x4d: {  	_ =	shalt  }
0x4e: {  	_ =	shalt  }
0x4f: {  	_ =	shalt  }
0x50: {  	_ =	shalt  }
0x51: {  	_ =	shalt  }
0x52: {  	_ =	shalt  }
0x53: {  	_ =	shalt  }
0x54: {  	_ =	shalt  }
0x55: {  	_ =	shalt  }
0x56: {  	_ =	shalt  }
0x57: {  	_ =	shalt  }
0x58: {  	_ =	shalt  }
0x59: {  	_ =	shalt  }
0x5a: {  	_ =	shalt  }
0x5b: {  	_ =	shalt  }
0x5c: {  	_ =	shalt  }
0x5d: {  	_ =	shalt  }
0x5e: {  	_ =	shalt  }
0x5f: {  	_ =	shalt  }
0x60: {  	_ =	shalt  }
0x61: {  	_ =	shalt  }
0x62: {  	_ =	shalt  }
0x63: {  	_ =	shalt  }
0x64: {  	_ =	shalt  }
0x65: {  	_ =	shalt  }
0x66: {  	_ =	shalt  }
0x67: {  	_ =	shalt  }
0x68: {  	_ =	shalt  }
0x69: {  	_ =	shalt  }
0x6a: {  	_ =	shalt  }
0x6b: {  	_ =	shalt  }
0x6c: {  	_ =	shalt  }
0x6d: {  	_ =	shalt  }
0x6e: {  	_ =	shalt  }
0x6f: {  	_ =	shalt  }
0x70: {  	_ =	shalt  }
0x71: {  	_ =	shalt  }
0x72: {  	_ =	shalt  }
0x73: {  	_ =	shalt  }
0x74: {  	_ =	shalt  }
0x75: {  	_ =	shalt  }
0x76: {  	_ =	shalt  }
0x77: {  	_ =	shalt  }
0x78: {  	_ =	shalt  }
0x79: {  	_ =	shalt  }
0x7a: {  	_ =	shalt  }
0x7b: {  	_ =	shalt  }
0x7c: {  	_ =	shalt  }
0x7d: {  	_ =	shalt  }
0x7e: {  	_ =	shalt  }
0x7f: {  	_ =	shalt  }
0x80: {  	_ =	shalt  }
0x81: {  	_ =	shalt  }
0x82: {  	_ =	shalt  }
0x83: {  	_ =	shalt  }
0x84: {  	_ =	shalt  }
0x85: {  	_ =	shalt  }
0x86: {  	_ =	shalt  }
0x87: {  	_ =	shalt  }
.Lfunc_end0:
.L_simem_size_0:
called_computation_lowered:
.L_overlay_start_0:
0x88: {  	s2 =	sld [smem:$0x3FD9]  }
0x89: {  	s3 =	sld [smem:$0x3FFE];
	_ =	sdelay $0x1  }
0x8a: {  	s1 =	srdreg.scid  }
0x8b: {  	s0 =	sand.u32 $0x1, s1  }
0x8c: {  	s17 =	sshll.u32 s0, $0xA;
	s2 =	sadd.s32 s3, s2  }
0x8d: {  	s2 =	sadd.s32 s2, s17  }
0x8e: {  	[smem:$0x3FC2] =	sst s2  }
0x8f: {  	_ = 	snop  }
0x90: {  	s2 =	sld [smem:$0x3FC9]  }
0x91: {  	s18 =	sld [smem:$0x3FC8]  }
0x92: {  	s4 =	sld [smem:$0x3FD0];
	(tm) =	ssettm $0x1  }
0x93: {  	s5 =	sld [smem:$0x3FFB];
	_ =	sdelay $0x3  }
0x94: {  	_ =	strace s5  }
0x95: {  	s5 =	sld [smem:$0x3FFC];
	_ =	sdelay $0x3  }
0x96: {  	_ =	strace s5  }
0x97: {  	s5 =	sld [smem:$0x3FFD];
	_ =	sdelay $0x3  }
0x98: {  	_ =	strace s5  }
0x99: {  	_ =	strace $0x8FFFFFFF  }
0x9a: {  	s19 =	sld [smem:$0x3FDB];
	_ =	sdelay $0x1  }
0x9b: {  	s6 =	simm.s32 $_scs_section_size  }
0x9c: {  	s7 =	simm.s32 $_size__tile_overlayer_lowered;
	s8 =	simm.s32 $_tile_overlayer_lowered  }
0x9d: {  	s22 =	simm.s32 $0x1BFF;
	s21 =	sshll.u32 s8, $0x1;
	s5 =	sadd.s32 s6, s19  }
0x9e: {  	s9 =	simm.s32 $0x0;
	s20 =	sshll.u32 s7, $0x1;
	s7 =	sadd.s32 s21, s5  }
0x9f: {  	[timem:s9], [sflag:s22] =	dma.local [hbm:s7], s20  }
0xa0: {  	_ =	swait.ge [sflag:s22], s20  }
0xa1: {  	s6 =	ssub.s32 $0x0, s20;
	[sflag:s22] =	ssyncset.done $0x0  }
0xa2: {  	[sflag:s22] =	ssyncadd.s32 s6;
	_ =	sdelay $0x1  }
0xa3: {  	s23 =	simm.s32 $0x1B8B  }
0xa4: {  	_ =	swait.ge [sflag:s23], $0x1  }
0xa5: {  	[sflag:s23] =	ssyncset.done $0x0  }
0xa6: {  	s25 =	simm.s32 $0x1B8E;
	s24 =	sld [smem:$0x3FFE];
	[sflag:s23] =	ssyncadd.s32 $0xFFFFFFFF  }
0xa7: {  	s26 =	simm.s32 $execute0_lowered;
	[smem:$0x3FD2] =	sst s25  }
0xa8: {  	s7 =	sshll.u32 s26, $0x1;
	_ =	strace $0x80000046;
	[dreg:$0x1] =	wrdreg $0xFFFFFFFF  }
0xa9: {  	s28 =	simm.s32 $_size_execute0_lowered;
	s5 =	sadd.s32 s5, s7;
	[dreg:$0x0] =	wrdreg $0x0  }
0xaa: {  	s7 =	sshll.u32 s28, $0x1;
	[dreg:$0x2] =	wrdreg s5  }
0xab: {  	[dreg:$0x3] =	wrdreg s7  }
0xac: {  	[dreg:$0x4] =	wrdreg $0xC0  }
0xad: {  	_ =	task [dreg:s9], $0x5FFFF  }
0xae: {  	[dreg:$0x1] =	wrdreg $0xFFFFFFFF  }
0xaf: {  	[dreg:$0x0] =	wrdreg $0x60  }
0xb0: {  	[dreg:$0x2] =	wrdreg s2  }
0xb1: {  	[dreg:$0x3] =	wrdreg s18  }
0xb2: {  	[dreg:$0x4] =	wrdreg s24  }
0xb3: {  	[dreg:$0x5] =	wrdreg s4  }
0xb4: {  	[dreg:$0x6] =	wrdreg $0x9  }
0xb5: {  	_ =	task.clear_ibuf [dreg:s9], $0x7FFFF;
	_ =	strace $0x90000046  }
0xb6: {  	s29 =	simm.s32 $0x9;
	_ =	strace $0x80000048  }
0xb7: {  	_ =	swait.ge [sflag:s29], $0x1  }
0xb8: {  	[sflag:s29] =	ssyncadd.s32 $0xFFFFFFFF  }
0xb9: {  	_ =	strace $0x90000048  }
0xba: {  	_ =	sfence  }
0xbb: {  	s30 =	sld [smem:$0x0];
	_ =	sdelay $0x2  }
0xbc: {  	s31 =	sshll.u32 s1, $0xD;
	s1 =	sshrl.u32 s1, $0x2  }
0xbd: {  	s3 =	sand.u32 $0x4000, s31;
	s1 =	sadd.s32 s1, s30  }
0xbe: {  	s0 =	sor.u32 s3, s0;
	s1 =	sshll.u32 s1, $0x11  }
0xbf: {  	s0 =	sor.u32 s1, s0  }
0xc0: {  	s0 =	sadd.s32 $0x8F2B, s0  }
0xc1: {  	[sflag:s0] =	ssyncadd.remote.s32 $0x1  }
0xc2: {  	_ =	sfence.sel $0xFFFF  }
0xc3: {  	[dreg:$0x0] =	wrdreg $0xFFFFFFFF;
	(pc) =	sbr.abs _section_cstart, $3  }
0xc4: {  	[dreg:$0x1] =	wrdreg $0xFFFFFFFF  }
0xc5: {  	_ =	task.clear_ibuf [dreg:s9], $0x2FFFF;
	_ =	strace $0x9FFFFFFF  }
0xc6: {  	(tm) =	ssettm $0x7FFFFFFF  }
0xc7: {  	_ =	shalt  }
tec
execute0_lowered:
.L_overlay_start_1:
0x0: {  	(tag) =	ssettag $0x1  }
0x1: {  	s4 =	stileid.u32  }
0x2: {  	p0 =	sgt.u32 s4, $0xD  }
.Ltmp0:
0x3: {  	s2 =	rddreg [dreg:$0x0];
	(pc) =	sbr.rel @p0 .LBB2_13-.Ltmp0, $4  }
0x4: {  	s0 =	rddreg [dreg:$0x1]  }
0x5: {  	s3 =	rddreg [dreg:$0x2];
	s7 =	simm.s32 $0x0  }
0x6: {  	[smem:$0x7FF] =	sst s7  }
0x7: {  	s1 =	rddreg [dreg:$0x3];
	_ =	strace $0x80000047  }
0x8: {  	s4 =	srdreg.scid  }
0x9: {  	s5 =	stileid.u32;
	s4 =	sand.u32 $0x1, s4  }
0xa: {  	s5 =	sshll.u32 s5, $0xC;
	s6 =	sshll.u32 s4, $0xB  }
0xb: {  	s5 =	sor.u32 s6, s5  }
0xc: {  	s3 =	sadd.s32 $0x400, s3;
	s5 =	sshrl.u32 s5, $0x3  }
0xd: {  	[dreg:$0xf] =	wrdreg s3;
	s2 =	sadd.s32 s2, s5  }
0xe: {  	s0 =	sadd.s32 s0, s5;
	[dreg:$0x10] =	wrdreg s2  }
0xf: {  	s24 =	sadd.s32 s1, s5;
	[dreg:$0x11] =	wrdreg s0  }
0x10: {  	s1 =	sadd.s32 $0x7000, s24;
	[dreg:$0x12] =	wrdreg s24  }
0x11: {  	s25 =	ssub.s32 $0x2, s4;
	s26 =	sadd.s32 $0xE000, s24;
	[dreg:$0x13] =	wrdreg s1  }
0x12: {  	s30 =	sshrl.u32 s25, $0x1;
	s31 =	sadd.s32 $0x15000, s24;
	[dreg:$0x14] =	wrdreg s26  }
0x13: {  	s2 =	sadd.s32 $0x1C000, s24;
	s0 =	ssub.s32 s25, s30;
	[dreg:$0x15] =	wrdreg s31  }
0x14: {  	s22 =	simm.s32 $0x12000;
	[dreg:$0x16] =	wrdreg s2;
	s0 =	smax.u32 s0, $0x1  }
0x15: {  	s28 =	simm.s32 $0x800;
	s29 =	simm.s32 $0xE000;
	[dreg:$0x17] =	wrdreg s0  }
.LBB2_2:
0x16: {  	[dreg:$0xe] =	wrdreg s7  }
0x17: {  	s0 =	simm.s32 $0x0;
	s1 =	rddreg [dreg:$0xf];
	s2 =	simm.s32 $0x2  }
0x18: {  	[tilespmem:s22], [sflag:$0x2] =	stream.linear.gather [hbm4b:s1+s0], $0x380, $0x38;
	[tilespmem:$0x12380] =	vst v63  }
0x19: {  	_ =	swait.ge [sflag:s2], $0x380  }
0x1a: {  	[sflag:s2] =	ssyncset.done $0x0  }
0x1b: {  	s18 =	rddreg [dreg:$0x10];
	[sflag:s2] =	ssyncadd.s32 $0xFFFFFC80  }
0x1c: {  	[tilespmem:s0], [sflag:$0x2] =	stream.strided.gather [hbm4b:s18+s28], $0x3800, s29, s28, $0x38;
	[tilespmem:$0x12380] =	vst v63  }
0x1d: {  	_ =	swait.ge [sflag:s2], $0x3800  }
0x1e: {  	[sflag:s2] =	ssyncset.done $0x0  }
0x1f: {  	s3 =	simm.s32 $0x3800;
	v0 =	vimm.s32 $0x9;
	s19 =	rddreg [dreg:$0x11];
	[sflag:s2] =	ssyncadd.s32 $0xFFFFC800  }
0x20: {  	[tilespmem:s3], [sflag:$0x2] =	stream.linear.gather [hbm4b:s19+s0], $0x800, $0x38;
	[tilespmem:$0x12380] =	vst v63  }
0x21: {  	_ =	swait.ge [sflag:s2], $0x800  }
0x22: {  	[sflag:s2] =	ssyncset.done $0x0  }
0x23: {  	[sflag:s2] =	ssyncadd.s32 $0xFFFFF800  }
0x24: {  	v32 =	vld.idx.msk [tilespmem:v0+s22+$0x0], $0xffff;
	v0 =	vimm.s32 $0xA;
	_ =	sdelay $0x4  }
0x25: {  	v28 =	vld.idx.msk [tilespmem:v0+s22+$0x0], $0xffff;
	v0 =	vimm.s32 $0xB;
	_ =	sdelay $0x4  }
0x26: {  	v33 =	vld.idx.msk [tilespmem:v0+s22+$0x0], $0xffff;
	v0 =	vimm.s32 $0xC;
	_ =	sdelay $0x4  }
0x27: {  	v34 =	vld.idx.msk [tilespmem:v0+s22+$0x0], $0xffff;
	v0 =	vimm.s32 $0xD;
	_ =	sdelay $0x4  }
0x28: {  	v35 =	vld.idx.msk [tilespmem:v0+s22+$0x0], $0xffff;
	v0 =	vimm.s32 $0xE;
	_ =	sdelay $0x4  }
0x29: {  	v36 =	vld.idx.msk [tilespmem:v0+s22+$0x0], $0xffff;
	v0 =	vimm.s32 $0xF;
	_ =	sdelay $0x4  }
0x2a: {  	v37 =	vld.idx.msk [tilespmem:v0+s22+$0x0], $0xffff;
	v0 =	vimm.s32 $0x10;
	_ =	sdelay $0x4  }
0x2b: {  	v38 =	vld.idx.msk [tilespmem:v0+s22+$0x0], $0xffff;
	v0 =	vimm.s32 $0x11;
	_ =	sdelay $0x4  }
0x2c: {  	v39 =	vld.idx.msk [tilespmem:v0+s22+$0x0], $0xffff;
	v0 =	vimm.s32 $0x12;
	_ =	sdelay $0x4  }
0x2d: {  	v40 =	vld.idx.msk [tilespmem:v0+s22+$0x0], $0xffff;
	v0 =	vimm.s32 $0x13;
	_ =	sdelay $0x4  }
0x2e: {  	v41 =	vld.idx.msk [tilespmem:v0+s22+$0x0], $0xffff;
	v0 =	vimm.s32 $0x14;
	_ =	sdelay $0x3  }
0x2f: {  	v3 =	vimm.s32 $0x18  }
0x30: {  	v42 =	vld.idx.msk [tilespmem:v0+s22+$0x0], $0xffff;
	v0 =	vimm.s32 $0x15;
	_ =	sdelay $0x2  }
0x31: {  	s20 =	sand.u32 $0x400, s0;
	s21 =	sand.u32 $0x380, s0  }
0x32: {  	s0 =	sand.u32 $0x60, s0;
	s2 =	sor.u32 s21, s20;
	v54 =	vld.idx.msk [tilespmem:v3+s22+$0x0], $0xffff  }
0x33: {  	s1 =	sor.u32 s0, s2;
	v43 =	vld.idx.msk [tilespmem:v0+s22+$0x0], $0xffff;
	v0 =	vimm.s32 $0x16  }
0x34: {  	v1 =	vld [tilespmem:s1+$0x1800]  }
0x35: {  	s23 =	sor.u32 $0x2000, s2;
	v7 =	vld [tilespmem:s1+$0x800]  }
0x36: {  	s4 =	sor.u32 s0, s23;
	v16 =	vld [tilespmem:s1+$0x0]  }
0x37: {  	s24 =	sor.u32 $0x10, s0;
	v2 =	vld [tilespmem:s4+$0x0]  }
0x38: {  	s0 =	sor.u32 s24, s2;
	v44 =	vld.idx.msk [tilespmem:v0+s22+$0x0], $0xffff;
	v0 =	vimm.s32 $0x17  }
0x39: {  	v5 =	vld [tilespmem:s0+$0x0]  }
0x3a: {  	s25 =	sor.u32 s24, s23;
	v12 =	vld [tilespmem:s0+$0x800]  }
0x3b: {  	v3 =	vimm.s32 $0x8;
	v15 =	vld [tilespmem:s25+$0x0]  }
0x3c: {  	v17 =	vld [tilespmem:s0+$0x1000]  }
0x3d: {  	v45 =	vld.idx.msk [tilespmem:v0+s22+$0x0], $0xffff;
	v0 =	vimm.s32 $0x19  }
0x3e: {  	v50 =	vld [tilespmem:s0+$0x3800]  }
0x3f: {  	v4 =	vld [tilespmem:s1+$0x1000]  }
0x40: {  	v53 =	vld.idx.msk [tilespmem:v3+s22+$0x0], $0xffff;
	v3 =	vimm.s32 $0x5A;
	v58 =	vmul.f32 v7, v32;
	v26 =	vmul.f32 v12, v32  }
0x41: {  	v55 =	vmul.f32 v17, v28;
	v13 =	vmul.f32 v1, v33  }
0x42: {  	v10 =	vmul.f32 v2, v34;
	v23 =	vmul.f32 v15, v34;
	v46 =	vld.idx.msk [tilespmem:v0+s22+$0x0], $0xffff;
	v0 =	vimm.s32 $0x1A  }
0x43: {  	vm1 =	vge.f32 v50, $5.000000000e-01;
	v24 =	vmul.f32 v5, v35;
	v25 =	vmul.f32 v16, v35  }
0x44: {  	v51 =	vnsel vm1, $0x0, v50;
	v56 =	vmul.f32 v7, v36;
	v18 =	vmul.f32 v4, v37  }
0x45: {  	v49 =	vld.idx.msk [tilespmem:v3+s22+$0x0], $0xffff;
	v3 =	vimm.s32 $0x59;
	v20 =	vmul.f32 v5, v40;
	v22 =	vmul.f32 v12, v41  }
0x46: {  	v6 =	vld [tilespmem:s0+$0x1800];
	v25 =	vadd.f32 v56, v25;
	v57 =	vmul.f32 v16, v40;
	v19 =	vmul.f32 v7, v41  }
0x47: {  	v20 =	vadd.f32 v22, v20;
	v22 =	vmul.f32 v12, v36;
	v47 =	vld.idx.msk [tilespmem:v0+s22+$0x0], $0xffff;
	v0 =	vimm.s32 $0x1B  }
0x48: {  	v59 =	vmul.f32 v17, v37;
	v19 =	vadd.f32 v19, v57;
	v61 =	vmul.f32 v4, v42  }
0x49: {  	v18 =	vadd.f32 v18, v25;
	v22 =	vadd.f32 v22, v24;
	v24 =	vmul.f32 v5, v53  }
0x4a: {  	v7 =	vmul.f32 v7, v54;
	v19 =	vadd.f32 v61, v19;
	v11 =	vmul.f32 v1, v43  }
0x4b: {  	v27 =	vmul.f32 v17, v42;
	v22 =	vadd.f32 v59, v22;
	v24 =	vadd.f32 v26, v24  }
0x4c: {  	v26 =	vmul.f32 v6, v38;
	v11 =	vadd.f32 v11, v19;
	v8 =	vmul.f32 v2, v44;
	v48 =	vld.idx.msk [tilespmem:v0+s22+$0x0], $0xffff  }
0x4d: {  	v20 =	vadd.f32 v27, v20;
	v62 =	vmul.f32 v6, v43;
	v19 =	vadd.f32 v55, v24;
	v0 =	vld [tilespmem:s1+$0x3800]  }
0x4e: {  	v27 =	vmul.f32 v15, v44;
	v8 =	vadd.f32 v8, v11;
	v52 =	vmul.f32 v16, v45  }
0x4f: {  	s26 =	simm.s32 $0x100;
	s30 =	simm.s32 $0x10;
	v11 =	vadd.f32 v26, v22;
	v63 =	vmul.f32 v6, v47;
	v6 =	vmul.f32 v6, v33  }
0x50: {  	s3 =	sand.u32 $0x380, s30;
	s2 =	sand.u32 $0x400, s26;
	v22 =	vmul.f32 v5, v45;
	v7 =	vadd.f32 v7, v52;
	v21 =	vmul.f32 v4, v46  }
0x51: {  	s31 =	simm.s32 $0x20;
	s3 =	sor.u32 s3, s2;
	v9 =	vmul.f32 v1, v47;
	v1 =	vmul.f32 v1, v38;
	v5 =	vadd.f32 v6, v19  }
0x52: {  	s4 =	sand.u32 $0x60, s31;
	s2 =	sor.u32 $0x2000, s3;
	v17 =	vmul.f32 v17, v46;
	v7 =	vadd.f32 v21, v7;
	v6 =	vmul.f32 v8, v0  }
0x53: {  	s5 =	sor.u32 s4, s2;
	v1 =	vadd.f32 v1, v18;
	v26 =	vadd.f32 v23, v5;
	vm0 =	vge.f32 v0, $5.000000000e-01  }
0x54: {  	v19 =	vld [tilespmem:s5+$0x0];
	v52 =	vmul.f32 v15, v48;
	v15 =	vmul.f32 v15, v39;
	v6 =	vadd.f32 v6, v49  }
0x55: {  	v14 =	vmul.f32 v2, v48;
	v2 =	vmul.f32 v2, v39;
	v57 =	vnsel vm0, $0x0, v0  }
0x56: {  	v55 =	vld.idx.msk [tilespmem:v3+s22+$0x0], $0xffff;
	v8 =	vadd.f32 v15, v11;
	v15 =	vmul.f32 v16, v53;
	v6 =	vmax.f32 v6, $0.0e+00  }
0x57: {  	s16 =	sor.u32 s4, s3;
	v11 =	vmul.f32 v12, v54;
	v12 =	vadd.f32 v62, v20;
	v3 =	vmul.f32 v6, v57  }
0x58: {  	s4 =	sor.u32 $0x10, s4;
	v4 =	vmul.f32 v4, v28;
	v16 =	vld [tilespmem:s16+$0x1800];
	v1 =	vadd.f32 v2, v1;
	v15 =	vadd.f32 v58, v15  }
0x59: {  	s17 =	sor.u32 s4, s3;
	v56 =	vld [tilespmem:s16+$0x3800];
	v20 =	vmul.f32 v19, v44;
	v8 =	vmul.f32 v8, v50;
	v12 =	vadd.f32 v27, v12;
	[tilespmem:$0x1FFB0] =	vst v3  }
0x5a: {  	v24 =	vmul.f32 v1, v0;
	v1 =	vadd.f32 v9, v7;
	v2 =	vadd.f32 v4, v15;
	v27 =	vld [tilespmem:s17+$0x0]  }
0x5b: {  	v60 =	vmul.f32 v19, v48;
	v58 =	vmul.f32 v19, v34;
	v8 =	vadd.f32 v8, v55;
	v18 =	vld [tilespmem:s16+$0x800]  }
0x5c: {  	v12 =	vmul.f32 v12, v50;
	v1 =	vadd.f32 v14, v1;
	v30 =	vld [tilespmem:s17+$0x800];
	v7 =	vadd.f32 v13, v2  }
0x5d: {  	v59 =	vmul.f32 v16, v47;
	v61 =	vmul.f32 v16, v33;
	v6 =	vmax.f32 v8, $0.0e+00;
	v8 =	vld [tilespmem:s16+$0x0]  }
0x5e: {  	v5 =	vmul.f32 v16, v38;
	v31 =	vld [tilespmem:s17+$0x1000];
	v2 =	vmul.f32 v19, v39;
	v7 =	vadd.f32 v10, v7  }
0x5f: {  	[tilespmem:$0x1FEA0] =	vst v41;
	v15 =	vmul.f32 v1, v0;
	v29 =	vmul.f32 v6, v51  }
0x60: {  	[tilespmem:$0x1FEB0] =	vst v49;
	v6 =	vmul.f32 v16, v43;
	v23 =	vmul.f32 v7, v0  }
0x61: {  	v11 =	vadd.f32 v11, v22;
	[tilespmem:$0x1FEC0] =	vst v35;
	v13 =	vmul.f32 v27, v40;
	v14 =	vmul.f32 v30, v41  }
0x62: {  	v16 =	vadd.f32 v12, v49;
	v4 =	vld [tilespmem:s16+$0x1000];
	v9 =	vmul.f32 v18, v41;
	v12 =	vmul.f32 v27, v35  }
0x63: {  	v21 =	vmul.f32 v8, v35;
	v10 =	vadd.f32 v14, v13;
	v13 =	vmul.f32 v31, v42  }
0x64: {  	v11 =	vadd.f32 v17, v11;
	v1 =	vmul.f32 v30, v32;
	v14 =	vmul.f32 v30, v36  }
0x65: {  	v62 =	vld [tilespmem:s17+$0x3800];
	[tilespmem:$0x1FED0] =	vst v40;
	v25 =	vmul.f32 v8, v45;
	v19 =	vadd.f32 v13, v10;
	v10 =	vmul.f32 v8, v40  }
0x66: {  	s2 =	sor.u32 s4, s2;
	v3 =	vld [tilespmem:s17+$0x1800];
	v22 =	vmul.f32 v18, v54;
	v12 =	vadd.f32 v14, v12;
	v14 =	vmul.f32 v31, v37  }
0x67: {  	v17 =	vld [tilespmem:s2+$0x0];
	[tilespmem:$0x1FEE0] =	vst v42;
	v0 =	vmul.f32 v18, v36;
	v9 =	vadd.f32 v9, v10;
	v10 =	vmul.f32 v4, v42  }
0x68: {  	[tilespmem:$0x1FEF0] =	vst v36;
	v13 =	vadd.f32 v22, v25;
	v25 =	vadd.f32 v14, v12;
	v14 =	vmul.f32 v27, v53  }
0x69: {  	[tilespmem:$0x1FF00] =	vst v53;
	v9 =	vadd.f32 v10, v9  }
0x6a: {  	[tilespmem:$0x1FF10] =	vst v37;
	v21 =	vadd.f32 v0, v21;
	v0 =	vmul.f32 v31, v28;
	v10 =	vadd.f32 v1, v14  }
0x6b: {  	[tilespmem:$0x1FF20] =	vst v28;
	v9 =	vadd.f32 v6, v9  }
0x6c: {  	[tilespmem:$0x1FF30] =	vst v47;
	v14 =	vmul.f32 v4, v46;
	v0 =	vadd.f32 v0, v10;
	v10 =	vadd.f32 v63, v11  }
0x6d: {  	[tilespmem:$0x1FF40] =	vst v34;
	v11 =	vmul.f32 v3, v33;
	v28 =	vadd.f32 v20, v9;
	v9 =	vmul.f32 v3, v38  }
0x6e: {  	[tilespmem:$0x1FF50] =	vst v33;
	v7 =	vimm.s32 $0x58;
	v13 =	vadd.f32 v14, v13  }
0x6f: {  	[tilespmem:$0x1FF60] =	vst v38;
	v14 =	vadd.f32 v11, v0;
	v0 =	vimm.s32 $0x5B;
	v25 =	vadd.f32 v9, v25;
	v9 =	vld [tilespmem:$0x1FFB0]  }
0x70: {  	[tilespmem:$0x1FF70] =	vst v32  }
0x71: {  	[tilespmem:$0x1FF80] =	vst v44  }
0x72: {  	[tilespmem:$0x1FF90] =	vst v43;
	v22 =	vadd.f32 v24, v55  }
0x73: {  	[tilespmem:$0x1FFA0] =	vst v48;
	v12 =	vmul.f32 v4, v37;
	v63 =	vld.idx.msk [tilespmem:v7+s22+$0x0], $0xffff  }
0x74: {  	v1 =	vmul.f32 v3, v47;
	v6 =	vmul.f32 v17, v34;
	v7 =	vmax.f32 v22, $0.0e+00;
	v0 =	vld.idx.msk [tilespmem:v0+s22+$0x0], $0xffff;
	[tilespmem:s1+$0x5000] =	vst v9  }
0x75: {  	v22 =	vmul.f32 v3, v43;
	v20 =	vmax.f32 v16, $0.0e+00;
	v16 =	vmul.f32 v18, v32;
	[tilespmem:$0x1FFC0] =	vst v39  }
0x76: {  	vm0 =	vge.f32 v56, $5.000000000e-01;
	v18 =	vmul.f32 v17, v44;
	v11 =	vmul.f32 v26, v50;
	[tilespmem:s0+$0x4800] =	vst v29  }
0x77: {  	vm1 =	vge.f32 v62, $5.000000000e-01;
	v3 =	vmul.f32 v17, v48;
	v26 =	vmul.f32 v7, v57;
	[tilespmem:$0x1FFD0] =	vst v46  }
0x78: {  	v24 =	vadd.f32 v52, v10;
	v17 =	vmul.f32 v17, v39;
	v7 =	vmul.f32 v31, v46;
	[tilespmem:$0x1FFE0] =	vst v45  }
0x79: {  	s6 =	simm.s32 $0x20;
	v10 =	vmul.f32 v27, v45;
	v27 =	vmul.f32 v28, v56;
	v23 =	vadd.f32 v23, v63;
	[tilespmem:s1+$0x4800] =	vst v26  }
0x7a: {  	s3 =	simm.s32 $0x2;
	s4 =	simm.s32 $0x40;
	s5 =	simm.s32 $0x200;
	v9 =	vnsel vm1, $0x0, v62;
	v26 =	vadd.f32 v11, v63;
	v11 =	vmul.f32 v30, v54;
	[tilespmem:$0x1FFF0] =	vst v54  }
.LBB2_3:
0x7b: {  	v31 =	vld [tilespmem:$0x1FEB0]  }
0x7c: {  	v54 =	vld [tilespmem:$0x1FF00]  }
0x7d: {  	v38 =	vld [tilespmem:$0x1FF20]  }
0x7e: {  	v33 =	vld [tilespmem:$0x1FF40]  }
0x7f: {  	v48 =	vld [tilespmem:$0x1FF80]  }
0x80: {  	v47 =	vld [tilespmem:$0x1FF90]  }
0x81: {  	v42 =	vld [tilespmem:$0x1FF50]  }
0x82: {  	v53 =	vld [tilespmem:$0x1FFA0]  }
0x83: {  	v43 =	vld [tilespmem:$0x1FF60]  }
0x84: {  	v44 =	vld [tilespmem:$0x1FFC0]  }
0x85: {  	v41 =	vld [tilespmem:$0x1FF10]  }
0x86: {  	s2 =	sand.u32 $0x400, s5;
	s7 =	sand.u32 $0x380, s6;
	v15 =	vadd.f32 v15, v0;
	v20 =	vmul.f32 v20, v51;
	v45 =	vld [tilespmem:$0x1FED0];
	v19 =	vadd.f32 v22, v19  }
0x87: {  	s8 =	sand.u32 $0x60, s4;
	v52 =	vld [tilespmem:$0x1FFD0];
	v22 =	vmax.f32 v26, $0.0e+00;
	s2 =	sor.u32 s7, s2;
	v25 =	vadd.f32 v17, v25;
	v23 =	vmax.f32 v23, $0.0e+00  }
0x88: {  	v46 =	vld [tilespmem:$0x1FEE0];
	v24 =	vmul.f32 v24, v50;
	v50 =	vmovc v62;
	v12 =	vadd.f32 v12, v21;
	v14 =	vadd.f32 v6, v14;
	s7 =	sor.u32 s8, s2  }
0x89: {  	s10 =	sor.u32 $0x10, s8;
	[tilespmem:s0+$0x5000] =	vst v20;
	v20 =	vmul.f32 v23, v57;
	v15 =	vmax.f32 v15, $0.0e+00;
	v17 =	vld [tilespmem:s7+$0x3800];
	v21 =	vmul.f32 v25, v50  }
0x8a: {  	s9 =	sor.u32 $0x2000, s2;
	s11 =	sor.u32 s10, s2;
	v22 =	vmul.f32 v22, v51;
	v18 =	vadd.f32 v18, v19;
	v19 =	vld [tilespmem:s7+$0x1800];
	v8 =	vmul.f32 v8, v54  }
0x8b: {  	v23 =	vnsel vm0, $0x0, v56;
	s8 =	sor.u32 s8, s9;
	v62 =	vld [tilespmem:s11+$0x3800];
	v5 =	vadd.f32 v5, v12;
	v21 =	vadd.f32 v21, v55  }
0x8c: {  	v15 =	vmul.f32 v15, v57;
	v8 =	vadd.f32 v16, v8;
	v16 =	vadd.f32 v24, v0;
	v24 =	vld [tilespmem:s8+$0x0]  }
0x8d: {  	v26 =	vadd.f32 v27, v31;
	v2 =	vadd.f32 v2, v5;
	[tilespmem:s1+$0x4000] =	vst v20;
	v5 =	vmax.f32 v21, $0.0e+00;
	v21 =	vld [tilespmem:$0x1FF30]  }
0x8e: {  	v14 =	vmul.f32 v14, v50;
	[tilespmem:s0+$0x4000] =	vst v22;
	v4 =	vmul.f32 v4, v38;
	v20 =	vld [tilespmem:s7+$0x1000];
	v16 =	vmax.f32 v16, $0.0e+00  }
0x8f: {  	v57 =	vmovc v23;
	v25 =	vld [tilespmem:s11+$0x0];
	v12 =	vmax.f32 v26, $0.0e+00;
	v6 =	vmul.f32 v2, v56;
	[tilespmem:s1+$0x5800] =	vst v15;
	v15 =	vmul.f32 v16, v51  }
0x90: {  	v26 =	vld [tilespmem:s11+$0x1800];
	v12 =	vmul.f32 v12, v57;
	s1 =	smov.u32 s16;
	s16 =	smov.u32 s7;
	v28 =	vmul.f32 v19, v47;
	v8 =	vadd.f32 v4, v8;
	v51 =	vmovc v9  }
0x91: {  	v22 =	vld [tilespmem:s16+$0x800];
	v9 =	vmul.f32 v18, v50;
	v5 =	vmul.f32 v5, v51;
	[tilespmem:s0+$0x5800] =	vst v15;
	s0 =	smov.u32 s17;
	s17 =	smov.u32 s11  }
0x92: {  	[tilespmem:s1+$0x5000] =	vst v12;
	v16 =	vadd.f32 v61, v8;
	v61 =	vmul.f32 v19, v42;
	v12 =	vmul.f32 v19, v21;
	v29 =	vld [tilespmem:s17+$0x800]  }
0x93: {  	v13 =	vadd.f32 v59, v13;
	v15 =	vmul.f32 v24, v33;
	v27 =	vmul.f32 v24, v48;
	v4 =	vmovc v20;
	v20 =	vld [tilespmem:$0x1FEA0]  }
0x94: {  	v49 =	vld [tilespmem:$0x1FFE0];
	v10 =	vadd.f32 v11, v10;
	v18 =	vmul.f32 v24, v53;
	v2 =	vmul.f32 v24, v44  }
0x95: {  	v13 =	vadd.f32 v60, v13;
	v24 =	vmul.f32 v26, v21;
	v23 =	vld [tilespmem:s17+$0x1000];
	[tilespmem:s0+$0x4800] =	vst v5;
	v5 =	vmul.f32 v19, v43  }
0x96: {  	v8 =	vld [tilespmem:s16+$0x0];
	v19 =	vmul.f32 v25, v45;
	v34 =	vadd.f32 v58, v16;
	v59 =	vmovc v12;
	v12 =	vmul.f32 v4, v41  }
0x97: {  	s31 =	sor.u32 s10, s9;
	v9 =	vadd.f32 v9, v31;
	v16 =	vld [tilespmem:$0x1FF70];
	v31 =	vmul.f32 v4, v52;
	v58 =	vmovc v15;
	v15 =	vmul.f32 v13, v56  }
0x98: {  	v10 =	vadd.f32 v7, v10;
	v30 =	vld [tilespmem:s31+$0x0];
	v60 =	vmovc v18;
	v34 =	vmul.f32 v34, v56;
	v18 =	vmul.f32 v29, v20  }
0x99: {  	vm0 =	vge.f32 v17, $5.000000000e-01;
	v56 =	vmovc v17;
	v17 =	vmul.f32 v25, v54;
	v21 =	vmul.f32 v22, v20;
	v20 =	vld [tilespmem:$0x1FEC0]  }
0x9a: {  	v54 =	vadd.f32 v1, v10;
	v10 =	vmul.f32 v25, v49;
	v19 =	vadd.f32 v18, v19;
	v18 =	vld [tilespmem:$0x1FEF0]  }
0x9b: {  	v37 =	vmul.f32 v8, v49;
	v45 =	vmul.f32 v8, v45  }
0x9c: {  	v13 =	vmul.f32 v29, v16;
	v36 =	vmul.f32 v23, v46  }
0x9d: {  	v32 =	vadd.f32 v6, v55;
	v38 =	vmul.f32 v23, v38;
	v16 =	vmul.f32 v22, v16  }
0x9e: {  	vm1 =	vge.f32 v62, $5.000000000e-01;
	v41 =	vmul.f32 v23, v41;
	v6 =	vmul.f32 v30, v33  }
0x9f: {  	v32 =	vmax.f32 v32, $0.0e+00;
	v33 =	vmul.f32 v25, v20;
	v39 =	vmul.f32 v22, v18  }
0xa0: {  	v1 =	vmovc v24;
	v24 =	vadd.f32 v3, v54;
	v40 =	vmul.f32 v29, v18;
	v18 =	vmul.f32 v30, v48;
	v48 =	vld [tilespmem:$0x1FFF0]  }
0xa1: {  	v7 =	vadd.f32 v21, v45;
	v45 =	vmul.f32 v26, v43;
	v13 =	vadd.f32 v13, v17  }
0xa2: {  	v35 =	vmul.f32 v8, v20;
	v33 =	vadd.f32 v40, v33;
	v40 =	vmul.f32 v4, v46  }
0xa3: {  	v17 =	vmul.f32 v30, v44;
	v19 =	vadd.f32 v36, v19;
	v20 =	vmax.f32 v9, $0.0e+00  }
0xa4: {  	s3 =	sadd.s32 $0x2, s3;
	v21 =	vadd.f32 v39, v35;
	v46 =	vmul.f32 v30, v53;
	v7 =	vadd.f32 v40, v7  }
0xa5: {  	p0 =	slt.u32 s3, $0x7E;
	v53 =	vmul.f32 v26, v42;
	v33 =	vadd.f32 v41, v33;
	v11 =	vmul.f32 v22, v48  }
.Ltmp1:
0xa6: {  	v22 =	vmul.f32 v26, v47;
	v26 =	vadd.f32 v14, v63;
	v28 =	vadd.f32 v28, v7;
	(pc) =	sbr.rel @p0 .LBB2_3-.Ltmp1, $4  }
0xa7: {  	v7 =	vmul.f32 v23, v52;
	v23 =	vadd.f32 v34, v63;
	v52 =	vadd.f32 v38, v13  }
0xa8: {  	v47 =	vmul.f32 v32, v57;
	v11 =	vadd.f32 v11, v37;
	v27 =	vadd.f32 v27, v28  }
0xa9: {  	v9 =	vnsel vm1, $0x0, v62;
	v3 =	vmovc v46;
	v25 =	vadd.f32 v45, v33;
	v14 =	vadd.f32 v53, v52  }
0xaa: {  	s4 =	sadd.s32 $0x20, s4;
	s5 =	sadd.s32 $0x100, s5;
	s6 =	sadd.s32 $0x10, s6;
	[tilespmem:s1+$0x4800] =	vst v47;
	v13 =	vadd.f32 v31, v11;
	v11 =	vmul.f32 v29, v48;
	v27 =	vmul.f32 v27, v56  }
0xab: {  	v19 =	vadd.f32 v22, v19  }
0xac: {  	v15 =	vadd.f32 v15, v0;
	v22 =	vmax.f32 v26, $0.0e+00;
	v17 =	vadd.f32 v17, v25  }
0xad: {  	v20 =	vmul.f32 v20, v51;
	v54 =	vld [tilespmem:$0x1FF00];
	v23 =	vmax.f32 v23, $0.0e+00;
	v24 =	vmul.f32 v24, v50  }
0xae: {  	v12 =	vadd.f32 v12, v21;
	v6 =	vadd.f32 v6, v14;
	v21 =	vmul.f32 v22, v51  }
0xaf: {  	v22 =	vnsel vm0, $0x0, v56;
	v18 =	vadd.f32 v18, v19;
	v19 =	vmul.f32 v23, v57;
	v23 =	vld [tilespmem:$0x1FF20]  }
0xb0: {  	v28 =	vld [tilespmem:$0x1FEB0];
	v10 =	vadd.f32 v11, v10;
	v13 =	vadd.f32 v59, v13;
	v17 =	vmul.f32 v17, v62  }
0xb1: {  	v15 =	vmax.f32 v15, $0.0e+00;
	v5 =	vadd.f32 v5, v12;
	v6 =	vmul.f32 v6, v62  }
0xb2: {  	v7 =	vadd.f32 v7, v10;
	v10 =	vadd.f32 v60, v13;
	v8 =	vmul.f32 v8, v54  }
0xb3: {  	v15 =	vmul.f32 v15, v57;
	v17 =	vadd.f32 v17, v55;
	v2 =	vadd.f32 v2, v5  }
0xb4: {  	v11 =	vmul.f32 v18, v62;
	v8 =	vadd.f32 v16, v8;
	v4 =	vmul.f32 v4, v23  }
0xb5: {  	v53 =	vadd.f32 v27, v28;
	v1 =	vadd.f32 v1, v7;
	v10 =	vmul.f32 v10, v56  }
0xb6: {  	v5 =	vmax.f32 v17, $0.0e+00;
	v2 =	vmul.f32 v2, v56;
	v4 =	vadd.f32 v4, v8  }
0xb7: {  	[tilespmem:s0+$0x5000] =	vst v20;
	v7 =	vadd.f32 v11, v28;
	v16 =	vadd.f32 v24, v0;
	v12 =	vmax.f32 v53, $0.0e+00  }
0xb8: {  	[tilespmem:s0+$0x4000] =	vst v21;
	v5 =	vmul.f32 v5, v9;
	v1 =	vadd.f32 v3, v1;
	v4 =	vadd.f32 v61, v4  }
0xb9: {  	[tilespmem:s1+$0x4000] =	vst v19;
	v2 =	vadd.f32 v2, v55;
	v3 =	vmax.f32 v7, $0.0e+00;
	v16 =	vmax.f32 v16, $0.0e+00  }
0xba: {  	[tilespmem:s1+$0x5800] =	vst v15;
	v8 =	vmul.f32 v12, v22;
	v1 =	vmul.f32 v1, v62;
	v4 =	vadd.f32 v58, v4  }
0xbb: {  	[tilespmem:s17+$0x4800] =	vst v5;
	v5 =	vadd.f32 v10, v0;
	v3 =	vmul.f32 v3, v9;
	v12 =	vmul.f32 v16, v51  }
0xbc: {  	v2 =	vmax.f32 v2, $0.0e+00;
	[tilespmem:s16+$0x5000] =	vst v8;
	v0 =	vadd.f32 v1, v0;
	v4 =	vmul.f32 v4, v56  }
0xbd: {  	v6 =	vadd.f32 v6, v63;
	v2 =	vmul.f32 v2, v22;
	[tilespmem:s17+$0x5000] =	vst v3;
	v1 =	vmax.f32 v5, $0.0e+00  }
0xbe: {  	[tilespmem:s0+$0x5800] =	vst v12;
	v1 =	vmul.f32 v1, v22;
	v0 =	vmax.f32 v0, $0.0e+00;
	v4 =	vadd.f32 v4, v63  }
0xbf: {  	[tilespmem:s16+$0x4800] =	vst v2;
	v2 =	vmax.f32 v6, $0.0e+00;
	v0 =	vmul.f32 v0, v9  }
0xc0: {  	v2 =	vmul.f32 v2, v9;
	[tilespmem:s16+$0x5800] =	vst v1;
	v4 =	vmax.f32 v4, $0.0e+00  }
0xc1: {  	[tilespmem:s17+$0x5800] =	vst v0;
	v0 =	vimm.s32 $0x1C;
	v4 =	vmul.f32 v4, v22  }
0xc2: {  	[tilespmem:s17+$0x4000] =	vst v2  }
0xc3: {  	[tilespmem:s16+$0x4000] =	vst v4  }
0xc4: {  	s21 =	simm.s32 $0x4000;
	s0 =	rddreg [dreg:$0x12]  }
0xc5: {  	[hbm4b:s0+s28] =	stream.strided.scatter [tilespmem:s21], [sflag:$0x1], $0x2000, s29, s28, $0x38;
	[tilespmem:$0x12380] =	vst v63  }
0xc6: {  	v32 =	vld.idx.msk [tilespmem:v0+s22+$0x0], $0xffff;
	v0 =	vimm.s32 $0x1D;
	_ =	sdelay $0x4  }
0xc7: {  	v33 =	vld.idx.msk [tilespmem:v0+s22+$0x0], $0xffff;
	v0 =	vimm.s32 $0x1E;
	_ =	sdelay $0x4  }
0xc8: {  	v34 =	vld.idx.msk [tilespmem:v0+s22+$0x0], $0xffff;
	v0 =	vimm.s32 $0x1F;
	_ =	sdelay $0x4  }
0xc9: {  	v35 =	vld.idx.msk [tilespmem:v0+s22+$0x0], $0xffff;
	v0 =	vimm.s32 $0x21;
	_ =	sdelay $0x4  }
0xca: {  	v36 =	vld.idx.msk [tilespmem:v0+s22+$0x0], $0xffff;
	v0 =	vimm.s32 $0x22;
	_ =	sdelay $0x4  }
0xcb: {  	v37 =	vld.idx.msk [tilespmem:v0+s22+$0x0], $0xffff;
	v0 =	vimm.s32 $0x26;
	_ =	sdelay $0x4  }
0xcc: {  	v38 =	vld.idx.msk [tilespmem:v0+s22+$0x0], $0xffff;
	v0 =	vimm.s32 $0x27;
	_ =	sdelay $0x4  }
0xcd: {  	v39 =	vld.idx.msk [tilespmem:v0+s22+$0x0], $0xffff;
	v0 =	vimm.s32 $0x2A;
	_ =	sdelay $0x4  }
0xce: {  	v40 =	vld.idx.msk [tilespmem:v0+s22+$0x0], $0xffff;
	v0 =	vimm.s32 $0x2B;
	_ =	sdelay $0x4  }
0xcf: {  	v41 =	vld.idx.msk [tilespmem:v0+s22+$0x0], $0xffff;
	v0 =	vimm.s32 $0x2C;
	_ =	sdelay $0x3  }
0xd0: {  	s23 =	simm.s32 $0x0  }
0xd1: {  	s2 =	sand.u32 $0x400, s23;
	s3 =	sand.u32 $0x380, s23;
	v42 =	vld.idx.msk [tilespmem:v0+s22+$0x0], $0xffff;
	v0 =	vimm.s32 $0x2F  }
0xd2: {  	s1 =	sand.u32 $0x60, s23;
	s16 =	sor.u32 s3, s2  }
0xd3: {  	s2 =	sor.u32 $0x800, s16;
	s0 =	sor.u32 $0x10, s1  }
0xd4: {  	s4 =	sor.u32 s1, s2;
	s2 =	sor.u32 s0, s2  }
0xd5: {  	v2 =	vimm.s32 $0x2D;
	v5 =	vld [tilespmem:s2+$0x0]  }
0xd6: {  	s17 =	sor.u32 s0, s16;
	v44 =	vld.idx.msk [tilespmem:v0+s22+$0x0], $0xffff  }
0xd7: {  	v0 =	vld [tilespmem:s17+$0x0]  }
0xd8: {  	s3 =	sor.u32 s1, s16;
	v1 =	vld [tilespmem:s4+$0x0]  }
0xd9: {  	s24 =	sor.u32 $0x1000, s16;
	v4 =	vld [tilespmem:s3+$0x0]  }
0xda: {  	v46 =	vld.idx.msk [tilespmem:v2+s22+$0x0], $0xffff;
	s25 =	sor.u32 s0, s24  }
0xdb: {  	v16 =	vimm.s32 $0x24;
	s4 =	sor.u32 s1, s24;
	v10 =	vld [tilespmem:s25+$0x0];
	v15 =	vmul.f32 v5, v33  }
0xdc: {  	v18 =	vimm.s32 $0x2E;
	v20 =	vld [tilespmem:s4+$0x0];
	v2 =	vmul.f32 v0, v32;
	v7 =	vmul.f32 v0, v36  }
0xdd: {  	v3 =	vmul.f32 v0, v41;
	v12 =	vmul.f32 v0, v38;
	v0 =	vimm.s32 $0x23  }
0xde: {  	v13 =	vmul.f32 v4, v32  }
0xdf: {  	v17 =	vmul.f32 v1, v33;
	v15 =	vadd.f32 v15, v2;
	v2 =	vimm.s32 $0x28  }
0xe0: {  	v48 =	vld.idx.msk [tilespmem:v16+s22+$0x0], $0xffff;
	v19 =	vmul.f32 v10, v34  }
0xe1: {  	s5 =	sor.u32 $0x1800, s16;
	v49 =	vld.idx.msk [tilespmem:v18+s22+$0x0], $0xffff;
	v13 =	vadd.f32 v17, v13;
	v21 =	vmul.f32 v20, v34;
	v17 =	vmul.f32 v5, v42  }
0xe2: {  	s26 =	sor.u32 s0, s5;
	v23 =	vadd.f32 v19, v15;
	v19 =	vimm.s32 $0x25;
	v0 =	vld.idx.msk [tilespmem:v0+s22+$0x0], $0xffff  }
0xe3: {  	v8 =	vld [tilespmem:s26+$0x0];
	v21 =	vadd.f32 v21, v13;
	v13 =	vadd.f32 v17, v3;
	v3 =	vimm.s32 $0x29  }
0xe4: {  	s6 =	sor.u32 s1, s5;
	v2 =	vld.idx.msk [tilespmem:v2+s22+$0x0], $0xffff  }
0xe5: {  	v9 =	vld [tilespmem:s6+$0x0];
	v18 =	vmul.f32 v10, v46;
	v15 =	vmul.f32 v5, v37  }
0xe6: {  	v45 =	vld [tilespmem:s17+$0x2000];
	v16 =	vmul.f32 v1, v39;
	v17 =	vmul.f32 v4, v38  }
0xe7: {  	v11 =	vmul.f32 v1, v42;
	v7 =	vadd.f32 v15, v7;
	v50 =	vld.idx.msk [tilespmem:v19+s22+$0x0], $0xffff;
	v15 =	vmul.f32 v10, v0  }
0xe8: {  	v13 =	vadd.f32 v18, v13;
	v18 =	vmul.f32 v8, v49;
	v16 =	vadd.f32 v16, v17;
	v3 =	vld.idx.msk [tilespmem:v3+s22+$0x0], $0xffff  }
0xe9: {  	v19 =	vmul.f32 v8, v48;
	v17 =	vmul.f32 v20, v2;
	v7 =	vadd.f32 v15, v7  }
0xea: {  	v1 =	vmul.f32 v1, v37;
	v18 =	vadd.f32 v18, v13;
	v15 =	vmul.f32 v4, v36  }
0xeb: {  	v13 =	vadd.f32 v17, v16;
	v16 =	vadd.f32 v19, v7  }
0xec: {  	v17 =	vmul.f32 v45, v50;
	v15 =	vadd.f32 v1, v15;
	v1 =	vimm.s32 $0x20  }
0xed: {  	v19 =	vmul.f32 v9, v3  }
0xee: {  	v62 =	vmul.f32 v4, v41;
	v63 =	vadd.f32 v17, v16;
	v16 =	vmul.f32 v45, v44  }
0xef: {  	v17 =	vadd.f32 v19, v13  }
0xf0: {  	v19 =	vadd.f32 v11, v62;
	v11 =	vadd.f32 v16, v18;
	v16 =	vimm.s32 $0x5E  }
0xf1: {  	v4 =	vld.idx.msk [tilespmem:v1+s22+$0x0], $0xffff;
	v1 =	vimm.s32 $0x5C  }
0xf2: {  	v43 =	vld [tilespmem:s3+$0x2000]  }
0xf3: {  	v14 =	vmul.f32 v9, v35;
	v61 =	vmul.f32 v5, v39;
	v5 =	vld [tilespmem:s17+$0x3800]  }
0xf4: {  	v22 =	vmul.f32 v8, v35;
	v7 =	vmul.f32 v8, v3;
	v8 =	vld [tilespmem:s3+$0x3800]  }
0xf5: {  	v18 =	vmul.f32 v9, v49;
	v53 =	vld.idx.msk [tilespmem:v16+s22+$0x0], $0xffff;
	v16 =	vmul.f32 v9, v48;
	v9 =	vimm.s32 $0x5F  }
0xf6: {  	v51 =	vld.idx.msk [tilespmem:v1+s22+$0x0], $0xffff;
	v1 =	vimm.s32 $0x5D  }
0xf7: {  	v14 =	vadd.f32 v14, v21  }
0xf8: {  	s9 =	simm.s32 $0x20;
	v52 =	vmul.f32 v45, v40;
	v24 =	vadd.f32 v61, v12;
	v10 =	vmul.f32 v10, v2  }
0xf9: {  	s10 =	simm.s32 $0x100;
	s11 =	simm.s32 $0x10;
	s31 =	sor.u32 $0x7000, s16;
	v6 =	vmul.f32 v43, v40;
	v47 =	vmul.f32 v43, v44;
	vm0 =	vge.f32 v5, $5.000000000e-01  }
0xfa: {  	s30 =	sor.u32 $0x6800, s16;
	s7 =	sor.u32 s1, s31;
	s6 =	simm.s32 $0x0;
	v12 =	vmul.f32 v20, v0;
	v20 =	vmul.f32 v20, v46;
	v21 =	vadd.f32 v10, v24;
	v54 =	vld.idx.msk [tilespmem:v9+s22+$0x0], $0xffff  }
0xfb: {  	s8 =	sor.u32 s0, s31;
	s5 =	sor.u32 s0, s30;
	s4 =	sor.u32 s1, s30;
	v13 =	vadd.f32 v22, v23;
	vm1 =	vge.f32 v8, $5.000000000e-01;
	v9 =	vmul.f32 v63, v5;
	v1 =	vld.idx.msk [tilespmem:v1+s22+$0x0], $0xffff  }
.LBB2_5:
0xfc: {  	s2 =	sand.u32 $0x60, s9;
	s12 =	sand.u32 $0x400, s10;
	s13 =	sand.u32 $0x380, s11;
	v10 =	vnsel vm1, $0x0, v8;
	v12 =	vadd.f32 v12, v15;
	v15 =	vadd.f32 v20, v19  }
0xfd: {  	s6 =	sadd.s32 $0x2, s6;
	v19 =	vmul.f32 v43, v50;
	v6 =	vadd.f32 v6, v17;
	s15 =	sor.u32 s13, s12;
	s13 =	sor.u32 $0x10, s2;
	v7 =	vadd.f32 v7, v21  }
0xfe: {  	v17 =	vmul.f32 v43, v4;
	s14 =	sor.u32 s2, s15;
	s12 =	sor.u32 $0x800, s15;
	s20 =	sor.u32 s13, s15;
	v12 =	vadd.f32 v16, v12;
	v15 =	vadd.f32 v18, v15  }
0xff: {  	s19 =	sor.u32 $0x1000, s15;
	v6 =	vmul.f32 v6, v8;
	v16 =	vnsel vm0, $0x0, v5;
	s18 =	sor.u32 s2, s12;
	v43 =	vld [tilespmem:s14+$0x2000];
	s12 =	sor.u32 s13, s12;
	v7 =	vadd.f32 v52, v7  }
0x100: {  	s21 =	sor.u32 $0x1800, s15;
	v14 =	vadd.f32 v17, v14;
	v17 =	vmul.f32 v45, v4;
	s23 =	sor.u32 s2, s19;
	s22 =	sor.u32 s13, s19;
	v12 =	vadd.f32 v19, v12;
	v45 =	vld [tilespmem:s20+$0x2000]  }
0x101: {  	p0 =	slt.u32 s6, $0x7E;
	s24 =	sor.u32 s2, s21;
	s25 =	sor.u32 s13, s21;
	v6 =	vadd.f32 v6, v53;
	v15 =	vadd.f32 v47, v15;
	v18 =	vld [tilespmem:s20+$0x0];
	v7 =	vmul.f32 v7, v5  }
0x102: {  	s26 =	sor.u32 $0x7000, s15;
	v13 =	vadd.f32 v17, v13;
	v17 =	vmul.f32 v11, v5;
	v19 =	vld [tilespmem:s18+$0x0];
	s18 =	sor.u32 $0x6800, s15;
	v12 =	vmul.f32 v12, v8  }
0x103: {  	s19 =	sor.u32 s2, s26;
	v14 =	vmul.f32 v14, v8;
	v8 =	vmul.f32 v15, v8;
	s21 =	sor.u32 s2, s18;
	v11 =	vld [tilespmem:s22+$0x0];
	s22 =	sor.u32 s13, s26;
	v7 =	vadd.f32 v7, v53  }
0x104: {  	v15 =	vmax.f32 v6, $0.0e+00;
	s18 =	sor.u32 s13, s18;
	v20 =	vld [tilespmem:s24+$0x0];
	v47 =	vmul.f32 v43, v44;
	v12 =	vadd.f32 v12, v1  }
0x105: {  	v5 =	vmul.f32 v13, v5;
	v8 =	vadd.f32 v8, v54;
	v21 =	vld [tilespmem:s14+$0x0];
	v13 =	vmax.f32 v7, $0.0e+00  }
0x106: {  	v14 =	vadd.f32 v14, v51;
	v22 =	vld [tilespmem:s12+$0x0];
	v7 =	vmul.f32 v18, v32;
	v23 =	vmul.f32 v18, v36  }
0x107: {  	v9 =	vadd.f32 v9, v1;
	v52 =	vmul.f32 v45, v40;
	v25 =	vmul.f32 v18, v41;
	v24 =	vld [tilespmem:s23+$0x0]  }
0x108: {  	v5 =	vadd.f32 v5, v51;
	v28 =	vmul.f32 v18, v38;
	v26 =	vmul.f32 v19, v42;
	v27 =	vld [tilespmem:s25+$0x0]  }
0x109: {  	v9 =	vmax.f32 v9, $0.0e+00;
	v6 =	vmul.f32 v43, v40;
	v29 =	vmul.f32 v20, v35  }
0x10a: {  	v5 =	vmax.f32 v5, $0.0e+00;
	v30 =	vmul.f32 v19, v39;
	v18 =	vmul.f32 v21, v32  }
0x10b: {  	v56 =	vmax.f32 v12, $0.0e+00;
	v55 =	vmul.f32 v11, v46;
	v31 =	vmul.f32 v22, v33  }
0x10c: {  	v17 =	vadd.f32 v17, v54;
	v58 =	vmul.f32 v11, v34;
	v57 =	vmul.f32 v24, v34  }
0x10d: {  	v5 =	vmul.f32 v5, v16;
	v31 =	vadd.f32 v31, v7;
	v59 =	vmul.f32 v27, v35  }
0x10e: {  	v14 =	vmax.f32 v14, $0.0e+00;
	v12 =	vmul.f32 v19, v33;
	v60 =	vmul.f32 v27, v48  }
0x10f: {  	v14 =	vmul.f32 v14, v10;
	v8 =	vmax.f32 v8, $0.0e+00;
	s12 =	sor.u32 $0x7800, s16;
	s16 =	smov.u32 s15;
	v7 =	vmul.f32 v27, v3;
	[tilespmem:s17+$0x6000] =	vst v5;
	s17 =	smov.u32 s20  }
0x110: {  	v8 =	vmul.f32 v8, v10;
	s15 =	sor.u32 s1, s12;
	s12 =	sor.u32 s0, s12;
	s1 =	smov.u32 s2;
	v18 =	vadd.f32 v12, v18;
	v12 =	vmul.f32 v24, v0;
	v5 =	vld [tilespmem:s17+$0x3800]  }
0x111: {  	v13 =	vmul.f32 v13, v16;
	s0 =	smov.u32 s13;
	v61 =	vmul.f32 v24, v2;
	v31 =	vadd.f32 v58, v31;
	[tilespmem:s3+$0x6000] =	vst v14;
	s3 =	smov.u32 s14  }
0x112: {  	v56 =	vmul.f32 v56, v10;
	v14 =	vadd.f32 v57, v18;
	v18 =	vmul.f32 v22, v42;
	[tilespmem:s15+$0x0] =	vst v8  }
0x113: {  	v57 =	vmul.f32 v20, v3;
	v8 =	vmul.f32 v15, v10;
	v10 =	vmax.f32 v17, $0.0e+00;
	[tilespmem:s8+$0x0] =	vst v13;
	s8 =	smov.u32 s22  }
0x114: {  	v13 =	vmul.f32 v22, v37;
	v15 =	vadd.f32 v18, v25;
	v10 =	vmul.f32 v10, v16;
	[tilespmem:s4+$0x0] =	vst v56;
	s4 =	smov.u32 s21  }
0x115: {  	v17 =	vmul.f32 v11, v0;
	vm0 =	vge.f32 v5, $5.000000000e-01;
	[tilespmem:s7+$0x0] =	vst v8;
	v8 =	vmul.f32 v9, v16;
	s7 =	smov.u32 s19  }
0x116: {  	v9 =	vmul.f32 v21, v38;
	v13 =	vadd.f32 v13, v23;
	v16 =	vmul.f32 v27, v49;
	[tilespmem:s12+$0x0] =	vst v10  }
0x117: {  	v22 =	vmul.f32 v22, v39;
	v15 =	vadd.f32 v55, v15;
	v10 =	vmul.f32 v21, v41;
	[tilespmem:s5+$0x0] =	vst v8;
	s5 =	smov.u32 s18  }
0x118: {  	v23 =	vmul.f32 v45, v44;
	v9 =	vadd.f32 v30, v9;
	v13 =	vadd.f32 v17, v13  }
0x119: {  	v18 =	vmul.f32 v19, v37;
	v17 =	vmul.f32 v21, v36;
	v21 =	vadd.f32 v16, v15  }
0x11a: {  	v19 =	vmul.f32 v45, v50;
	v9 =	vadd.f32 v61, v9;
	v13 =	vadd.f32 v60, v13;
	v8 =	vld [tilespmem:s3+$0x3800]  }
.Ltmp2:
0x11b: {  	v16 =	vmul.f32 v20, v48;
	v15 =	vadd.f32 v18, v17;
	v18 =	vmul.f32 v20, v49;
	(pc) =	sbr.rel @p0 .LBB2_5-.Ltmp2, $4  }
0x11c: {  	v22 =	vadd.f32 v22, v28;
	v20 =	vmul.f32 v24, v46;
	v24 =	vadd.f32 v19, v13  }
0x11d: {  	v17 =	vadd.f32 v57, v9;
	v19 =	vadd.f32 v26, v10;
	v10 =	vmul.f32 v11, v2  }
0x11e: {  	v13 =	vadd.f32 v59, v31;
	v11 =	vadd.f32 v23, v21;
	v9 =	vmul.f32 v24, v5  }
0x11f: {  	s9 =	sadd.s32 $0x20, s9;
	s10 =	sadd.s32 $0x100, s10;
	s11 =	sadd.s32 $0x10, s11;
	v14 =	vadd.f32 v29, v14;
	v21 =	vadd.f32 v10, v22;
	vm1 =	vge.f32 v8, $5.000000000e-01  }
0x120: {  	v0 =	vadd.f32 v12, v15;
	v2 =	vadd.f32 v20, v19;
	v3 =	vmul.f32 v45, v4  }
0x121: {  	v6 =	vadd.f32 v6, v17;
	v4 =	vmul.f32 v43, v4;
	v7 =	vadd.f32 v7, v21  }
0x122: {  	v10 =	vnsel vm1, $0x0, v8;
	v2 =	vadd.f32 v18, v2;
	v3 =	vadd.f32 v3, v13  }
0x123: {  	v12 =	vmul.f32 v43, v50;
	v0 =	vadd.f32 v16, v0;
	v4 =	vadd.f32 v4, v14  }
0x124: {  	v6 =	vmul.f32 v6, v8;
	v2 =	vadd.f32 v47, v2;
	v3 =	vmul.f32 v3, v5  }
0x125: {  	v7 =	vadd.f32 v52, v7;
	v0 =	vadd.f32 v12, v0;
	v4 =	vmul.f32 v4, v8  }
0x126: {  	v12 =	vnsel vm0, $0x0, v5;
	v2 =	vmul.f32 v2, v8;
	v3 =	vadd.f32 v3, v51  }
0x127: {  	v7 =	vmul.f32 v7, v5;
	v0 =	vmul.f32 v0, v8;
	v4 =	vadd.f32 v4, v51  }
0x128: {  	v5 =	vmul.f32 v11, v5;
	v2 =	vadd.f32 v2, v54;
	v3 =	vmax.f32 v3, $0.0e+00  }
0x129: {  	v4 =	vmax.f32 v4, $0.0e+00;
	v0 =	vadd.f32 v0, v1;
	v3 =	vmul.f32 v3, v12  }
0x12a: {  	v7 =	vadd.f32 v7, v53;
	v4 =	vmul.f32 v4, v10;
	v2 =	vmax.f32 v2, $0.0e+00  }
0x12b: {  	s2 =	sor.u32 $0x7800, s16;
	v0 =	vmax.f32 v0, $0.0e+00;
	[tilespmem:s17+$0x6000] =	vst v3;
	v2 =	vmul.f32 v2, v10;
	v3 =	vadd.f32 v5, v54  }
0x12c: {  	s1 =	sor.u32 s1, s2;
	v6 =	vadd.f32 v6, v53;
	v7 =	vmax.f32 v7, $0.0e+00;
	[tilespmem:s3+$0x6000] =	vst v4;
	v0 =	vmul.f32 v0, v10  }
0x12d: {  	v1 =	vadd.f32 v9, v1;
	v4 =	vmul.f32 v7, v12;
	[tilespmem:s1+$0x0] =	vst v2;
	v3 =	vmax.f32 v3, $0.0e+00  }
0x12e: {  	v5 =	vmax.f32 v6, $0.0e+00;
	[tilespmem:s4+$0x0] =	vst v0;
	v0 =	vmul.f32 v3, v12  }
0x12f: {  	s0 =	sor.u32 s0, s2;
	v1 =	vmax.f32 v1, $0.0e+00;
	v2 =	vmul.f32 v5, v10;
	[tilespmem:s8+$0x0] =	vst v4  }
0x130: {  	v1 =	vmul.f32 v1, v12;
	[tilespmem:s0+$0x0] =	vst v0;
	v0 =	vimm.s32 $0x30  }
0x131: {  	[tilespmem:s7+$0x0] =	vst v2  }
0x132: {  	[tilespmem:s5+$0x0] =	vst v1  }
0x133: {  	s13 =	simm.s32 $0x6000;
	s22 =	simm.s32 $0x12000;
	s0 =	rddreg [dreg:$0x13]  }
0x134: {  	[hbm4b:s0+s28] =	stream.strided.scatter [tilespmem:s13], [sflag:$0x1], $0x2000, s29, s28, $0x38;
	[tilespmem:$0x12380] =	vst v63  }
0x135: {  	v32 =	vld.idx.msk [tilespmem:v0+s22+$0x0], $0xffff;
	v0 =	vimm.s32 $0x31;
	_ =	sdelay $0x4  }
0x136: {  	v33 =	vld.idx.msk [tilespmem:v0+s22+$0x0], $0xffff;
	v0 =	vimm.s32 $0x32;
	_ =	sdelay $0x4  }
0x137: {  	v34 =	vld.idx.msk [tilespmem:v0+s22+$0x0], $0xffff;
	v0 =	vimm.s32 $0x33;
	_ =	sdelay $0x4  }
0x138: {  	v35 =	vld.idx.msk [tilespmem:v0+s22+$0x0], $0xffff;
	v0 =	vimm.s32 $0x34;
	_ =	sdelay $0x4  }
0x139: {  	v36 =	vld.idx.msk [tilespmem:v0+s22+$0x0], $0xffff;
	v0 =	vimm.s32 $0x35;
	_ =	sdelay $0x4  }
0x13a: {  	v37 =	vld.idx.msk [tilespmem:v0+s22+$0x0], $0xffff;
	v0 =	vimm.s32 $0x36;
	_ =	sdelay $0x4  }
0x13b: {  	v38 =	vld.idx.msk [tilespmem:v0+s22+$0x0], $0xffff;
	v0 =	vimm.s32 $0x37;
	_ =	sdelay $0x4  }
0x13c: {  	v39 =	vld.idx.msk [tilespmem:v0+s22+$0x0], $0xffff;
	v0 =	vimm.s32 $0x38;
	_ =	sdelay $0x4  }
0x13d: {  	v40 =	vld.idx.msk [tilespmem:v0+s22+$0x0], $0xffff;
	v0 =	vimm.s32 $0x39;
	_ =	sdelay $0x4  }
0x13e: {  	v41 =	vld.idx.msk [tilespmem:v0+s22+$0x0], $0xffff;
	v0 =	vimm.s32 $0x3A;
	_ =	sdelay $0x4  }
0x13f: {  	v42 =	vld.idx.msk [tilespmem:v0+s22+$0x0], $0xffff;
	v0 =	vimm.s32 $0x3B;
	_ =	sdelay $0x4  }
0x140: {  	v43 =	vld.idx.msk [tilespmem:v0+s22+$0x0], $0xffff;
	v0 =	vimm.s32 $0x3E;
	_ =	sdelay $0x4  }
0x141: {  	v44 =	vld.idx.msk [tilespmem:v0+s22+$0x0], $0xffff;
	v0 =	vimm.s32 $0x3F;
	_ =	sdelay $0x4  }
0x142: {  	v45 =	vld.idx.msk [tilespmem:v0+s22+$0x0], $0xffff;
	v0 =	vimm.s32 $0x40;
	_ =	sdelay $0x3  }
0x143: {  	s14 =	simm.s32 $0x0  }
0x144: {  	s15 =	sand.u32 $0x400, s14;
	s16 =	sand.u32 $0x380, s14;
	v46 =	vld.idx.msk [tilespmem:v0+s22+$0x0], $0xffff;
	v0 =	vimm.s32 $0x41  }
0x145: {  	s1 =	sor.u32 s16, s15  }
0x146: {  	s17 =	sor.u32 $0x800, s1;
	s0 =	sand.u32 $0x60, s14  }
0x147: {  	v3 =	vimm.s32 $0x43;
	s19 =	sor.u32 s0, s17  }
0x148: {  	v1 =	vld [tilespmem:s19+$0x0]  }
0x149: {  	s2 =	sor.u32 s0, s1;
	v47 =	vld.idx.msk [tilespmem:v0+s22+$0x0], $0xffff  }
0x14a: {  	v0 =	vld [tilespmem:s2+$0x0]  }
0x14b: {  	s18 =	sor.u32 $0x2000, s1  }
0x14c: {  	v7 =	vimm.s32 $0x42;
	s6 =	sor.u32 s0, s18;
	s3 =	sor.u32 $0x10, s0;
	v48 =	vld.idx.msk [tilespmem:v3+s22+$0x0], $0xffff  }
0x14d: {  	v2 =	vld [tilespmem:s6+$0x0];
	s20 =	sor.u32 s3, s1  }
0x14e: {  	v9 =	vld [tilespmem:s20+$0x0]  }
0x14f: {  	s4 =	sor.u32 s3, s17;
	v6 =	vmul.f32 v1, v33;
	v3 =	vmul.f32 v0, v32  }
0x150: {  	s21 =	sor.u32 $0x1000, s1;
	v5 =	vld [tilespmem:s4+$0x0];
	v4 =	vmul.f32 v0, v37;
	v8 =	vmul.f32 v0, v42  }
0x151: {  	v50 =	vld.idx.msk [tilespmem:v7+s22+$0x0], $0xffff;
	s23 =	sor.u32 s3, s21;
	v0 =	vmul.f32 v0, v45;
	v3 =	vadd.f32 v6, v3;
	v6 =	vmul.f32 v1, v46  }
0x152: {  	s24 =	sor.u32 $0x1800, s1;
	s4 =	sor.u32 s0, s21;
	v12 =	vld [tilespmem:s23+$0x0];
	v7 =	vmul.f32 v2, v48  }
0x153: {  	s25 =	sor.u32 s3, s24;
	v11 =	vld [tilespmem:s4+$0x0];
	v13 =	vmul.f32 v9, v32;
	v6 =	vadd.f32 v6, v0;
	v0 =	vimm.s32 $0x3C  }
0x154: {  	s26 =	sor.u32 s0, s24;
	v52 =	vld [tilespmem:s25+$0x0];
	v16 =	vmul.f32 v1, v43;
	v1 =	vmul.f32 v1, v38  }
0x155: {  	v17 =	vld [tilespmem:s26+$0x0];
	v10 =	vmul.f32 v5, v33;
	v18 =	vmul.f32 v2, v36  }
0x156: {  	v15 =	vmul.f32 v2, v41;
	v4 =	vadd.f32 v1, v4;
	v1 =	vimm.s32 $0x3D  }
0x157: {  	v14 =	vmul.f32 v2, v44;
	v2 =	vadd.f32 v10, v13;
	v10 =	vmul.f32 v12, v34  }
0x158: {  	v24 =	vmul.f32 v11, v34;
	v13 =	vmul.f32 v11, v47;
	v0 =	vld.idx.msk [tilespmem:v0+s22+$0x0], $0xffff  }
0x159: {  	v20 =	vmul.f32 v52, v35;
	v22 =	vmul.f32 v11, v39;
	v2 =	vadd.f32 v10, v2  }
0x15a: {  	v23 =	vmul.f32 v17, v50;
	v3 =	vadd.f32 v24, v3;
	v10 =	vadd.f32 v13, v6  }
0x15b: {  	v13 =	vadd.f32 v20, v2;
	v2 =	vadd.f32 v22, v4;
	v4 =	vmul.f32 v17, v35;
	v1 =	vld.idx.msk [tilespmem:v1+s22+$0x0], $0xffff  }
0x15c: {  	v16 =	vadd.f32 v16, v8;
	v22 =	vmul.f32 v9, v37;
	v10 =	vadd.f32 v23, v10  }
0x15d: {  	v23 =	vmul.f32 v5, v38;
	v3 =	vadd.f32 v4, v3;
	v4 =	vmul.f32 v11, v0  }
0x15e: {  	v11 =	vmul.f32 v17, v40  }
0x15f: {  	v22 =	vadd.f32 v23, v22;
	v4 =	vadd.f32 v4, v16;
	v16 =	vmul.f32 v12, v39  }
0x160: {  	v17 =	vmul.f32 v17, v1;
	v2 =	vadd.f32 v11, v2  }
0x161: {  	v23 =	vadd.f32 v18, v3;
	v18 =	vmul.f32 v5, v46;
	v16 =	vadd.f32 v16, v22  }
0x162: {  	v4 =	vadd.f32 v17, v4;
	v22 =	vadd.f32 v15, v2;
	v2 =	vmul.f32 v9, v45;
	_ =	sdelay $0x1  }
0x163: {  	v63 =	vadd.f32 v14, v4;
	v14 =	vadd.f32 v18, v2;
	v2 =	vimm.s32 $0x61  }
0x164: {  	s30 =	sor.u32 s3, s18;
	v49 =	vld [tilespmem:s20+$0x3800]  }
0x165: {  	v21 =	vld [tilespmem:s30+$0x0]  }
0x166: {  	v3 =	vimm.s32 $0x60  }
0x167: {  	v6 =	vld [tilespmem:s2+$0x3800]  }
0x168: {  	v4 =	vld.idx.msk [tilespmem:v2+s22+$0x0], $0xffff;
	v2 =	vimm.s32 $0x62;
	_ =	sdelay $0x1  }
0x169: {  	vm0 =	vge.f32 v49, $5.000000000e-01;
	v19 =	vmul.f32 v52, v40;
	v8 =	vmul.f32 v21, v44  }
0x16a: {  	v20 =	vmul.f32 v12, v47;
	v3 =	vld.idx.msk [tilespmem:v3+s22+$0x0], $0xffff;
	v18 =	vmul.f32 v5, v43;
	v5 =	vimm.s32 $0x63  }
0x16b: {  	vm1 =	vge.f32 v6, $5.000000000e-01;
	v23 =	vmul.f32 v23, v6;
	v11 =	vmul.f32 v21, v48  }
0x16c: {  	v15 =	vmul.f32 v12, v0;
	v12 =	vadd.f32 v19, v16;
	v16 =	vmul.f32 v21, v41;
	v2 =	vld.idx.msk [tilespmem:v2+s22+$0x0], $0xffff  }
0x16d: {  	s9 =	simm.s32 $0x10;
	v51 =	vnsel vm1, $0x0, v6;
	v17 =	vmul.f32 v52, v50;
	v19 =	vmul.f32 v9, v42  }
0x16e: {  	s8 =	simm.s32 $0x100;
	s31 =	sor.u32 $0x9000, s1;
	s7 =	simm.s32 $0x20;
	v12 =	vadd.f32 v16, v12;
	v16 =	vmul.f32 v22, v6;
	v22 =	vmul.f32 v21, v36  }
0x16f: {  	s5 =	sor.u32 s0, s31;
	s6 =	simm.s32 $0x0;
	s4 =	sor.u32 s3, s31;
	v20 =	vadd.f32 v20, v14;
	v14 =	vadd.f32 v23, v3;
	v21 =	vmul.f32 v63, v6;
	v5 =	vld.idx.msk [tilespmem:v5+s22+$0x0], $0xffff  }
.LBB2_7:
0x170: {  	s10 =	sand.u32 $0x400, s8;
	s11 =	sand.u32 $0x380, s9;
	s6 =	sadd.s32 $0x2, s6;
	v9 =	vnsel vm0, $0x0, v49;
	v13 =	vadd.f32 v22, v13;
	v18 =	vadd.f32 v18, v19  }
0x171: {  	s2 =	sand.u32 $0x60, s7;
	s10 =	sor.u32 s11, s10;
	p0 =	slt.u32 s6, $0x7E;
	v19 =	vadd.f32 v21, v2;
	v21 =	vmul.f32 v52, v1;
	v17 =	vadd.f32 v17, v20  }
0x172: {  	v12 =	vmul.f32 v12, v49;
	s14 =	sor.u32 s2, s10;
	s12 =	sor.u32 $0x800, s10;
	s13 =	sor.u32 $0x2000, s10;
	v13 =	vmul.f32 v13, v49;
	v15 =	vadd.f32 v15, v18  }
0x173: {  	v7 =	vadd.f32 v7, v10;
	s15 =	sor.u32 $0x1000, s10;
	s16 =	sor.u32 $0x1800, s10;
	v18 =	vld [tilespmem:s14+$0x0];
	s11 =	sor.u32 s2, s12;
	v19 =	vmax.f32 v19, $0.0e+00;
	v10 =	vadd.f32 v11, v17  }
0x174: {  	s18 =	sor.u32 $0x9000, s10;
	s17 =	sor.u32 s2, s13;
	v11 =	vld [tilespmem:s11+$0x0];
	s11 =	sor.u32 $0x10, s2;
	v17 =	vmul.f32 v19, v51;
	v19 =	vadd.f32 v12, v4;
	v15 =	vadd.f32 v21, v15  }
0x175: {  	v6 =	vmul.f32 v7, v6;
	s19 =	sor.u32 s2, s15;
	s20 =	sor.u32 s2, s16;
	v7 =	vadd.f32 v13, v3;
	v20 =	vld [tilespmem:s17+$0x0];
	s12 =	sor.u32 s11, s12;
	v10 =	vmul.f32 v10, v49  }
0x176: {  	v13 =	vadd.f32 v16, v4;
	s17 =	sor.u32 s11, s10;
	v12 =	vld [tilespmem:s12+$0x0];
	s12 =	sor.u32 s11, s15;
	s15 =	sor.u32 s11, s16;
	[tilespmem:s5+$0x0] =	vst v17;
	v16 =	vmax.f32 v19, $0.0e+00;
	v8 =	vadd.f32 v8, v15  }
0x177: {  	v14 =	vmax.f32 v14, $0.0e+00;
	s21 =	sor.u32 $0x8800, s1;
	s5 =	sor.u32 s2, s18;
	s16 =	sor.u32 s11, s13;
	v52 =	vld [tilespmem:s15+$0x0];
	v15 =	vmul.f32 v16, v9;
	v10 =	vadd.f32 v10, v5  }
0x178: {  	s13 =	sor.u32 s11, s18;
	v13 =	vmax.f32 v13, $0.0e+00;
	s18 =	sor.u32 s3, s21;
	s15 =	sor.u32 s0, s21;
	v16 =	vld [tilespmem:s20+$0x0];
	v17 =	vmul.f32 v18, v32;
	v19 =	vmul.f32 v18, v37  }
0x179: {  	v8 =	vmul.f32 v8, v49;
	v21 =	vmul.f32 v11, v33;
	v22 =	vld [tilespmem:s17+$0x0];
	[tilespmem:s18+$0x0] =	vst v15;
	v10 =	vmax.f32 v10, $0.0e+00  }
0x17a: {  	v7 =	vmax.f32 v7, $0.0e+00;
	v23 =	vmul.f32 v18, v42;
	v24 =	vmul.f32 v20, v44;
	v15 =	vld [tilespmem:s12+$0x0]  }
0x17b: {  	v7 =	vmul.f32 v7, v9;
	v18 =	vmul.f32 v18, v45;
	s12 =	sor.u32 $0x8000, s1;
	v17 =	vadd.f32 v21, v17;
	v49 =	vld [tilespmem:s17+$0x3800]  }
0x17c: {  	v25 =	vmul.f32 v20, v41;
	v8 =	vadd.f32 v8, v2;
	v26 =	vmul.f32 v12, v33;
	s17 =	sor.u32 s0, s12;
	s12 =	sor.u32 s3, s12;
	v21 =	vld [tilespmem:s19+$0x0]  }
0x17d: {  	v30 =	vadd.f32 v6, v5;
	v27 =	vmul.f32 v11, v43;
	v28 =	vmul.f32 v11, v46;
	v29 =	vld [tilespmem:s16+$0x0];
	[tilespmem:s12+$0x0] =	vst v7  }
0x17e: {  	v31 =	vmul.f32 v20, v36;
	v54 =	vmax.f32 v8, $0.0e+00;
	v53 =	vmul.f32 v22, v32  }
0x17f: {  	v18 =	vadd.f32 v28, v18;
	v7 =	vmul.f32 v20, v48;
	v20 =	vmul.f32 v52, v40;
	v6 =	vld [tilespmem:s14+$0x3800]  }
0x180: {  	v10 =	vmul.f32 v10, v9;
	s12 =	sor.u32 $0x9800, s1;
	s1 =	smov.u32 s10;
	v28 =	vmul.f32 v15, v47;
	v26 =	vadd.f32 v26, v53  }
0x181: {  	v30 =	vmax.f32 v30, $0.0e+00;
	v55 =	vmul.f32 v52, v35;
	s10 =	sor.u32 s0, s12;
	s3 =	sor.u32 s3, s12;
	s0 =	smov.u32 s2;
	v53 =	vmul.f32 v21, v47  }
0x182: {  	v30 =	vmul.f32 v30, v51;
	vm0 =	vge.f32 v49, $5.000000000e-01;
	v8 =	vmul.f32 v29, v44;
	[tilespmem:s3+$0x0] =	vst v10;
	s3 =	smov.u32 s11  }
0x183: {  	v13 =	vmul.f32 v13, v51;
	v10 =	vadd.f32 v53, v18;
	v18 =	vmul.f32 v15, v34  }
0x184: {  	v56 =	vmul.f32 v16, v50;
	v53 =	vmul.f32 v11, v38;
	vm1 =	vge.f32 v6, $5.000000000e-01;
	[tilespmem:s10+$0x0] =	vst v30  }
0x185: {  	v14 =	vmul.f32 v14, v51;
	v11 =	vmul.f32 v29, v48;
	v18 =	vadd.f32 v18, v26;
	[tilespmem:s15+$0x0] =	vst v13  }
0x186: {  	v30 =	vmul.f32 v22, v37;
	v19 =	vadd.f32 v53, v19;
	v26 =	vmul.f32 v21, v39  }
0x187: {  	v9 =	vmul.f32 v54, v9;
	v53 =	vmul.f32 v21, v34;
	v13 =	vadd.f32 v55, v18;
	[tilespmem:s17+$0x0] =	vst v14  }
0x188: {  	v10 =	vadd.f32 v56, v10;
	v14 =	vadd.f32 v26, v19;
	v18 =	vmul.f32 v16, v40  }
0x189: {  	v51 =	vnsel vm1, $0x0, v6;
	v19 =	vmul.f32 v12, v38;
	v26 =	vmul.f32 v15, v39;
	[tilespmem:s4+$0x0] =	vst v9;
	s4 =	smov.u32 s13  }
0x18a: {  	v15 =	vmul.f32 v15, v0;
	v9 =	vadd.f32 v53, v17;
	v17 =	vmul.f32 v16, v35  }
0x18b: {  	v23 =	vadd.f32 v27, v23;
	v21 =	vmul.f32 v21, v0;
	v16 =	vmul.f32 v16, v1  }
0x18c: {  	v27 =	vmul.f32 v29, v41;
	v19 =	vadd.f32 v19, v30;
	v9 =	vadd.f32 v17, v9  }
0x18d: {  	v14 =	vadd.f32 v18, v14;
	v18 =	vadd.f32 v21, v23;
	v17 =	vmul.f32 v52, v50  }
0x18e: {  	v21 =	vmul.f32 v12, v46;
	v19 =	vadd.f32 v26, v19;
	v9 =	vadd.f32 v31, v9  }
.Ltmp3:
0x18f: {  	v16 =	vadd.f32 v16, v18;
	v18 =	vmul.f32 v12, v43;
	v12 =	vmul.f32 v22, v45;
	(pc) =	sbr.rel @p0 .LBB2_7-.Ltmp3, $4  }
0x190: {  	v23 =	vadd.f32 v25, v14;
	v20 =	vadd.f32 v20, v19;
	v9 =	vmul.f32 v9, v6  }
0x191: {  	v24 =	vadd.f32 v24, v16;
	v19 =	vmul.f32 v22, v42;
	v25 =	vadd.f32 v21, v12  }
0x192: {  	v16 =	vmul.f32 v23, v6;
	v22 =	vmul.f32 v29, v36;
	v14 =	vadd.f32 v9, v3  }
0x193: {  	s7 =	sadd.s32 $0x20, s7;
	s8 =	sadd.s32 $0x100, s8;
	s9 =	sadd.s32 $0x10, s9;
	v21 =	vmul.f32 v24, v6;
	v12 =	vadd.f32 v27, v20;
	v20 =	vadd.f32 v28, v25  }
0x194: {  	v0 =	vadd.f32 v18, v19;
	_ =	sdelay $0x1  }
0x195: {  	v1 =	vmul.f32 v52, v1;
	v17 =	vadd.f32 v17, v20;
	v0 =	vadd.f32 v15, v0  }
0x196: {  	v9 =	vnsel vm0, $0x0, v49;
	v13 =	vadd.f32 v22, v13;
	v18 =	vadd.f32 v21, v2  }
0x197: {  	v12 =	vmul.f32 v12, v49;
	v11 =	vadd.f32 v11, v17;
	v0 =	vadd.f32 v1, v0  }
0x198: {  	v7 =	vadd.f32 v7, v10;
	v13 =	vmul.f32 v13, v49;
	v15 =	vmax.f32 v18, $0.0e+00  }
0x199: {  	v12 =	vadd.f32 v12, v4;
	v1 =	vmul.f32 v11, v49;
	v0 =	vadd.f32 v8, v0  }
0x19a: {  	v6 =	vmul.f32 v7, v6;
	v10 =	vmul.f32 v15, v51;
	v3 =	vadd.f32 v13, v3  }
0x19b: {  	v7 =	vmax.f32 v12, $0.0e+00;
	v1 =	vadd.f32 v1, v5;
	v0 =	vmul.f32 v0, v49  }
0x19c: {  	s2 =	sor.u32 $0x8800, s1;
	v7 =	vmul.f32 v7, v9;
	v3 =	vmax.f32 v3, $0.0e+00;
	v5 =	vadd.f32 v6, v5  }
0x19d: {  	s6 =	sor.u32 $0x8000, s1;
	s9 =	sor.u32 s3, s2;
	[tilespmem:s5+$0x0] =	vst v10;
	v3 =	vmul.f32 v3, v9;
	v1 =	vmax.f32 v1, $0.0e+00;
	v0 =	vadd.f32 v0, v2  }
0x19e: {  	s11 =	sor.u32 $0x9800, s1;
	s10 =	sor.u32 s3, s6;
	v4 =	vadd.f32 v16, v4;
	[tilespmem:s9+$0x0] =	vst v7;
	v5 =	vmax.f32 v5, $0.0e+00;
	v1 =	vmul.f32 v1, v9  }
0x19f: {  	s12 =	sor.u32 s3, s11;
	[tilespmem:s10+$0x0] =	vst v3;
	v2 =	vmul.f32 v5, v51;
	v0 =	vmax.f32 v0, $0.0e+00  }
0x1a0: {  	s1 =	sor.u32 s0, s11;
	v4 =	vmax.f32 v4, $0.0e+00;
	[tilespmem:s12+$0x0] =	vst v1;
	v0 =	vmul.f32 v0, v9  }
0x1a1: {  	v3 =	vmax.f32 v14, $0.0e+00;
	v1 =	vmul.f32 v4, v51;
	[tilespmem:s1+$0x0] =	vst v2  }
0x1a2: {  	s2 =	sor.u32 s0, s2;
	v2 =	vmul.f32 v3, v51;
	[tilespmem:s4+$0x0] =	vst v0;
	v0 =	vimm.s32 $0x44  }
0x1a3: {  	s13 =	sor.u32 s0, s6;
	[tilespmem:s2+$0x0] =	vst v1  }
0x1a4: {  	[tilespmem:s13+$0x0] =	vst v2  }
0x1a5: {  	s14 =	simm.s32 $0x8000;
	s0 =	rddreg [dreg:$0x14]  }
0x1a6: {  	[hbm4b:s0+s28] =	stream.strided.scatter [tilespmem:s14], [sflag:$0x1], $0x2000, s29, s28, $0x38;
	[tilespmem:$0x12380] =	vst v63  }
0x1a7: {  	v32 =	vld.idx.msk [tilespmem:v0+s22+$0x0], $0xffff;
	v0 =	vimm.s32 $0x45;
	_ =	sdelay $0x4  }
0x1a8: {  	v33 =	vld.idx.msk [tilespmem:v0+s22+$0x0], $0xffff;
	v0 =	vimm.s32 $0x46;
	_ =	sdelay $0x4  }
0x1a9: {  	v34 =	vld.idx.msk [tilespmem:v0+s22+$0x0], $0xffff;
	v0 =	vimm.s32 $0x47;
	_ =	sdelay $0x4  }
0x1aa: {  	v35 =	vld.idx.msk [tilespmem:v0+s22+$0x0], $0xffff;
	v0 =	vimm.s32 $0x48;
	_ =	sdelay $0x4  }
0x1ab: {  	v36 =	vld.idx.msk [tilespmem:v0+s22+$0x0], $0xffff;
	v0 =	vimm.s32 $0x49;
	_ =	sdelay $0x4  }
0x1ac: {  	v37 =	vld.idx.msk [tilespmem:v0+s22+$0x0], $0xffff;
	v0 =	vimm.s32 $0x4A;
	_ =	sdelay $0x4  }
0x1ad: {  	v38 =	vld.idx.msk [tilespmem:v0+s22+$0x0], $0xffff;
	v0 =	vimm.s32 $0x4B;
	_ =	sdelay $0x4  }
0x1ae: {  	v39 =	vld.idx.msk [tilespmem:v0+s22+$0x0], $0xffff;
	v0 =	vimm.s32 $0x4C;
	_ =	sdelay $0x4  }
0x1af: {  	v40 =	vld.idx.msk [tilespmem:v0+s22+$0x0], $0xffff;
	v0 =	vimm.s32 $0x4D;
	_ =	sdelay $0x4  }
0x1b0: {  	v41 =	vld.idx.msk [tilespmem:v0+s22+$0x0], $0xffff;
	v0 =	vimm.s32 $0x4E;
	_ =	sdelay $0x4  }
0x1b1: {  	v42 =	vld.idx.msk [tilespmem:v0+s22+$0x0], $0xffff;
	v0 =	vimm.s32 $0x4F;
	_ =	sdelay $0x4  }
0x1b2: {  	v43 =	vld.idx.msk [tilespmem:v0+s22+$0x0], $0xffff;
	v0 =	vimm.s32 $0x52;
	_ =	sdelay $0x4  }
0x1b3: {  	v44 =	vld.idx.msk [tilespmem:v0+s22+$0x0], $0xffff;
	v0 =	vimm.s32 $0x53;
	_ =	sdelay $0x4  }
0x1b4: {  	v45 =	vld.idx.msk [tilespmem:v0+s22+$0x0], $0xffff;
	v0 =	vimm.s32 $0x54;
	_ =	sdelay $0x3  }
0x1b5: {  	s15 =	simm.s32 $0x0  }
0x1b6: {  	s16 =	sand.u32 $0x400, s15;
	s17 =	sand.u32 $0x380, s15;
	v46 =	vld.idx.msk [tilespmem:v0+s22+$0x0], $0xffff;
	v0 =	vimm.s32 $0x55  }
0x1b7: {  	s1 =	sor.u32 s17, s16  }
0x1b8: {  	s18 =	sor.u32 $0x800, s1;
	s0 =	sand.u32 $0x60, s15  }
0x1b9: {  	v3 =	vimm.s32 $0x57;
	s20 =	sor.u32 s0, s18  }
0x1ba: {  	v1 =	vld [tilespmem:s20+$0x0]  }
0x1bb: {  	s2 =	sor.u32 s0, s1;
	v47 =	vld.idx.msk [tilespmem:v0+s22+$0x0], $0xffff  }
0x1bc: {  	v0 =	vld [tilespmem:s2+$0x0]  }
0x1bd: {  	s19 =	sor.u32 $0x2000, s1  }
0x1be: {  	v7 =	vimm.s32 $0x56;
	s21 =	sor.u32 s0, s19;
	s3 =	sor.u32 $0x10, s0;
	v48 =	vld.idx.msk [tilespmem:v3+s22+$0x0], $0xffff  }
0x1bf: {  	v2 =	vld [tilespmem:s21+$0x0];
	s23 =	sor.u32 s3, s1  }
0x1c0: {  	v9 =	vld [tilespmem:s23+$0x0]  }
0x1c1: {  	s4 =	sor.u32 s3, s18;
	v6 =	vmul.f32 v1, v33;
	v3 =	vmul.f32 v0, v32  }
0x1c2: {  	s24 =	sor.u32 $0x1000, s1;
	v5 =	vld [tilespmem:s4+$0x0];
	v4 =	vmul.f32 v0, v37;
	v8 =	vmul.f32 v0, v42  }
0x1c3: {  	v50 =	vld.idx.msk [tilespmem:v7+s22+$0x0], $0xffff;
	s7 =	sor.u32 s3, s24;
	v0 =	vmul.f32 v0, v45;
	v3 =	vadd.f32 v6, v3;
	v6 =	vmul.f32 v1, v46  }
0x1c4: {  	s8 =	sor.u32 $0x1800, s1;
	s4 =	sor.u32 s0, s24;
	v12 =	vld [tilespmem:s7+$0x0];
	v7 =	vmul.f32 v2, v48  }
0x1c5: {  	s25 =	sor.u32 s3, s8;
	v11 =	vld [tilespmem:s4+$0x0];
	v13 =	vmul.f32 v9, v32;
	v6 =	vadd.f32 v6, v0;
	v0 =	vimm.s32 $0x50  }
0x1c6: {  	s26 =	sor.u32 s0, s8;
	v52 =	vld [tilespmem:s25+$0x0];
	v16 =	vmul.f32 v1, v43;
	v1 =	vmul.f32 v1, v38  }
0x1c7: {  	v17 =	vld [tilespmem:s26+$0x0];
	v10 =	vmul.f32 v5, v33;
	v18 =	vmul.f32 v2, v36  }
0x1c8: {  	v15 =	vmul.f32 v2, v41;
	v4 =	vadd.f32 v1, v4;
	v1 =	vimm.s32 $0x51  }
0x1c9: {  	v14 =	vmul.f32 v2, v44;
	v2 =	vadd.f32 v10, v13;
	v10 =	vmul.f32 v12, v34  }
0x1ca: {  	v24 =	vmul.f32 v11, v34;
	v13 =	vmul.f32 v11, v47;
	v0 =	vld.idx.msk [tilespmem:v0+s22+$0x0], $0xffff  }
0x1cb: {  	v20 =	vmul.f32 v52, v35;
	v22 =	vmul.f32 v11, v39;
	v2 =	vadd.f32 v10, v2  }
0x1cc: {  	v23 =	vmul.f32 v17, v50;
	v3 =	vadd.f32 v24, v3;
	v10 =	vadd.f32 v13, v6  }
0x1cd: {  	v13 =	vadd.f32 v20, v2;
	v2 =	vadd.f32 v22, v4;
	v4 =	vmul.f32 v17, v35;
	v1 =	vld.idx.msk [tilespmem:v1+s22+$0x0], $0xffff  }
0x1ce: {  	v16 =	vadd.f32 v16, v8;
	v22 =	vmul.f32 v9, v37;
	v10 =	vadd.f32 v23, v10  }
0x1cf: {  	v23 =	vmul.f32 v5, v38;
	v3 =	vadd.f32 v4, v3;
	v4 =	vmul.f32 v11, v0  }
0x1d0: {  	v11 =	vmul.f32 v17, v40  }
0x1d1: {  	v22 =	vadd.f32 v23, v22;
	v4 =	vadd.f32 v4, v16;
	v16 =	vmul.f32 v12, v39  }
0x1d2: {  	v17 =	vmul.f32 v17, v1;
	v2 =	vadd.f32 v11, v2  }
0x1d3: {  	v23 =	vadd.f32 v18, v3;
	v18 =	vmul.f32 v5, v46;
	v16 =	vadd.f32 v16, v22  }
0x1d4: {  	v4 =	vadd.f32 v17, v4;
	v22 =	vadd.f32 v15, v2;
	v2 =	vmul.f32 v9, v45;
	_ =	sdelay $0x1  }
0x1d5: {  	v63 =	vadd.f32 v14, v4;
	v14 =	vadd.f32 v18, v2;
	v2 =	vimm.s32 $0x65  }
0x1d6: {  	s30 =	sor.u32 s3, s19;
	v49 =	vld [tilespmem:s23+$0x3800]  }
0x1d7: {  	v21 =	vld [tilespmem:s30+$0x0]  }
0x1d8: {  	v3 =	vimm.s32 $0x64  }
0x1d9: {  	v6 =	vld [tilespmem:s2+$0x3800]  }
0x1da: {  	v4 =	vld.idx.msk [tilespmem:v2+s22+$0x0], $0xffff;
	v2 =	vimm.s32 $0x66;
	_ =	sdelay $0x1  }
0x1db: {  	vm0 =	vge.f32 v49, $5.000000000e-01;
	v19 =	vmul.f32 v52, v40;
	v8 =	vmul.f32 v21, v44  }
0x1dc: {  	v20 =	vmul.f32 v12, v47;
	v3 =	vld.idx.msk [tilespmem:v3+s22+$0x0], $0xffff;
	v18 =	vmul.f32 v5, v43;
	v5 =	vimm.s32 $0x67  }
0x1dd: {  	vm1 =	vge.f32 v6, $5.000000000e-01;
	v23 =	vmul.f32 v23, v6;
	v11 =	vmul.f32 v21, v48  }
0x1de: {  	v15 =	vmul.f32 v12, v0;
	v12 =	vadd.f32 v19, v16;
	v16 =	vmul.f32 v21, v41;
	v2 =	vld.idx.msk [tilespmem:v2+s22+$0x0], $0xffff  }
0x1df: {  	s31 =	sor.u32 $0xB000, s1;
	v51 =	vnsel vm1, $0x0, v6;
	v17 =	vmul.f32 v52, v50;
	v19 =	vmul.f32 v9, v42  }
0x1e0: {  	s6 =	simm.s32 $0x0;
	s9 =	simm.s32 $0x10;
	s5 =	sor.u32 s0, s31;
	v12 =	vadd.f32 v16, v12;
	v16 =	vmul.f32 v22, v6;
	v22 =	vmul.f32 v21, v36  }
0x1e1: {  	s8 =	simm.s32 $0x100;
	s7 =	simm.s32 $0x20;
	s4 =	sor.u32 s3, s31;
	v20 =	vadd.f32 v20, v14;
	v14 =	vadd.f32 v23, v3;
	v21 =	vmul.f32 v63, v6;
	v5 =	vld.idx.msk [tilespmem:v5+s22+$0x0], $0xffff  }
.LBB2_9:
0x1e2: {  	s10 =	sand.u32 $0x400, s8;
	s11 =	sand.u32 $0x380, s9;
	s6 =	sadd.s32 $0x2, s6;
	v9 =	vnsel vm0, $0x0, v49;
	v13 =	vadd.f32 v22, v13;
	v18 =	vadd.f32 v18, v19  }
0x1e3: {  	s2 =	sand.u32 $0x60, s7;
	s10 =	sor.u32 s11, s10;
	p0 =	slt.u32 s6, $0x7E;
	v19 =	vadd.f32 v21, v2;
	v21 =	vmul.f32 v52, v1;
	v17 =	vadd.f32 v17, v20  }
0x1e4: {  	v12 =	vmul.f32 v12, v49;
	s14 =	sor.u32 s2, s10;
	s12 =	sor.u32 $0x800, s10;
	s13 =	sor.u32 $0x2000, s10;
	v13 =	vmul.f32 v13, v49;
	v15 =	vadd.f32 v15, v18  }
0x1e5: {  	v7 =	vadd.f32 v7, v10;
	s15 =	sor.u32 $0x1000, s10;
	s16 =	sor.u32 $0x1800, s10;
	v18 =	vld [tilespmem:s14+$0x0];
	s11 =	sor.u32 s2, s12;
	v19 =	vmax.f32 v19, $0.0e+00;
	v10 =	vadd.f32 v11, v17  }
0x1e6: {  	s18 =	sor.u32 $0xB000, s10;
	s17 =	sor.u32 s2, s13;
	v11 =	vld [tilespmem:s11+$0x0];
	s11 =	sor.u32 $0x10, s2;
	v17 =	vmul.f32 v19, v51;
	v19 =	vadd.f32 v12, v4;
	v15 =	vadd.f32 v21, v15  }
0x1e7: {  	v6 =	vmul.f32 v7, v6;
	s19 =	sor.u32 s2, s15;
	s20 =	sor.u32 s2, s16;
	v7 =	vadd.f32 v13, v3;
	v20 =	vld [tilespmem:s17+$0x0];
	s12 =	sor.u32 s11, s12;
	v10 =	vmul.f32 v10, v49  }
0x1e8: {  	v13 =	vadd.f32 v16, v4;
	s17 =	sor.u32 s11, s10;
	v12 =	vld [tilespmem:s12+$0x0];
	s12 =	sor.u32 s11, s15;
	s15 =	sor.u32 s11, s16;
	[tilespmem:s5+$0x0] =	vst v17;
	v16 =	vmax.f32 v19, $0.0e+00;
	v8 =	vadd.f32 v8, v15  }
0x1e9: {  	v14 =	vmax.f32 v14, $0.0e+00;
	s21 =	sor.u32 $0xA800, s1;
	s5 =	sor.u32 s2, s18;
	s16 =	sor.u32 s11, s13;
	v52 =	vld [tilespmem:s15+$0x0];
	v15 =	vmul.f32 v16, v9;
	v10 =	vadd.f32 v10, v5  }
0x1ea: {  	s13 =	sor.u32 s11, s18;
	v13 =	vmax.f32 v13, $0.0e+00;
	s18 =	sor.u32 s3, s21;
	s15 =	sor.u32 s0, s21;
	v16 =	vld [tilespmem:s20+$0x0];
	v17 =	vmul.f32 v18, v32;
	v19 =	vmul.f32 v18, v37  }
0x1eb: {  	v8 =	vmul.f32 v8, v49;
	v21 =	vmul.f32 v11, v33;
	v22 =	vld [tilespmem:s17+$0x0];
	[tilespmem:s18+$0x0] =	vst v15;
	v10 =	vmax.f32 v10, $0.0e+00  }
0x1ec: {  	v7 =	vmax.f32 v7, $0.0e+00;
	v23 =	vmul.f32 v18, v42;
	v24 =	vmul.f32 v20, v44;
	v15 =	vld [tilespmem:s12+$0x0]  }
0x1ed: {  	v7 =	vmul.f32 v7, v9;
	v18 =	vmul.f32 v18, v45;
	s12 =	sor.u32 $0xA000, s1;
	v17 =	vadd.f32 v21, v17;
	v49 =	vld [tilespmem:s17+$0x3800]  }
0x1ee: {  	v25 =	vmul.f32 v20, v41;
	v8 =	vadd.f32 v8, v2;
	v26 =	vmul.f32 v12, v33;
	s17 =	sor.u32 s0, s12;
	s12 =	sor.u32 s3, s12;
	v21 =	vld [tilespmem:s19+$0x0]  }
0x1ef: {  	v30 =	vadd.f32 v6, v5;
	v27 =	vmul.f32 v11, v43;
	v28 =	vmul.f32 v11, v46;
	v29 =	vld [tilespmem:s16+$0x0];
	[tilespmem:s12+$0x0] =	vst v7  }
0x1f0: {  	v31 =	vmul.f32 v20, v36;
	v54 =	vmax.f32 v8, $0.0e+00;
	v53 =	vmul.f32 v22, v32  }
0x1f1: {  	v18 =	vadd.f32 v28, v18;
	v7 =	vmul.f32 v20, v48;
	v20 =	vmul.f32 v52, v40;
	v6 =	vld [tilespmem:s14+$0x3800]  }
0x1f2: {  	v10 =	vmul.f32 v10, v9;
	s12 =	sor.u32 $0xB800, s1;
	s1 =	smov.u32 s10;
	v28 =	vmul.f32 v15, v47;
	v26 =	vadd.f32 v26, v53  }
0x1f3: {  	v30 =	vmax.f32 v30, $0.0e+00;
	v55 =	vmul.f32 v52, v35;
	s10 =	sor.u32 s0, s12;
	s3 =	sor.u32 s3, s12;
	s0 =	smov.u32 s2;
	v53 =	vmul.f32 v21, v47  }
0x1f4: {  	v30 =	vmul.f32 v30, v51;
	vm0 =	vge.f32 v49, $5.000000000e-01;
	v8 =	vmul.f32 v29, v44;
	[tilespmem:s3+$0x0] =	vst v10;
	s3 =	smov.u32 s11  }
0x1f5: {  	v13 =	vmul.f32 v13, v51;
	v10 =	vadd.f32 v53, v18;
	v18 =	vmul.f32 v15, v34  }
0x1f6: {  	v56 =	vmul.f32 v16, v50;
	v53 =	vmul.f32 v11, v38;
	vm1 =	vge.f32 v6, $5.000000000e-01;
	[tilespmem:s10+$0x0] =	vst v30  }
0x1f7: {  	v14 =	vmul.f32 v14, v51;
	v11 =	vmul.f32 v29, v48;
	v18 =	vadd.f32 v18, v26;
	[tilespmem:s15+$0x0] =	vst v13  }
0x1f8: {  	v30 =	vmul.f32 v22, v37;
	v19 =	vadd.f32 v53, v19;
	v26 =	vmul.f32 v21, v39  }
0x1f9: {  	v9 =	vmul.f32 v54, v9;
	v53 =	vmul.f32 v21, v34;
	v13 =	vadd.f32 v55, v18;
	[tilespmem:s17+$0x0] =	vst v14  }
0x1fa: {  	v10 =	vadd.f32 v56, v10;
	v14 =	vadd.f32 v26, v19;
	v18 =	vmul.f32 v16, v40  }
0x1fb: {  	v51 =	vnsel vm1, $0x0, v6;
	v19 =	vmul.f32 v12, v38;
	v26 =	vmul.f32 v15, v39;
	[tilespmem:s4+$0x0] =	vst v9;
	s4 =	smov.u32 s13  }
0x1fc: {  	v15 =	vmul.f32 v15, v0;
	v9 =	vadd.f32 v53, v17;
	v17 =	vmul.f32 v16, v35  }
0x1fd: {  	v23 =	vadd.f32 v27, v23;
	v21 =	vmul.f32 v21, v0;
	v16 =	vmul.f32 v16, v1  }
0x1fe: {  	v27 =	vmul.f32 v29, v41;
	v19 =	vadd.f32 v19, v30;
	v9 =	vadd.f32 v17, v9  }
0x1ff: {  	v14 =	vadd.f32 v18, v14;
	v18 =	vadd.f32 v21, v23;
	v17 =	vmul.f32 v52, v50  }
0x200: {  	v21 =	vmul.f32 v12, v46;
	v19 =	vadd.f32 v26, v19;
	v9 =	vadd.f32 v31, v9  }
.Ltmp4:
0x201: {  	v16 =	vadd.f32 v16, v18;
	v18 =	vmul.f32 v12, v43;
	v12 =	vmul.f32 v22, v45;
	(pc) =	sbr.rel @p0 .LBB2_9-.Ltmp4, $4  }
0x202: {  	v23 =	vadd.f32 v25, v14;
	v20 =	vadd.f32 v20, v19;
	v9 =	vmul.f32 v9, v6  }
0x203: {  	v24 =	vadd.f32 v24, v16;
	v19 =	vmul.f32 v22, v42;
	v25 =	vadd.f32 v21, v12  }
0x204: {  	v16 =	vmul.f32 v23, v6;
	v22 =	vmul.f32 v29, v36;
	v14 =	vadd.f32 v9, v3  }
0x205: {  	s7 =	sadd.s32 $0x20, s7;
	s8 =	sadd.s32 $0x100, s8;
	s9 =	sadd.s32 $0x10, s9;
	v21 =	vmul.f32 v24, v6;
	v12 =	vadd.f32 v27, v20;
	v20 =	vadd.f32 v28, v25  }
0x206: {  	v0 =	vadd.f32 v18, v19  }
0x207: {  	v9 =	vnsel vm0, $0x0, v49;
	v13 =	vadd.f32 v22, v13;
	v17 =	vadd.f32 v17, v20  }
0x208: {  	v1 =	vmul.f32 v52, v1;
	v7 =	vadd.f32 v7, v10;
	v24 =	vadd.f32 v21, v2  }
0x209: {  	v12 =	vmul.f32 v12, v49;
	v0 =	vadd.f32 v15, v0;
	v11 =	vadd.f32 v11, v17  }
0x20a: {  	v13 =	vmul.f32 v13, v49;
	v6 =	vmul.f32 v7, v6;
	v15 =	vmax.f32 v24, $0.0e+00  }
0x20b: {  	v12 =	vadd.f32 v12, v4;
	v0 =	vadd.f32 v1, v0;
	v1 =	vmul.f32 v11, v49  }
0x20c: {  	v4 =	vadd.f32 v16, v4;
	v10 =	vmul.f32 v15, v51;
	v3 =	vadd.f32 v13, v3  }
0x20d: {  	v7 =	vmax.f32 v12, $0.0e+00;
	v0 =	vadd.f32 v8, v0;
	v1 =	vadd.f32 v1, v5  }
0x20e: {  	s2 =	sor.u32 $0xA800, s1;
	v7 =	vmul.f32 v7, v9;
	v3 =	vmax.f32 v3, $0.0e+00;
	v5 =	vadd.f32 v6, v5  }
0x20f: {  	s6 =	sor.u32 $0xA000, s1;
	s18 =	sor.u32 s3, s2;
	[tilespmem:s5+$0x0] =	vst v10;
	v3 =	vmul.f32 v3, v9;
	v0 =	vmul.f32 v0, v49;
	v1 =	vmax.f32 v1, $0.0e+00  }
0x210: {  	s20 =	sor.u32 $0xB800, s1;
	s19 =	sor.u32 s3, s6;
	[tilespmem:s18+$0x0] =	vst v7;
	v5 =	vmax.f32 v5, $0.0e+00;
	v1 =	vmul.f32 v1, v9  }
0x211: {  	s21 =	sor.u32 s3, s20;
	v4 =	vmax.f32 v4, $0.0e+00;
	[tilespmem:s19+$0x0] =	vst v3;
	v0 =	vadd.f32 v0, v2;
	v2 =	vmul.f32 v5, v51  }
0x212: {  	s1 =	sor.u32 s0, s20;
	v3 =	vmax.f32 v14, $0.0e+00;
	[tilespmem:s21+$0x0] =	vst v1;
	v1 =	vmul.f32 v4, v51  }
0x213: {  	s2 =	sor.u32 s0, s2;
	v0 =	vmax.f32 v0, $0.0e+00;
	[tilespmem:s1+$0x0] =	vst v2;
	v2 =	vmul.f32 v3, v51  }
0x214: {  	s23 =	sor.u32 s0, s6;
	v0 =	vmul.f32 v0, v9;
	[tilespmem:s2+$0x0] =	vst v1  }
0x215: {  	[tilespmem:s23+$0x0] =	vst v2  }
0x216: {  	[tilespmem:s4+$0x0] =	vst v0  }
0x217: {  	s24 =	simm.s32 $0xA000;
	s25 =	simm.s32 $0x0;
	s0 =	rddreg [dreg:$0x15]  }
0x218: {  	[hbm4b:s0+s28] =	stream.strided.scatter [tilespmem:s24], [sflag:$0x1], $0x2000, s29, s28, $0x38;
	[tilespmem:$0x12380] =	vst v63  }
0x219: {  	s26 =	sand.u32 $0x400, s25;
	s29 =	sand.u32 $0x380, s25  }
0x21a: {  	s12 =	sand.u32 $0x60, s25;
	s23 =	sor.u32 s29, s26  }
0x21b: {  	s25 =	sor.u32 $0x10, s12;
	s31 =	sor.u32 $0x2800, s23  }
0x21c: {  	s1 =	sor.u32 $0x3800, s23;
	s3 =	sor.u32 s25, s31  }
0x21d: {  	s4 =	sor.u32 s25, s1;
	v0 =	vld [tilespmem:s3+$0x0]  }
0x21e: {  	v1 =	vld [tilespmem:s4+$0x0];
	_ =	sdelay $0x4  }
0x21f: {  	v0 =	vmul.f32 v0, v1;
	_ =	sdelay $0x1  }
0x220: {  	s0 =	sor.u32 s12, s31;
	v0 =	vtrunc.f32 v0  }
0x221: {  	s1 =	sor.u32 s12, s1;
	v2 =	vld [tilespmem:s0+$0x0];
	v0 =	vcvt.f32.s32 v0  }
0x222: {  	v3 =	vld [tilespmem:s1+$0x0]  }
0x223: {  	vm0 =	vgt.s32 v0, $0x0  }
0x224: {  	v4 =	vnsel vm0, $0x0, v0  }
0x225: {  	s6 =	simm.s32 $0x10;
	s5 =	simm.s32 $0x100;
	v4 =	vmin.u32 v4, $0x5E  }
0x226: {  	s7 =	simm.s32 $0x20;
	s0 =	sand.u32 $0x400, s5;
	s1 =	sand.u32 $0x380, s6;
	v42 =	vshll.u32 v4, $0x3  }
0x227: {  	s14 =	sand.u32 $0x60, s7;
	s18 =	sor.u32 s1, s0;
	v2 =	vmul.f32 v2, v3;
	v4 =	vadd.s32 $0x68, v42  }
0x228: {  	s20 =	sor.u32 $0x10, s14;
	s0 =	sor.u32 $0x2800, s18  }
0x229: {  	s1 =	sor.u32 $0x3800, s18;
	s8 =	sor.u32 s20, s0;
	v2 =	vtrunc.f32 v2  }
0x22a: {  	s9 =	sor.u32 s20, s1;
	v5 =	vld [tilespmem:s8+$0x0];
	v2 =	vcvt.f32.s32 v2  }
0x22b: {  	v6 =	vld [tilespmem:s9+$0x0]  }
0x22c: {  	vm0 =	vgt.s32 v2, $0x0;
	v4 =	vld.idx.msk [tilespmem:v4+s22+$0x0], $0xffff  }
0x22d: {  	v0 =	vadd.s32 $0xFFFFFFFF, v0;
	v7 =	vnsel vm0, $0x0, v2  }
0x22e: {  	s10 =	sor.u32 $0x3000, s23;
	vm0 =	vge.f32 v1, $5.000000000e-01;
	vm1 =	vlt.u32 v0, $0x5E;
	v7 =	vmin.u32 v7, $0x5E  }
0x22f: {  	s13 =	sor.u32 s25, s10;
	vm0 =	vmand vm0, vm1;
	v46 =	vshll.u32 v7, $0x3;
	v7 =	vadd.s32 $0x69, v42  }
0x230: {  	v11 =	vld [tilespmem:s13+$0x0];
	s0 =	sor.u32 s14, s0;
	v34 =	vnsel vm0, $0x0, v1;
	v8 =	vadd.s32 $0x68, v46  }
0x231: {  	s15 =	sor.u32 $0xC000, s23;
	s1 =	sor.u32 s14, s1;
	v9 =	vld [tilespmem:s0+$0x0];
	v5 =	vmul.f32 v5, v6;
	v4 =	vmul.f32 v34, v4  }
0x232: {  	s11 =	sor.u32 s12, s10;
	s16 =	sor.u32 s25, s15;
	v10 =	vld [tilespmem:s1+$0x0]  }
0x233: {  	v0 =	vld [tilespmem:s11+$0x0];
	v2 =	vadd.s32 $0xFFFFFFFF, v2;
	[tilespmem:s16+$0x0] =	vst v4;
	v4 =	vtrunc.f32 v5  }
0x234: {  	vm1 =	vlt.u32 v2, $0x5E;
	vm0 =	vge.f32 v3, $5.000000000e-01;
	v5 =	vld.idx.msk [tilespmem:v7+s22+$0x0], $0xffff;
	v4 =	vcvt.f32.s32 v4  }
0x235: {  	v1 =	vmul.f32 v11, v1;
	vm0 =	vmand vm0, vm1;
	v2 =	vld.idx.msk [tilespmem:v8+s22+$0x0], $0xffff  }
0x236: {  	v12 =	vadd.s32 $0x69, v46;
	v37 =	vnsel vm0, $0x0, v3;
	vm1 =	vgt.s32 v4, $0x0  }
0x237: {  	v8 =	vadd.s32 $0x6A, v42;
	v7 =	vmul.f32 v9, v10;
	v9 =	vnsel vm1, $0x0, v4  }
0x238: {  	v1 =	vtrunc.f32 v1;
	v0 =	vmul.f32 v0, v3;
	v9 =	vmin.u32 v9, $0x5E  }
0x239: {  	s17 =	sor.u32 $0xC800, s23;
	v7 =	vtrunc.f32 v7;
	v3 =	vmul.f32 v34, v5;
	v43 =	vshll.u32 v9, $0x3  }
0x23a: {  	s19 =	sor.u32 s25, s17;
	v2 =	vmul.f32 v37, v2;
	v5 =	vcvt.f32.s32 v7;
	v7 =	vadd.s32 $0x68, v43  }
0x23b: {  	s26 =	simm.s32 $0x200;
	s1 =	sor.u32 s12, s15;
	v11 =	vcvt.f32.s32 v1;
	v0 =	vtrunc.f32 v0;
	[tilespmem:s19+$0x0] =	vst v3  }
0x23c: {  	s29 =	simm.s32 $0x20;
	s31 =	simm.s32 $0x40;
	s21 =	sor.u32 $0x3000, s18;
	v0 =	vcvt.f32.s32 v0;
	[tilespmem:s1+$0x0] =	vst v2;
	v2 =	vld.idx.msk [tilespmem:v8+s22+$0x0], $0xffff  }
0x23d: {  	s3 =	sand.u32 $0x400, s26;
	s4 =	sand.u32 $0x380, s29;
	s6 =	sor.u32 s20, s21;
	vm2 =	vgt.s32 v11, $0x0;
	v9 =	vld.idx.msk [tilespmem:v12+s22+$0x0], $0xffff;
	vm0 =	vgt.s32 v5, $0x0  }
0x23e: {  	s28 =	sand.u32 $0x60, s31;
	v13 =	vld [tilespmem:s6+$0x0];
	s11 =	sor.u32 s4, s3;
	v12 =	vadd.s32 $0x6B, v42;
	v8 =	vnsel vm0, $0x0, v5;
	vm0 =	vgt.s32 v0, $0x0  }
0x23f: {  	s13 =	sor.u32 $0x10, s28;
	s24 =	sor.u32 s14, s21;
	s7 =	sor.u32 $0x2800, s11;
	v3 =	vadd.s32 $0x6A, v46;
	v1 =	vmin.u32 v8, $0x5E;
	v0 =	vnsel vm0, $0x0, v0;
	v7 =	vld.idx.msk [tilespmem:v7+s22+$0x0], $0xffff  }
0x240: {  	s8 =	sor.u32 $0x3800, s11;
	s9 =	sor.u32 s13, s7;
	v8 =	vld [tilespmem:s24+$0x0];
	vm0 =	vge.f32 v6, $5.000000000e-01;
	v41 =	vshll.u32 v1, $0x3;
	v1 =	vadd.s32 $0xFFFFFFFF, v4  }
0x241: {  	s10 =	sor.u32 $0xD000, s23;
	s15 =	sor.u32 s13, s8;
	v14 =	vld [tilespmem:s9+$0x0];
	v4 =	vadd.s32 $0x68, v41;
	vm1 =	vlt.u32 v1, $0x5E;
	v2 =	vmul.f32 v34, v2  }
0x242: {  	s16 =	sor.u32 s25, s10;
	v15 =	vadd.s32 $0x69, v43;
	v9 =	vmul.f32 v37, v9;
	v1 =	vld [tilespmem:s15+$0x0];
	vm0 =	vmand vm0, vm1  }
0x243: {  	s0 =	sor.u32 s12, s17;
	v11 =	vnsel vm2, $0x0, v11;
	v0 =	vmin.u32 v0, $0x5;
	v32 =	vnsel vm0, $0x0, v6;
	[tilespmem:s16+$0x0] =	vst v2  }
0x244: {  	s17 =	sor.u32 $0xC000, s18;
	v40 =	vshll.u32 v0, $0x2;
	v0 =	vadd.s32 $0xFFFFFFFF, v5;
	[tilespmem:s0+$0x0] =	vst v9;
	v2 =	vld.idx.msk [tilespmem:v12+s22+$0x0], $0xffff;
	v5 =	vmul.f32 v32, v7  }
0x245: {  	v54 =	vmin.u32 v11, $0x5;
	s19 =	sor.u32 s20, s17;
	vm1 =	vlt.u32 v0, $0x5E;
	v3 =	vld.idx.msk [tilespmem:v3+s22+$0x0], $0xffff;
	v0 =	vmul.f32 v8, v10  }
0x246: {  	v9 =	vadd.s32 $0x6A, v41;
	vm0 =	vge.f32 v10, $5.000000000e-01;
	v6 =	vmul.f32 v13, v6;
	v4 =	vld.idx.msk [tilespmem:v4+s22+$0x0], $0xffff;
	[tilespmem:s19+$0x0] =	vst v5  }
0x247: {  	s21 =	sor.u32 s28, s7;
	v0 =	vtrunc.f32 v0;
	v8 =	vmul.f32 v14, v1;
	v5 =	vadd.s32 $0x6C, v42;
	v7 =	vld.idx.msk [tilespmem:v15+s22+$0x0], $0xffff  }
0x248: {  	s1 =	sor.u32 s28, s8;
	v13 =	vadd.s32 $0x6B, v46;
	v6 =	vtrunc.f32 v6;
	v12 =	vld [tilespmem:s21+$0x0];
	v11 =	vcvt.f32.s32 v0  }
0x249: {  	s24 =	sor.u32 $0xD800, s23;
	vm0 =	vmand vm0, vm1;
	v0 =	vld [tilespmem:s1+$0x0];
	v8 =	vtrunc.f32 v8;
	v2 =	vmul.f32 v2, v34  }
0x24a: {  	s26 =	sor.u32 s25, s24;
	v33 =	vnsel vm0, $0x0, v10;
	v14 =	vadd.s32 $0x6A, v43;
	v8 =	vcvt.f32.s32 v8  }
0x24b: {  	v6 =	vcvt.f32.s32 v6;
	vm1 =	vgt.s32 v11, $0x0;
	[tilespmem:s26+$0x0] =	vst v2;
	v2 =	vmul.f32 v37, v3  }
0x24c: {  	s29 =	sor.u32 s12, s10;
	s31 =	sor.u32 $0xC800, s18;
	vm0 =	vgt.s32 v8, $0x0;
	v3 =	vadd.s32 $0x69, v41;
	v5 =	vld.idx.msk [tilespmem:v5+s22+$0x0], $0xffff;
	v7 =	vmul.f32 v32, v7  }
0x24d: {  	s5 =	sor.u32 s20, s31;
	v10 =	vnsel vm1, $0x0, v11;
	v4 =	vmul.f32 v33, v4;
	[tilespmem:s29+$0x0] =	vst v2;
	v2 =	vnsel vm0, $0x0, v8  }
0x24e: {  	s6 =	sor.u32 s14, s17;
	v10 =	vmin.u32 v10, $0x5;
	v11 =	vmul.f32 v12, v0;
	v12 =	vld.idx.msk [tilespmem:v13+s22+$0x0], $0xffff;
	[tilespmem:s5+$0x0] =	vst v7;
	v2 =	vmin.u32 v2, $0x5E  }
0x24f: {  	[tilespmem:s6+$0x0] =	vst v4;
	vm0 =	vgt.s32 v6, $0x0;
	v7 =	vadd.s32 $0x6D, v42;
	v4 =	vld.idx.msk [tilespmem:v14+s22+$0x0], $0xffff;
	v45 =	vshll.u32 v2, $0x3  }
0x250: {  	s7 =	sor.u32 $0x3000, s11;
	v2 =	vnsel vm0, $0x0, v6;
	v6 =	vtrunc.f32 v11;
	v11 =	vadd.s32 $0x68, v45  }
0x251: {  	s9 =	sor.u32 s28, s7;
	s8 =	sor.u32 $0xE000, s23;
	v13 =	vadd.s32 $0x6C, v46;
	v3 =	vld.idx.msk [tilespmem:v3+s22+$0x0], $0xffff;
	v6 =	vcvt.f32.s32 v6;
	v5 =	vmul.f32 v5, v34  }
0x252: {  	s10 =	sor.u32 s25, s8;
	s17 =	simm.s32 $0x30;
	s1 =	sor.u32 s13, s7;
	v36 =	vshll.u32 v10, $0x2;
	v10 =	vld [tilespmem:s9+$0x0];
	v44 =	vmin.u32 v2, $0x5;
	v2 =	vadd.s32 $0x6B, v43  }
0x253: {  	s15 =	sor.u32 $0xD000, s18;
	s0 =	sor.u32 s12, s24;
	s16 =	simm.s32 $0x300;
	vm2 =	vge.f32 v1, $5.000000000e-01;
	vm1 =	vgt.s32 v6, $0x0;
	[tilespmem:s10+$0x0] =	vst v5;
	v5 =	vld [tilespmem:s1+$0x0];
	v12 =	vmul.f32 v12, v37  }
0x254: {  	s21 =	simm.s32 $0x60;
	v8 =	vadd.s32 $0xFFFFFFFF, v8;
	s5 =	sand.u32 $0x380, s17;
	v14 =	vnsel vm1, $0x0, v6;
	s1 =	sand.u32 $0x400, s16;
	v4 =	vmul.f32 v32, v4;
	v7 =	vld.idx.msk [tilespmem:v7+s22+$0x0], $0xffff  }
0x255: {  	s19 =	sor.u32 s20, s15;
	vm3 =	vlt.u32 v8, $0x5E;
	vm0 =	vge.f32 v0, $5.000000000e-01;
	v14 =	vmin.u32 v14, $0x5E;
	s17 =	sor.u32 s5, s1;
	s1 =	sand.u32 $0x60, s21;
	[tilespmem:s0+$0x0] =	vst v12;
	v11 =	vld.idx.msk [tilespmem:v11+s22+$0x0], $0xffff  }
0x256: {  	v6 =	vadd.s32 $0xFFFFFFFF, v6;
	v3 =	vmul.f32 v33, v3;
	v48 =	vshll.u32 v14, $0x3;
	s5 =	sor.u32 $0x2800, s17;
	s0 =	sor.u32 $0x10, s1;
	[tilespmem:s19+$0x0] =	vst v4;
	v4 =	vld.idx.msk [tilespmem:v13+s22+$0x0], $0xffff  }
0x257: {  	s4 =	sor.u32 s14, s31;
	v8 =	vmul.f32 v10, v0;
	vm1 =	vlt.u32 v6, $0x5E;
	v6 =	vadd.s32 $0x68, v48;
	s24 =	sor.u32 s1, s5;
	s5 =	sor.u32 s0, s5;
	v10 =	vld.idx.msk [tilespmem:v2+s22+$0x0], $0xffff  }
0x258: {  	vm0 =	vmand vm0, vm1;
	vm1 =	vmand vm2, vm3;
	[tilespmem:s4+$0x0] =	vst v3;
	v13 =	vld [tilespmem:s5+$0x0]  }
0x259: {  	v12 =	vadd.s32 $0x69, v45;
	s26 =	sor.u32 $0x3800, s17;
	v9 =	vld.idx.msk [tilespmem:v9+s22+$0x0], $0xffff;
	v2 =	vmul.f32 v5, v1;
	v5 =	vtrunc.f32 v8  }
0x25a: {  	v25 =	vadd.s32 $0x6E, v42;
	v35 =	vnsel vm1, $0x0, v1;
	s29 =	sor.u32 s0, s26;
	v8 =	vld [tilespmem:s24+$0x0];
	v5 =	vcvt.f32.s32 v5  }
0x25b: {  	s31 =	sor.u32 $0xC000, s11;
	v14 =	vadd.s32 $0x6D, v46;
	v11 =	vmul.f32 v35, v11;
	v1 =	vtrunc.f32 v2;
	v2 =	vld [tilespmem:s29+$0x0]  }
0x25c: {  	s7 =	sor.u32 s13, s31;
	s6 =	sor.u32 s1, s26;
	v38 =	vnsel vm0, $0x0, v0;
	vm1 =	vgt.s32 v5, $0x0;
	v4 =	vmul.f32 v4, v37;
	v6 =	vld.idx.msk [tilespmem:v6+s22+$0x0], $0xffff  }
0x25d: {  	s3 =	sor.u32 s12, s8;
	s8 =	sor.u32 $0xD800, s18;
	v15 =	vcvt.f32.s32 v1;
	v1 =	vld [tilespmem:s6+$0x0];
	[tilespmem:s7+$0x0] =	vst v11;
	v10 =	vmul.f32 v10, v32;
	v11 =	vadd.s32 $0x6C, v43  }
0x25e: {  	s10 =	sor.u32 s20, s8;
	v3 =	vadd.s32 $0x6A, v48;
	v5 =	vnsel vm1, $0x0, v5;
	v12 =	vld.idx.msk [tilespmem:v12+s22+$0x0], $0xffff;
	[tilespmem:s3+$0x0] =	vst v4;
	v4 =	vadd.s32 $0x6B, v41  }
0x25f: {  	s9 =	sor.u32 $0xE800, s23;
	v7 =	vmul.f32 v7, v34;
	v5 =	vmin.u32 v5, $0x5;
	[tilespmem:s10+$0x0] =	vst v10;
	v10 =	vadd.s32 $0x69, v48  }
0x260: {  	s7 =	sor.u32 s25, s9;
	v9 =	vmul.f32 v33, v9;
	v39 =	vshll.u32 v5, $0x2;
	v5 =	vld.idx.msk [tilespmem:v14+s22+$0x0], $0xffff;
	v13 =	vmul.f32 v13, v2  }
0x261: {  	s2 =	sor.u32 s14, s15;
	vm1 =	vgt.s32 v15, $0x0;
	[tilespmem:s7+$0x0] =	vst v7;
	v14 =	vadd.s32 $0x6A, v45;
	v6 =	vmul.f32 v38, v6  }
0x262: {  	s5 =	sor.u32 s28, s31;
	v15 =	vnsel vm1, $0x0, v15;
	[tilespmem:s2+$0x0] =	vst v9;
	v8 =	vmul.f32 v8, v1;
	v7 =	vld.idx.msk [tilespmem:v11+s22+$0x0], $0xffff;
	v0 =	vtrunc.f32 v13  }
0x263: {  	s15 =	sor.u32 $0xC800, s11;
	v49 =	vmin.u32 v15, $0x5;
	v11 =	vmul.f32 v35, v12;
	v0 =	vcvt.f32.s32 v0;
	v4 =	vld.idx.msk [tilespmem:v4+s22+$0x0], $0xffff;
	[tilespmem:s5+$0x0] =	vst v6  }
0x264: {  	s16 =	sor.u32 s13, s15;
	v15 =	vadd.s32 $0x6D, v43;
	v12 =	vadd.s32 $0x6E, v46;
	v8 =	vtrunc.f32 v8;
	v10 =	vld.idx.msk [tilespmem:v10+s22+$0x0], $0xffff  }
0x265: {  	s19 =	sor.u32 $0x3000, s17;
	v8 =	vcvt.f32.s32 v8;
	v5 =	vmul.f32 v5, v37;
	[tilespmem:s16+$0x0] =	vst v11;
	vm2 =	vgt.s32 v0, $0x0  }
0x266: {  	s21 =	sor.u32 s1, s19;
	s3 =	sor.u32 s12, s9;
	v13 =	vadd.s32 $0x6C, v41;
	v6 =	vld.idx.msk [tilespmem:v14+s22+$0x0], $0xffff;
	v11 =	vnsel vm2, $0x0, v0;
	v14 =	vadd.s32 $0x6B, v45  }
0x267: {  	vm2 =	vgt.s32 v8, $0x0;
	[tilespmem:s3+$0x0] =	vst v5;
	v5 =	vld [tilespmem:s21+$0x0];
	s3 =	sor.u32 $0xE000, s18;
	v11 =	vmin.u32 v11, $0x5E;
	v7 =	vmul.f32 v7, v32  }
0x268: {  	v9 =	vld.idx.msk [tilespmem:v25+s22+$0x0], $0xffff;
	v26 =	vnsel vm2, $0x0, v8;
	s24 =	sor.u32 s20, s3;
	v8 =	vadd.s32 $0xFFFFFFFF, v8;
	v4 =	vmul.f32 v4, v33  }
0x269: {  	s4 =	sor.u32 s14, s8;
	s2 =	sor.u32 s0, s19;
	v12 =	vld.idx.msk [tilespmem:v12+s22+$0x0], $0xffff;
	v51 =	vshll.u32 v11, $0x3;
	vm2 =	vlt.u32 v8, $0x5E;
	[tilespmem:s24+$0x0] =	vst v7;
	v8 =	vmul.f32 v38, v10  }
0x26a: {  	s29 =	sor.u32 s28, s15;
	v27 =	vld [tilespmem:s2+$0x0];
	v28 =	vadd.s32 $0x68, v51;
	[tilespmem:s4+$0x0] =	vst v4  }
0x26b: {  	v54 =	vshll.u32 v54, $0x2;
	s2 =	sor.u32 $0xD000, s11;
	v7 =	vadd.s32 $0x6F, v42;
	v4 =	vld.idx.msk [tilespmem:v15+s22+$0x0], $0xffff;
	v6 =	vmul.f32 v35, v6;
	[tilespmem:s29+$0x0] =	vst v8  }
0x26c: {  	s26 =	sor.u32 s13, s2;
	v11 =	vmin.u32 v26, $0x5E;
	v10 =	vadd.s32 $0x6F, v46;
	v5 =	vmul.f32 v5, v1;
	v3 =	vld.idx.msk [tilespmem:v3+s22+$0x0], $0xffff  }
0x26d: {  	v29 =	vor.u32 $0x360, v54;
	s31 =	sor.u32 $0xF000, s23;
	s9 =	simm.s32 $0x400;
	s10 =	simm.s32 $0x40;
	v9 =	vmul.f32 v9, v34;
	v50 =	vshll.u32 v11, $0x3;
	[tilespmem:s26+$0x0] =	vst v6;
	v6 =	vld.idx.msk [tilespmem:v13+s22+$0x0], $0xffff  }
0x26e: {  	s8 =	sor.u32 s25, s31;
	s6 =	sand.u32 $0x400, s9;
	s7 =	sand.u32 $0x380, s10;
	v11 =	vadd.s32 $0x68, v50;
	v12 =	vmul.f32 v12, v37;
	v5 =	vtrunc.f32 v5;
	v13 =	vld.idx.msk [tilespmem:v14+s22+$0x0], $0xffff  }
0x26f: {  	v30 =	vor.u32 $0x361, v54;
	s15 =	sor.u32 s12, s31;
	v0 =	vadd.s32 $0xFFFFFFFF, v0;
	s21 =	simm.s32 $0x80;
	[tilespmem:s8+$0x0] =	vst v9;
	s24 =	sor.u32 s7, s6;
	v8 =	vld.idx.msk [tilespmem:v28+s22+$0x0], $0xffff;
	v5 =	vcvt.f32.s32 v5  }
0x270: {  	vm1 =	vge.f32 v2, $5.000000000e-01;
	vm0 =	vge.f32 v1, $5.000000000e-01;
	vm3 =	vlt.u32 v0, $0x5E;
	s16 =	sand.u32 $0x60, s21;
	s26 =	sor.u32 $0x3800, s24;
	v7 =	vld.idx.msk [tilespmem:v7+s22+$0x0], $0xffff;
	[tilespmem:s15+$0x0] =	vst v12  }
0x271: {  	vm1 =	vmand vm1, vm3;
	vm0 =	vmand vm0, vm2;
	s31 =	sor.u32 s16, s26;
	vm2 =	vgt.s32 v5, $0x0;
	v9 =	vld.idx.msk [tilespmem:v10+s22+$0x0], $0xffff  }
0x272: {  	v42 =	vnsel vm1, $0x0, v2;
	s19 =	sor.u32 $0x2800, s24;
	s15 =	sor.u32 $0x10, s16;
	v12 =	vadd.s32 $0x69, v51;
	v53 =	vld [tilespmem:s31+$0x0];
	v5 =	vnsel vm2, $0x0, v5  }
0x273: {  	v14 =	vadd.s32 $0x6C, v45;
	v11 =	vld.idx.msk [tilespmem:v11+s22+$0x0], $0xffff;
	s5 =	sor.u32 s15, s19;
	v6 =	vmul.f32 v6, v33;
	v5 =	vmin.u32 v5, $0x5  }
0x274: {  	v31 =	vadd.s32 $0x6E, v41;
	s3 =	sor.u32 s14, s3;
	s29 =	sor.u32 s16, s19;
	v8 =	vmul.f32 v42, v8;
	v47 =	vshll.u32 v5, $0x2;
	v5 =	vld [tilespmem:s5+$0x0];
	s5 =	sor.u32 $0xC000, s17  }
0x275: {  	v0 =	vmul.f32 v27, v2;
	s6 =	sor.u32 $0xD800, s11;
	v10 =	vld [tilespmem:s29+$0x0];
	s4 =	sor.u32 s15, s26;
	v2 =	vmul.f32 v13, v35;
	v13 =	vadd.s32 $0x6D, v41;
	s7 =	sor.u32 s0, s5;
	[tilespmem:s3+$0x0] =	vst v6  }
0x276: {  	s9 =	sor.u32 $0xF800, s23;
	s8 =	sor.u32 s13, s6;
	v55 =	vld [tilespmem:s4+$0x0];
	v7 =	vmul.f32 v7, v34;
	[tilespmem:s7+$0x0] =	vst v8;
	v8 =	vmul.f32 v9, v37;
	v9 =	vor.u32 $0x360, v40  }
0x277: {  	v60 =	vadd.s32 $0x6D, v45;
	v4 =	vmul.f32 v4, v32;
	s4 =	sor.u32 s25, s9;
	[tilespmem:s8+$0x0] =	vst v2;
	v2 =	vadd.s32 $0x6E, v43;
	s8 =	sor.u32 $0xE800, s18;
	v12 =	vld.idx.msk [tilespmem:v12+s22+$0x0], $0xffff  }
0x278: {  	v59 =	vadd.s32 $0x6B, v48;
	v0 =	vtrunc.f32 v0;
	v56 =	vadd.s32 $0x6A, v50;
	[tilespmem:s4+$0x0] =	vst v7;
	v6 =	vld.idx.msk [tilespmem:v14+s22+$0x0], $0xffff;
	s19 =	sor.u32 s20, s8  }
0x279: {  	s10 =	sor.u32 s12, s9;
	v0 =	vcvt.f32.s32 v0;
	v15 =	vor.u32 $0x361, v40;
	v3 =	vmul.f32 v38, v3;
	[tilespmem:s19+$0x0] =	vst v4;
	v4 =	vld.idx.msk [tilespmem:v29+s22+$0x0], $0xffff  }
0x27a: {  	s2 =	sor.u32 s28, s2;
	v46 =	vnsel vm0, $0x0, v1;
	v1 =	vadd.s32 $0x69, v50;
	s26 =	sor.u32 $0xD000, s17;
	v10 =	vmul.f32 v10, v53;
	[tilespmem:s10+$0x0] =	vst v8;
	v13 =	vld.idx.msk [tilespmem:v13+s22+$0x0], $0xffff  }
0x27b: {  	vm1 =	vgt.s32 v0, $0x0;
	s31 =	sor.u32 s1, s26;
	[tilespmem:s2+$0x0] =	vst v3;
	v11 =	vmul.f32 v46, v11;
	v8 =	vadd.s32 $0x6A, v51;
	v7 =	vld.idx.msk [tilespmem:v9+s22+$0x0], $0xffff  }
0x27c: {  	s30 =	smov.u32 s16;
	v0 =	vnsel vm1, $0x0, v0;
	s9 =	sor.u32 $0xC800, s17;
	v10 =	vtrunc.f32 v10;
	v9 =	vmul.f32 v42, v12;
	v12 =	vld.idx.msk [tilespmem:v2+s22+$0x0], $0xffff;
	[dreg:$0x7] =	wrdreg s31  }
0x27d: {  	v52 =	vmin.u32 v0, $0x5;
	s29 =	sor.u32 s0, s9;
	s5 =	sor.u32 s1, s5;
	v5 =	vmul.f32 v5, v55;
	v10 =	vcvt.f32.s32 v10;
	[dreg:$0x5] =	wrdreg s0  }
0x27e: {  	v0 =	vadd.s32 $0x6C, v48;
	v3 =	vadd.s32 $0x6B, v51;
	s10 =	sor.u32 s0, s26;
	s26 =	sor.u32 s14, s8;
	s8 =	sor.u32 $0xE000, s11;
	v6 =	vmul.f32 v6, v35;
	[tilespmem:s5+$0x0] =	vst v11  }
0x27f: {  	s6 =	sor.u32 s28, s6;
	s19 =	sor.u32 $0x3000, s24;
	v5 =	vtrunc.f32 v5;
	vm2 =	vgt.s32 v10, $0x0;
	s31 =	sor.u32 s13, s8;
	v14 =	vld.idx.msk [tilespmem:v59+s22+$0x0], $0xffff;
	[tilespmem:s29+$0x0] =	vst v9;
	v9 =	vmul.f32 v13, v33  }
0x280: {  	s2 =	sor.u32 $0xD000, s24;
	vm0 =	vge.f32 v53, $5.000000000e-01;
	s7 =	simm.s32 $0x8;
	s3 =	sor.u32 s15, s19;
	v5 =	vcvt.f32.s32 v5;
	v2 =	vnsel vm2, $0x0, v10;
	[tilespmem:s31+$0x0] =	vst v6;
	v13 =	vld.idx.msk [tilespmem:v8+s22+$0x0], $0xffff  }
0x281: {  	vm1 =	vge.f32 v55, $5.000000000e-01;
	v10 =	vadd.s32 $0xFFFFFFFF, v10;
	v2 =	vmin.u32 v2, $0x5E;
	s29 =	sor.u32 s16, s19;
	v8 =	vld.idx.msk [tilespmem:v1+s22+$0x0], $0xffff;
	[tilespmem:s26+$0x0] =	vst v9;
	s26 =	smov.u32 s13;
	s13 =	sor.u32 s16, s2  }
0x282: {  	vm3 =	vlt.u32 v10, $0x5E;
	vm2 =	vgt.s32 v5, $0x0;
	v59 =	vshll.u32 v2, $0x3;
	s19 =	smov.u32 s15;
	s15 =	sor.u32 s15, s2;
	v2 =	vld [tilespmem:s29+$0x0];
	[dreg:$0x8] =	wrdreg s13  }
0x283: {  	s5 =	smov.u32 s12;
	s12 =	sor.u32 $0x10000, s23;
	v11 =	vadd.s32 $0xFFFFFFFF, v5;
	vm0 =	vmand vm0, vm3;
	v1 =	vmul.f32 v4, v34;
	[dreg:$0x9] =	wrdreg s15  }
0x284: {  	s4 =	smov.u32 s11;
	s11 =	sor.u32 s28, s8;
	v5 =	vnsel vm2, $0x0, v5;
	vm2 =	vlt.u32 v11, $0x5E;
	v7 =	vmul.f32 v7, v37;
	s16 =	sor.u32 s25, s12;
	v4 =	vld [tilespmem:s3+$0x0]  }
0x285: {  	s8 =	simm.s32 $0x500;
	s29 =	sor.u32 $0xF000, s18;
	v10 =	vadd.s32 $0x6A, v59;
	v5 =	vmin.u32 v5, $0x5E;
	s12 =	sor.u32 s5, s12;
	v63 =	vmul.f32 v12, v32;
	v6 =	vld.idx.msk [tilespmem:v31+s22+$0x0], $0xffff;
	[tilespmem:s16+$0x0] =	vst v1  }
0x286: {  	v9 =	vadd.s32 $0x68, v59;
	s2 =	sor.u32 s1, s9;
	vm1 =	vmand vm1, vm2;
	s31 =	sor.u32 s20, s29;
	s9 =	simm.s32 $0x50;
	v1 =	vshll.u32 v5, $0x3;
	[tilespmem:s12+$0x0] =	vst v7;
	v7 =	vld.idx.msk [tilespmem:v30+s22+$0x0], $0xffff  }
0x287: {  	s13 =	sor.u32 s14, s29;
	s3 =	smov.u32 s1;
	v11 =	vmul.f32 v14, v38;
	s1 =	smov.u32 s20;
	v12 =	vadd.s32 $0x68, v1;
	[tilespmem:s31+$0x0] =	vst v63;
	v5 =	vld.idx.msk [tilespmem:v15+s22+$0x0], $0xffff;
	v13 =	vmul.f32 v42, v13  }
.LBB2_11:
0x288: {  	[dreg:$0xd] =	wrdreg s14  }
0x289: {  	s12 =	sand.u32 $0x400, s8;
	s29 =	sand.u32 $0x380, s9;
	s21 =	sadd.s32 $0x20, s21  }
0x28a: {  	s16 =	smov.u32 s18;
	s18 =	simm.s32 $0x12000;
	s20 =	smov.u32 s23;
	[tilespmem:s6+$0x0] =	vst v11;
	v11 =	vld.idx.msk [tilespmem:v60+s22+$0x0], $0xffff  }
0x28b: {  	s14 =	sor.u32 s29, s12;
	[dreg:$0x6] =	wrdreg s21;
	v0 =	vld.idx.msk [tilespmem:v0+s22+$0x0], $0xffff;
	s22 =	sand.u32 $0x60, s21  }
0x28c: {  	s12 =	sor.u32 $0x3800, s14;
	s15 =	sor.u32 $0x2800, s14;
	s21 =	smov.u32 s24  }
0x28d: {  	v8 =	vmul.f32 v46, v8;
	[tilespmem:s10+$0x0] =	vst v13;
	v13 =	vadd.s32 $0x6F, v43;
	s24 =	sor.u32 $0x10800, s23;
	s31 =	sor.u32 $0xD000, s14;
	s6 =	sor.u32 s22, s12  }
0x28e: {  	v6 =	vmul.f32 v6, v33;
	v3 =	vld.idx.msk [tilespmem:v3+s18+$0x0], $0xffff;
	v14 =	vmul.f32 v2, v53;
	s0 =	sor.u32 s22, s15;
	s10 =	sor.u32 $0x10, s22;
	s29 =	sor.u32 s25, s24  }
0x28f: {  	v15 =	vor.u32 $0x362, v54;
	v2 =	vld.idx.msk [tilespmem:v9+s18+$0x0], $0xffff;
	[tilespmem:s2+$0x0] =	vst v8;
	s2 =	sor.u32 s22, s31;
	s24 =	sor.u32 s5, s24;
	s12 =	sor.u32 s10, s12  }
0x290: {  	v12 =	vld.idx.msk [tilespmem:v12+s18+$0x0], $0xffff;
	[tilespmem:s13+$0x0] =	vst v6;
	v7 =	vmul.f32 v7, v34;
	s23 =	sor.u32 s10, s31;
	s31 =	smov.u32 s25;
	s25 =	sor.u32 s10, s15;
	v9 =	vtrunc.f32 v14  }
0x291: {  	v43 =	vmovc v45;
	v45 =	vmovc v51;
	v51 =	vmov v1;
	v5 =	vmul.f32 v5, v37;
	s15 =	sor.u32 $0xE800, s4;
	s13 =	smov.u32 s4;
	s4 =	smov.u32 s5;
	v1 =	vcvt.f32.s32 v9;
	v9 =	vld.idx.msk [tilespmem:v56+s18+$0x0], $0xffff  }
0x292: {  	v8 =	vadd.s32 $0x6F, v41;
	s5 =	smov.u32 s26;
	s26 =	sor.u32 s26, s15;
	v56 =	vmov v10;
	v10 =	vmul.f32 v11, v35;
	v11 =	vld.idx.msk [tilespmem:v13+s18+$0x0], $0xffff;
	[tilespmem:s29+$0x0] =	vst v7;
	s29 =	sor.u32 s28, s15  }
0x293: {  	v6 =	vor.u32 $0x362, v40;
	[tilespmem:s24+$0x0] =	vst v5;
	s24 =	smov.u32 s1;
	s1 =	smov.u32 s19;
	s19 =	rddreg [dreg:$0x9]  }
0x294: {  	s15 =	sor.u32 $0xD800, s17;
	[dreg:$0xc] =	wrdreg s29;
	v7 =	vld.idx.msk [tilespmem:v15+s18+$0x0], $0xffff;
	s29 =	smov.u32 s28  }
0x295: {  	v17 =	vor.u32 $0x363, v54;
	v19 =	vor.u32 $0x363, v40;
	v54 =	vshll.u32 v44, $0x2;
	s28 =	smov.u32 s3;
	s3 =	rddreg [dreg:$0x5];
	v15 =	vld [tilespmem:s6+$0x0];
	s6 =	sor.u32 $0xC000, s21  }
0x296: {  	v61 =	vnsel vm0, $0x0, v53;
	v4 =	vmul.f32 v4, v55;
	v14 =	vadd.s32 $0x69, v51;
	v13 =	vld [tilespmem:s0+$0x0];
	[dreg:$0xa] =	wrdreg s29;
	s29 =	smov.u32 s22;
	s22 =	smov.u32 s31  }
0x297: {  	v41 =	vmovc v48;
	v0 =	vmul.f32 v0, v38;
	v3 =	vmul.f32 v3, v42;
	vm2 =	vgt.s32 v1, $0x0;
	v8 =	vld.idx.msk [tilespmem:v8+s18+$0x0], $0xffff;
	s31 =	smov.u32 s5;
	s5 =	smov.u32 s3;
	s3 =	sor.u32 s28, s15  }
0x298: {  	[tilespmem:s26+$0x0] =	vst v10;
	s26 =	smov.u32 s30;
	v10 =	vadd.s32 $0x6D, v41;
	v5 =	vnsel vm2, $0x0, v1;
	v1 =	vnsel vm1, $0x0, v55;
	v6 =	vld.idx.msk [tilespmem:v6+s18+$0x0], $0xffff;
	[dreg:$0xb] =	wrdreg s3;
	s0 =	sor.u32 s5, s15  }
0x299: {  	v29 =	vor.u32 $0x361, v54;
	v21 =	vadd.s32 $0x6E, v43;
	s15 =	smov.u32 s10;
	v18 =	vld [tilespmem:s25+$0x0];
	s25 =	smov.u32 s24;
	s3 =	smov.u32 s23;
	v12 =	vmul.f32 v1, v12;
	[tilespmem:s0+$0x0] =	vst v3  }
0x29a: {  	v4 =	vtrunc.f32 v4;
	[tilespmem:s11+$0x0] =	vst v0;
	s23 =	sor.u32 $0xF800, s16;
	v3 =	vadd.s32 $0x6C, v45;
	v11 =	vmul.f32 v11, v32;
	v55 =	vld [tilespmem:s12+$0x0];
	s12 =	sor.u32 s26, s6;
	s6 =	sor.u32 s1, s6  }
0x29b: {  	v60 =	vadd.s32 $0x6D, v45;
	v48 =	vmovc v50;
	v50 =	vmovc v59;
	v4 =	vcvt.f32.s32 v4;
	s10 =	smov.u32 s19;
	s19 =	sor.u32 $0x11000, s20;
	s0 =	sor.u32 s25, s23;
	v0 =	vmul.f32 v7, v34;
	[tilespmem:s6+$0x0] =	vst v12  }
0x29c: {  	v40 =	vmovc v36;
	v20 =	vadd.s32 $0x6E, v41;
	v59 =	vadd.s32 $0x6B, v48;
	v62 =	vadd.s32 $0x69, v50;
	[dreg:$0x5] =	wrdreg s1;
	s11 =	sor.u32 s22, s19;
	v12 =	vld.idx.msk [tilespmem:v14+s18+$0x0], $0xffff;
	[tilespmem:s0+$0x0] =	vst v11  }
0x29d: {  	s7 =	sadd.s32 $0x2, s7;
	s8 =	sadd.s32 $0x100, s8;
	vm1 =	vgt.s32 v4, $0x0;
	s6 =	rddreg [dreg:$0xd];
	v7 =	vld.idx.msk [tilespmem:v10+s18+$0x0], $0xffff;
	v8 =	vmul.f32 v8, v33;
	v10 =	vor.u32 $0x360, v40;
	[tilespmem:s11+$0x0] =	vst v0  }
0x29e: {  	s9 =	sadd.s32 $0x10, s9;
	v5 =	vmin.u32 v5, $0x5;
	[dreg:$0x9] =	wrdreg s3;
	s3 =	sor.u32 s6, s23;
	v14 =	vor.u32 $0x360, v54;
	v6 =	vmul.f32 v6, v37;
	v11 =	vld.idx.msk [tilespmem:v17+s18+$0x0], $0xffff  }
0x29f: {  	p0 =	slt.u32 s7, $0x7E;
	v2 =	vmul.f32 v61, v2;
	v4 =	vnsel vm1, $0x0, v4;
	s24 =	sor.u32 s4, s19;
	s19 =	rddreg [dreg:$0x7];
	v16 =	vshll.u32 v5, $0x2;
	v22 =	vld.idx.msk [tilespmem:v3+s18+$0x0], $0xffff;
	[tilespmem:s3+$0x0] =	vst v8  }
0x2a0: {  	s30 =	smov.u32 s29;
	v9 =	vmul.f32 v46, v9;
	v13 =	vmul.f32 v13, v15;
	v53 =	vmov v15;
	s0 =	sor.u32 $0xC800, s21;
	s23 =	rddreg [dreg:$0x8];
	v15 =	vld.idx.msk [tilespmem:v21+s18+$0x0], $0xffff;
	[tilespmem:s24+$0x0] =	vst v6  }
0x2a1: {  	v44 =	vmovc v49;
	v49 =	vmovc v52;
	v4 =	vmin.u32 v4, $0x5;
	v5 =	vor.u32 $0x361, v40;
	vm0 =	vge.f32 v53, $5.000000000e-01;
	s11 =	smov.u32 s2;
	s2 =	sor.u32 s26, s0;
	s0 =	sor.u32 s1, s0;
	v8 =	vld.idx.msk [tilespmem:v19+s18+$0x0], $0xffff  }
0x2a2: {  	v52 =	vmovc v4;
	v3 =	vtrunc.f32 v13;
	[dreg:$0x8] =	wrdreg s11;
	s3 =	smov.u32 s26;
	v4 =	vmul.f32 v18, v55;
	v6 =	vadd.s32 $0x6A, v51;
	s24 =	smov.u32 s23;
	v10 =	vld.idx.msk [tilespmem:v10+s18+$0x0], $0xffff;
	[tilespmem:s19+$0x0] =	vst v9  }
0x2a3: {  	v0 =	vadd.s32 $0x6C, v48;
	s26 =	smov.u32 s5;
	v13 =	vcvt.f32.s32 v3;
	vm1 =	vge.f32 v55, $5.000000000e-01;
	s23 =	smov.u32 s16;
	[dreg:$0x7] =	wrdreg s24;
	v14 =	vld.idx.msk [tilespmem:v14+s18+$0x0], $0xffff;
	[tilespmem:s12+$0x0] =	vst v2  }
0x2a4: {  	v3 =	vadd.s32 $0x6B, v51;
	s24 =	sor.u32 $0x10000, s23;
	v4 =	vtrunc.f32 v4;
	v12 =	vmul.f32 v1, v12;
	s12 =	sor.u32 $0x3000, s14;
	v17 =	vld.idx.msk [tilespmem:v59+s18+$0x0], $0xffff;
	s18 =	sor.u32 $0x11800, s20  }
0x2a5: {  	vm2 =	vgt.s32 v13, $0x0;
	v4 =	vcvt.f32.s32 v4;
	s20 =	rddreg [dreg:$0xc];
	s29 =	sor.u32 s29, s12;
	v2 =	vmul.f32 v11, v34;
	s19 =	sor.u32 s4, s18  }
0x2a6: {  	v36 =	vmovc v39;
	v7 =	vmul.f32 v7, v38;
	v9 =	vnsel vm2, $0x0, v13;
	[tilespmem:s0+$0x0] =	vst v12;
	v11 =	vmul.f32 v22, v42;
	s11 =	sor.u32 s22, s18;
	s22 =	simm.s32 $0x12000;
	s18 =	smov.u32 s13  }
0x2a7: {  	v39 =	vmovc v47;
	v9 =	vmin.u32 v9, $0x5E;
	vm2 =	vgt.s32 v4, $0x0;
	v63 =	vld.idx.msk [tilespmem:v6+s22+$0x0], $0xffff;
	s16 =	sor.u32 $0xF000, s18;
	v12 =	vmul.f32 v8, v37;
	[tilespmem:s11+$0x0] =	vst v2;
	s11 =	smov.u32 s17;
	s17 =	smov.u32 s21  }
0x2a8: {  	v34 =	vmovc v32;
	v59 =	vshll.u32 v9, $0x3;
	s21 =	rddreg [dreg:$0x6];
	v2 =	vadd.s32 $0xFFFFFFFF, v13;
	v13 =	vadd.s32 $0xFFFFFFFF, v4;
	v8 =	vld.idx.msk [tilespmem:v62+s22+$0x0], $0xffff;
	[tilespmem:s20+$0x0] =	vst v7;
	v37 =	vmovc v33;
	s20 =	sor.u32 s6, s24;
	s13 =	sor.u32 $0xE000, s11  }
.Ltmp5:
0x2a9: {  	v32 =	vmovc v35;
	v9 =	vadd.s32 $0x68, v59;
	v7 =	vnsel vm2, $0x0, v4;
	s0 =	sor.u32 s31, s16;
	v6 =	vld.idx.msk [tilespmem:v20+s22+$0x0], $0xffff;
	v10 =	vmul.f32 v10, v37;
	s1 =	sor.u32 s5, s13;
	[tilespmem:s19+$0x0] =	vst v12;
	(pc) =	sbr.rel @p0 .LBB2_11-.Ltmp5, $4  }
0x2aa: {  	v35 =	vmovc v42;
	v42 =	vmovc v1;
	s4 =	smov.u32 s11;
	vm3 =	vlt.u32 v2, $0x5E;
	v1 =	vmul.f32 v14, v34;
	vm2 =	vlt.u32 v13, $0x5E;
	s19 =	smov.u32 s15;
	s5 =	sor.u32 s15, s12;
	v2 =	vld [tilespmem:s29+$0x0];
	[tilespmem:s1+$0x0] =	vst v11  }
0x2ab: {  	v33 =	vmovc v38;
	v38 =	vmovc v46;
	v7 =	vmin.u32 v7, $0x5E;
	v14 =	vmul.f32 v15, v32;
	vm0 =	vmand vm0, vm3;
	s11 =	sor.u32 s28, s13;
	s15 =	sor.u32 s25, s24;
	s29 =	rddreg [dreg:$0xa];
	[tilespmem:s20+$0x0] =	vst v10;
	v4 =	vld [tilespmem:s5+$0x0]  }
0x2ac: {  	v47 =	vmovc v16;
	s24 =	smov.u32 s14;
	vm1 =	vmand vm1, vm2;
	v11 =	vmul.f32 v17, v38;
	s1 =	smov.u32 s31;
	[tilespmem:s15+$0x0] =	vst v1;
	v1 =	vshll.u32 v7, $0x3;
	s13 =	sor.u32 s29, s16;
	v5 =	vld.idx.msk [tilespmem:v5+s22+$0x0], $0xffff  }
0x2ad: {  	v46 =	vmovc v61;
	v10 =	vadd.s32 $0x6A, v59;
	s5 =	smov.u32 s6;
	s6 =	rddreg [dreg:$0xb];
	v13 =	vmul.f32 v42, v63;
	s14 =	smov.u32 s29;
	v7 =	vld.idx.msk [tilespmem:v29+s22+$0x0], $0xffff;
	v12 =	vadd.s32 $0x68, v1;
	[tilespmem:s0+$0x0] =	vst v14  }
0x2ae: {  	_ =	sdelay $0x3  }
0x2af: {  	v12 =	vld.idx.msk [tilespmem:v12+s22+$0x0], $0xffff;
	_ =	sdelay $0x1  }
0x2b0: {  	v9 =	vld.idx.msk [tilespmem:v9+s22+$0x0], $0xffff  }
0x2b1: {  	v14 =	vadd.s32 $0x69, v1  }
0x2b2: {  	v57 =	vnsel vm1, $0x0, v55  }
0x2b3: {  	v15 =	vadd.s32 $0x69, v59;
	s0 =	sor.u32 $0xC000, s24;
	v12 =	vmul.f32 v57, v12  }
0x2b4: {  	v58 =	vnsel vm0, $0x0, v53;
	s7 =	sor.u32 s19, s0  }
0x2b5: {  	v9 =	vmul.f32 v58, v9;
	[tilespmem:s7+$0x0] =	vst v12  }
0x2b6: {  	s0 =	sor.u32 s30, s0;
	v12 =	vld.idx.msk [tilespmem:v14+s22+$0x0], $0xffff  }
0x2b7: {  	[tilespmem:s0+$0x0] =	vst v9  }
0x2b8: {  	v9 =	vld.idx.msk [tilespmem:v15+s22+$0x0], $0xffff  }
0x2b9: {  	v23 =	vadd.s32 $0x6A, v1;
	v8 =	vmul.f32 v46, v8;
	_ =	sdelay $0x1  }
0x2ba: {  	s12 =	sor.u32 $0xC800, s24;
	[tilespmem:s2+$0x0] =	vst v8;
	v12 =	vmul.f32 v57, v12  }
0x2bb: {  	s15 =	sor.u32 s19, s12;
	v25 =	vld.idx.msk [tilespmem:v56+s22+$0x0], $0xffff  }
0x2bc: {  	v24 =	vmul.f32 v58, v9;
	[tilespmem:s15+$0x0] =	vst v12  }
0x2bd: {  	s0 =	sor.u32 s30, s12;
	v26 =	vld.idx.msk [tilespmem:v23+s22+$0x0], $0xffff  }
0x2be: {  	[tilespmem:s0+$0x0] =	vst v24  }
0x2bf: {  	v27 =	vadd.s32 $0x6B, v50;
	v10 =	vld.idx.msk [tilespmem:v10+s22+$0x0], $0xffff  }
0x2c0: {  	[tilespmem:s10+$0x0] =	vst v13;
	v9 =	vmul.f32 v46, v25  }
0x2c1: {  	v28 =	vadd.s32 $0x6B, v1;
	s0 =	rddreg [dreg:$0x7]  }
0x2c2: {  	v29 =	vadd.s32 $0x6B, v59;
	[tilespmem:s0+$0x0] =	vst v9;
	v8 =	vmul.f32 v57, v26  }
0x2c3: {  	s0 =	rddreg [dreg:$0x9]  }
0x2c4: {  	v31 =	vld.idx.msk [tilespmem:v27+s22+$0x0], $0xffff;
	v30 =	vmul.f32 v58, v10;
	[tilespmem:s0+$0x0] =	vst v8  }
0x2c5: {  	v3 =	vld.idx.msk [tilespmem:v3+s22+$0x0], $0xffff;
	s0 =	rddreg [dreg:$0x8]  }
0x2c6: {  	v56 =	vld.idx.msk [tilespmem:v28+s22+$0x0], $0xffff;
	[tilespmem:s0+$0x0] =	vst v30  }
0x2c7: {  	v63 =	vadd.s32 $0x6C, v50;
	v62 =	vld.idx.msk [tilespmem:v29+s22+$0x0], $0xffff  }
0x2c8: {  	v61 =	vadd.s32 $0x6C, v51  }
0x2c9: {  	s16 =	sor.u32 $0xD800, s17;
	v16 =	vadd.s32 $0x6C, v1;
	v8 =	vmul.f32 v31, v46;
	[tilespmem:s6+$0x0] =	vst v11  }
0x2ca: {  	v17 =	vadd.s32 $0x6C, v59;
	v3 =	vmul.f32 v3, v42;
	s0 =	sor.u32 s3, s16;
	s9 =	rddreg [dreg:$0x5]  }
0x2cb: {  	s21 =	sor.u32 $0xD800, s24;
	v0 =	vld.idx.msk [tilespmem:v0+s22+$0x0], $0xffff;
	[tilespmem:s0+$0x0] =	vst v8;
	s20 =	sor.u32 s9, s16;
	v18 =	vmul.f32 v56, v57  }
0x2cc: {  	v19 =	vor.u32 $0x362, v54;
	s31 =	sor.u32 s19, s21;
	v13 =	vld.idx.msk [tilespmem:v63+s22+$0x0], $0xffff;
	[tilespmem:s20+$0x0] =	vst v3;
	v20 =	vmul.f32 v62, v58  }
0x2cd: {  	v6 =	vmul.f32 v6, v33;
	v21 =	vadd.s32 $0x6F, v43;
	s2 =	sor.u32 s30, s21;
	v9 =	vld.idx.msk [tilespmem:v61+s22+$0x0], $0xffff;
	[tilespmem:s31+$0x0] =	vst v18  }
0x2ce: {  	v22 =	vmul.f32 v7, v34;
	v23 =	vadd.s32 $0x6D, v48;
	s6 =	sor.u32 $0x10800, s23;
	v14 =	vld.idx.msk [tilespmem:v16+s22+$0x0], $0xffff;
	[tilespmem:s2+$0x0] =	vst v20  }
0x2cf: {  	v5 =	vmul.f32 v5, v37;
	v26 =	vadd.s32 $0x6D, v50;
	s8 =	sor.u32 s25, s6;
	[tilespmem:s13+$0x0] =	vst v6;
	v8 =	vld.idx.msk [tilespmem:v17+s22+$0x0], $0xffff  }
0x2d0: {  	v25 =	vld.idx.msk [tilespmem:v60+s22+$0x0], $0xffff;
	v24 =	vadd.s32 $0x6D, v51;
	s0 =	sor.u32 s5, s6;
	[tilespmem:s8+$0x0] =	vst v22;
	v0 =	vmul.f32 v0, v38  }
0x2d1: {  	s10 =	sor.u32 $0xE000, s17;
	v28 =	vadd.s32 $0x6D, v1;
	[tilespmem:s0+$0x0] =	vst v5;
	v27 =	vld.idx.msk [tilespmem:v19+s22+$0x0], $0xffff;
	v29 =	vmul.f32 v13, v46  }
0x2d2: {  	v12 =	vld.idx.msk [tilespmem:v21+s22+$0x0], $0xffff;
	v30 =	vadd.s32 $0x6D, v59;
	s0 =	sor.u32 s3, s10;
	[tilespmem:s11+$0x0] =	vst v0;
	v9 =	vmul.f32 v9, v42  }
0x2d3: {  	v31 =	vor.u32 $0x362, v40;
	s13 =	sor.u32 $0xE000, s24;
	s12 =	sor.u32 s9, s10;
	v7 =	vld.idx.msk [tilespmem:v23+s22+$0x0], $0xffff;
	[tilespmem:s0+$0x0] =	vst v29;
	v43 =	vmul.f32 v14, v57  }
0x2d4: {  	s15 =	sor.u32 s19, s13;
	v62 =	vadd.s32 $0x6E, v45;
	v3 =	vld.idx.msk [tilespmem:v26+s22+$0x0], $0xffff;
	[tilespmem:s12+$0x0] =	vst v9;
	v60 =	vmul.f32 v8, v58  }
0x2d5: {  	s16 =	sor.u32 $0xE800, s4;
	v56 =	vadd.s32 $0x6F, v41;
	v61 =	vmul.f32 v25, v35;
	s2 =	sor.u32 s30, s13;
	v6 =	vld.idx.msk [tilespmem:v24+s22+$0x0], $0xffff;
	[tilespmem:s15+$0x0] =	vst v43  }
0x2d6: {  	s21 =	sor.u32 $0x11000, s23;
	v63 =	vadd.s32 $0x6E, v48;
	s20 =	sor.u32 s26, s16;
	v5 =	vmul.f32 v27, v34;
	v10 =	vld.idx.msk [tilespmem:v28+s22+$0x0], $0xffff;
	[tilespmem:s2+$0x0] =	vst v60  }
0x2d7: {  	s6 =	sor.u32 s25, s21;
	v22 =	vadd.s32 $0x6E, v50;
	[tilespmem:s20+$0x0] =	vst v61;
	s31 =	sor.u32 $0xF800, s18;
	v17 =	vmul.f32 v12, v32;
	v19 =	vld.idx.msk [tilespmem:v30+s22+$0x0], $0xffff  }
0x2d8: {  	v2 =	vmul.f32 v2, v53;
	v18 =	vadd.s32 $0x6E, v51;
	s8 =	sor.u32 s1, s31;
	v20 =	vld.idx.msk [tilespmem:v31+s22+$0x0], $0xffff;
	[tilespmem:s6+$0x0] =	vst v5;
	v21 =	vmul.f32 v7, v38  }
0x2d9: {  	s7 =	smov.u32 s3;
	s3 =	sor.u32 s28, s16;
	s11 =	sor.u32 $0xE800, s17;
	[tilespmem:s8+$0x0] =	vst v17;
	v11 =	vld.idx.msk [tilespmem:v62+s22+$0x0], $0xffff;
	v24 =	vadd.s32 $0x6E, v1;
	v3 =	vmul.f32 v3, v46  }
0x2da: {  	v2 =	vtrunc.f32 v2;
	v25 =	vadd.s32 $0x6E, v59;
	v14 =	vld.idx.msk [tilespmem:v56+s22+$0x0], $0xffff;
	[tilespmem:s3+$0x0] =	vst v21;
	s2 =	sor.u32 s7, s11;
	v23 =	vmul.f32 v6, v42  }
0x2db: {  	v2 =	vcvt.f32.s32 v2;
	s13 =	sor.u32 $0xE800, s24;
	v26 =	vor.u32 $0x363, v54;
	s12 =	sor.u32 s9, s11;
	v9 =	vld.idx.msk [tilespmem:v63+s22+$0x0], $0xffff;
	[tilespmem:s2+$0x0] =	vst v3;
	v27 =	vmul.f32 v10, v57  }
0x2dc: {  	v4 =	vmul.f32 v4, v55;
	s15 =	sor.u32 s19, s13;
	v28 =	vor.u32 $0x363, v40;
	v7 =	vld.idx.msk [tilespmem:v22+s22+$0x0], $0xffff;
	[tilespmem:s12+$0x0] =	vst v23;
	v29 =	vmul.f32 v19, v58  }
0x2dd: {  	vm14 =	vgt.s32 v2, $0x0;
	s10 =	smov.u32 s4;
	s16 =	sor.u32 s30, s13;
	v31 =	vmul.f32 v20, v37;
	v40 =	vadd.s32 $0x6F, v45;
	v8 =	vld.idx.msk [tilespmem:v18+s22+$0x0], $0xffff;
	[tilespmem:s15+$0x0] =	vst v27  }
0x2de: {  	v2 =	vnsel vm14, $0x0, v2;
	s20 =	sor.u32 s5, s21;
	s21 =	sor.u32 $0xF000, s10;
	v43 =	vadd.s32 $0x6F, v48;
	v48 =	vmul.f32 v11, v35;
	v6 =	vld.idx.msk [tilespmem:v24+s22+$0x0], $0xffff;
	[tilespmem:s16+$0x0] =	vst v29  }
0x2df: {  	v55 =	vadd.s32 $0x6F, v50;
	v2 =	vmin.u32 v2, $0x5;
	s0 =	sor.u32 s14, s31;
	s31 =	sor.u32 s26, s21;
	[tilespmem:s20+$0x0] =	vst v31;
	v41 =	vmul.f32 v14, v33;
	v5 =	vld.idx.msk [tilespmem:v25+s22+$0x0], $0xffff  }
0x2e0: {  	v51 =	vadd.s32 $0x6F, v51;
	v0 =	vshll.u32 v49, $0x2;
	v53 =	vld.idx.msk [tilespmem:v26+s22+$0x0], $0xffff;
	[tilespmem:s31+$0x0] =	vst v48;
	v54 =	vmul.f32 v9, v38  }
0x2e1: {  	v62 =	vadd.s32 $0x6F, v59;
	s3 =	sor.u32 $0xF000, s17;
	v60 =	vadd.s32 $0x6F, v1;
	s2 =	sor.u32 s28, s21;
	[tilespmem:s0+$0x0] =	vst v41;
	v10 =	vld.idx.msk [tilespmem:v28+s22+$0x0], $0xffff;
	v61 =	vmul.f32 v7, v46  }
0x2e2: {  	v1 =	vshll.u32 v44, $0x2;
	v30 =	vtrunc.f32 v4;
	s0 =	sor.u32 s7, s3;
	v12 =	vld.idx.msk [tilespmem:v40+s22+$0x0], $0xffff;
	[tilespmem:s2+$0x0] =	vst v54;
	v56 =	vmul.f32 v8, v42  }
0x2e3: {  	s6 =	sor.u32 $0xF000, s24;
	s4 =	sor.u32 s9, s3;
	v63 =	vor.u32 $0x360, v1;
	v45 =	vcvt.f32.s32 v30;
	v13 =	vld.idx.msk [tilespmem:v43+s22+$0x0], $0xffff;
	[tilespmem:s0+$0x0] =	vst v61;
	v6 =	vmul.f32 v6, v57  }
0x2e4: {  	v16 =	vor.u32 $0x360, v36;
	s8 =	sor.u32 s19, s6;
	v21 =	vor.u32 $0x360, v0;
	v9 =	vld.idx.msk [tilespmem:v55+s22+$0x0], $0xffff;
	[tilespmem:s4+$0x0] =	vst v56;
	v18 =	vmul.f32 v5, v58  }
0x2e5: {  	s11 =	sor.u32 $0x11800, s23;
	v3 =	vshll.u32 v52, $0x2;
	vm15 =	vgt.s32 v45, $0x0;
	v20 =	vmul.f32 v53, v34;
	s2 =	sor.u32 s30, s6;
	v17 =	vld.idx.msk [tilespmem:v51+s22+$0x0], $0xffff;
	[tilespmem:s8+$0x0] =	vst v6  }
0x2e6: {  	v22 =	vor.u32 $0x360, v39;
	s12 =	sor.u32 s25, s11;
	v19 =	vnsel vm15, $0x0, v45;
	v10 =	vmul.f32 v10, v37;
	v8 =	vld.idx.msk [tilespmem:v60+s22+$0x0], $0xffff;
	[tilespmem:s2+$0x0] =	vst v18  }
0x2e7: {  	s13 =	sor.u32 $0xF800, s10;
	[tilespmem:s12+$0x0] =	vst v20;
	v27 =	vor.u32 $0x360, v47;
	v4 =	vmin.u32 v19, $0x5;
	s0 =	sor.u32 s5, s11;
	v23 =	vmul.f32 v12, v35;
	v7 =	vld.idx.msk [tilespmem:v62+s22+$0x0], $0xffff  }
0x2e8: {  	s15 =	sor.u32 s26, s13;
	v24 =	vor.u32 $0x360, v3;
	v4 =	vshll.u32 v4, $0x2;
	v25 =	vld.idx.msk [tilespmem:v63+s22+$0x0], $0xffff;
	[tilespmem:s0+$0x0] =	vst v10;
	v26 =	vmul.f32 v13, v38  }
0x2e9: {  	v2 =	vshll.u32 v2, $0x2;
	v28 =	vld.idx.msk [tilespmem:v16+s22+$0x0], $0xffff;
	s16 =	sor.u32 $0xF800, s17;
	v30 =	vor.u32 $0x360, v4;
	[tilespmem:s15+$0x0] =	vst v23;
	v9 =	vmul.f32 v9, v46;
	s2 =	sor.u32 s28, s13  }
0x2ea: {  	v31 =	vor.u32 $0x360, v2;
	s0 =	sor.u32 s7, s16;
	v6 =	vld.idx.msk [tilespmem:v21+s22+$0x0], $0xffff;
	v29 =	vmul.f32 v17, v42;
	[tilespmem:s2+$0x0] =	vst v26  }
0x2eb: {  	s21 =	sor.u32 $0xF800, s24;
	v34 =	vor.u32 $0x361, v1;
	s20 =	sor.u32 s9, s16;
	[tilespmem:s0+$0x0] =	vst v9;
	v11 =	vld.idx.msk [tilespmem:v22+s22+$0x0], $0xffff;
	v37 =	vmul.f32 v8, v57  }
0x2ec: {  	s23 =	sor.u32 s19, s21;
	v40 =	vor.u32 $0x361, v36;
	v13 =	vld.idx.msk [tilespmem:v27+s22+$0x0], $0xffff;
	[tilespmem:s20+$0x0] =	vst v29;
	v7 =	vmul.f32 v7, v58  }
0x2ed: {  	v44 =	vor.u32 $0x361, v0;
	s25 =	sor.u32 $0x10000, s18;
	v43 =	vmul.f32 v25, v32;
	s2 =	sor.u32 s30, s21;
	v41 =	vld.idx.msk [tilespmem:v24+s22+$0x0], $0xffff;
	[tilespmem:s23+$0x0] =	vst v37  }
0x2ee: {  	v48 =	vor.u32 $0x361, v39;
	s31 =	sor.u32 s1, s25;
	v45 =	vmul.f32 v28, v33;
	v49 =	vld.idx.msk [tilespmem:v30+s22+$0x0], $0xffff;
	[tilespmem:s2+$0x0] =	vst v7  }
0x2ef: {  	s3 =	sor.u32 $0x10000, s10;
	v53 =	vor.u32 $0x361, v47;
	[tilespmem:s31+$0x0] =	vst v43;
	s0 =	sor.u32 s14, s25;
	v50 =	vmul.f32 v6, v35;
	v10 =	vld.idx.msk [tilespmem:v31+s22+$0x0], $0xffff  }
0x2f0: {  	s4 =	sor.u32 s26, s3;
	v51 =	vor.u32 $0x361, v3;
	v52 =	vld.idx.msk [tilespmem:v34+s22+$0x0], $0xffff;
	[tilespmem:s0+$0x0] =	vst v45;
	v11 =	vmul.f32 v11, v38  }
0x2f1: {  	s5 =	sor.u32 $0x10000, s17;
	v55 =	vor.u32 $0x361, v4;
	v8 =	vld.idx.msk [tilespmem:v40+s22+$0x0], $0xffff;
	[tilespmem:s4+$0x0] =	vst v50;
	v59 =	vmul.f32 v13, v46;
	s2 =	sor.u32 s28, s3  }
0x2f2: {  	v60 =	vor.u32 $0x361, v2;
	s0 =	sor.u32 s7, s5;
	v56 =	vld.idx.msk [tilespmem:v44+s22+$0x0], $0xffff;
	v54 =	vmul.f32 v41, v42;
	[tilespmem:s2+$0x0] =	vst v11  }
0x2f3: {  	v61 =	vor.u32 $0x362, v1;
	s6 =	sor.u32 s9, s5;
	s8 =	sor.u32 $0x10000, s24;
	[tilespmem:s0+$0x0] =	vst v59;
	v7 =	vld.idx.msk [tilespmem:v48+s22+$0x0], $0xffff;
	v62 =	vmul.f32 v49, v57  }
0x2f4: {  	v63 =	vor.u32 $0x362, v36;
	s11 =	sor.u32 s19, s8;
	v22 =	vld.idx.msk [tilespmem:v53+s22+$0x0], $0xffff;
	[tilespmem:s6+$0x0] =	vst v54;
	v10 =	vmul.f32 v10, v58  }
0x2f5: {  	s12 =	sor.u32 $0x10800, s18;
	v21 =	vor.u32 $0x362, v0;
	v20 =	vmul.f32 v52, v32;
	s2 =	sor.u32 s30, s8;
	v6 =	vld.idx.msk [tilespmem:v51+s22+$0x0], $0xffff;
	[tilespmem:s11+$0x0] =	vst v62  }
0x2f6: {  	v23 =	vor.u32 $0x362, v39;
	s13 =	sor.u32 s1, s12;
	v8 =	vmul.f32 v8, v33;
	v9 =	vld.idx.msk [tilespmem:v55+s22+$0x0], $0xffff;
	[tilespmem:s2+$0x0] =	vst v10  }
0x2f7: {  	s15 =	sor.u32 $0x10800, s10;
	v27 =	vor.u32 $0x362, v47;
	[tilespmem:s13+$0x0] =	vst v20;
	s0 =	sor.u32 s14, s12;
	v24 =	vmul.f32 v56, v35;
	v13 =	vld.idx.msk [tilespmem:v60+s22+$0x0], $0xffff  }
0x2f8: {  	s16 =	sor.u32 s26, s15;
	v25 =	vor.u32 $0x362, v3;
	v26 =	vld.idx.msk [tilespmem:v61+s22+$0x0], $0xffff;
	[tilespmem:s0+$0x0] =	vst v8;
	v7 =	vmul.f32 v7, v38  }
0x2f9: {  	s20 =	sor.u32 $0x10800, s17;
	v29 =	vor.u32 $0x362, v4;
	v15 =	vld.idx.msk [tilespmem:v63+s22+$0x0], $0xffff;
	[tilespmem:s16+$0x0] =	vst v24;
	v31 =	vmul.f32 v22, v46;
	s2 =	sor.u32 s28, s15  }
0x2fa: {  	v34 =	vor.u32 $0x362, v2;
	s0 =	sor.u32 s7, s20;
	v30 =	vld.idx.msk [tilespmem:v21+s22+$0x0], $0xffff;
	v28 =	vmul.f32 v6, v42;
	[tilespmem:s2+$0x0] =	vst v7  }
0x2fb: {  	v1 =	vor.u32 $0x363, v1;
	s21 =	sor.u32 s9, s20;
	s23 =	sor.u32 $0x10800, s24;
	[tilespmem:s0+$0x0] =	vst v31;
	v10 =	vld.idx.msk [tilespmem:v23+s22+$0x0], $0xffff;
	v37 =	vmul.f32 v9, v57  }
0x2fc: {  	v40 =	vor.u32 $0x363, v36;
	s25 =	sor.u32 s19, s23;
	v44 =	vld.idx.msk [tilespmem:v27+s22+$0x0], $0xffff;
	[tilespmem:s21+$0x0] =	vst v28;
	v41 =	vmul.f32 v13, v58  }
0x2fd: {  	v0 =	vor.u32 $0x363, v0;
	s31 =	sor.u32 $0x11000, s18;
	v43 =	vmul.f32 v26, v32;
	s2 =	sor.u32 s30, s23;
	v11 =	vld.idx.msk [tilespmem:v25+s22+$0x0], $0xffff;
	[tilespmem:s25+$0x0] =	vst v37  }
0x2fe: {  	s3 =	sor.u32 s1, s31;
	v48 =	vor.u32 $0x363, v39;
	v45 =	vmul.f32 v15, v33;
	v6 =	vld.idx.msk [tilespmem:v29+s22+$0x0], $0xffff;
	[tilespmem:s2+$0x0] =	vst v41  }
0x2ff: {  	s4 =	sor.u32 $0x11000, s10;
	v51 =	vor.u32 $0x363, v47;
	[tilespmem:s3+$0x0] =	vst v43;
	s0 =	sor.u32 s14, s31;
	v49 =	vmul.f32 v30, v35;
	v50 =	vld.idx.msk [tilespmem:v34+s22+$0x0], $0xffff  }
0x300: {  	v3 =	vor.u32 $0x363, v3;
	s5 =	sor.u32 s26, s4;
	v1 =	vld.idx.msk [tilespmem:v1+s22+$0x0], $0xffff;
	[tilespmem:s0+$0x0] =	vst v45;
	v10 =	vmul.f32 v10, v38  }
0x301: {  	v4 =	vor.u32 $0x363, v4;
	s6 =	sor.u32 $0x11000, s17;
	v9 =	vld.idx.msk [tilespmem:v40+s22+$0x0], $0xffff;
	[tilespmem:s5+$0x0] =	vst v49;
	v8 =	vmul.f32 v44, v46;
	s2 =	sor.u32 s28, s4  }
0x302: {  	v2 =	vor.u32 $0x363, v2;
	s0 =	sor.u32 s7, s6;
	v0 =	vld.idx.msk [tilespmem:v0+s22+$0x0], $0xffff;
	v52 =	vmul.f32 v11, v42;
	[tilespmem:s2+$0x0] =	vst v10  }
0x303: {  	s8 =	sor.u32 s9, s6;
	s11 =	sor.u32 $0x11000, s24;
	[tilespmem:s0+$0x0] =	vst v8;
	v10 =	vld.idx.msk [tilespmem:v48+s22+$0x0], $0xffff;
	v53 =	vmul.f32 v6, v57  }
0x304: {  	s12 =	sor.u32 s19, s11;
	v55 =	vld.idx.msk [tilespmem:v51+s22+$0x0], $0xffff;
	[tilespmem:s8+$0x0] =	vst v52;
	v54 =	vmul.f32 v50, v58  }
0x305: {  	s13 =	sor.u32 $0x11800, s18;
	v1 =	vmul.f32 v1, v32;
	s2 =	sor.u32 s30, s11;
	v3 =	vld.idx.msk [tilespmem:v3+s22+$0x0], $0xffff;
	[tilespmem:s12+$0x0] =	vst v53  }
0x306: {  	s15 =	sor.u32 s1, s13;
	v56 =	vmul.f32 v9, v33;
	v4 =	vld.idx.msk [tilespmem:v4+s22+$0x0], $0xffff;
	[tilespmem:s2+$0x0] =	vst v54  }
0x307: {  	s16 =	sor.u32 $0x11800, s10;
	[tilespmem:s15+$0x0] =	vst v1;
	s0 =	sor.u32 s14, s13;
	v0 =	vmul.f32 v0, v35;
	v59 =	vld.idx.msk [tilespmem:v2+s22+$0x0], $0xffff  }
0x308: {  	s18 =	sor.u32 s26, s16;
	[tilespmem:s0+$0x0] =	vst v56;
	v60 =	vmul.f32 v10, v38  }
0x309: {  	s20 =	sor.u32 $0x11800, s17;
	[tilespmem:s18+$0x0] =	vst v0;
	v62 =	vmul.f32 v55, v46;
	s2 =	sor.u32 s28, s16  }
0x30a: {  	s0 =	sor.u32 s7, s20;
	v61 =	vmul.f32 v3, v42;
	[tilespmem:s2+$0x0] =	vst v60  }
0x30b: {  	s23 =	sor.u32 $0x11800, s24;
	s21 =	sor.u32 s9, s20;
	[tilespmem:s0+$0x0] =	vst v62;
	v63 =	vmul.f32 v4, v57  }
0x30c: {  	s24 =	sor.u32 s19, s23;
	[tilespmem:s21+$0x0] =	vst v61;
	v1 =	vmul.f32 v59, v58  }
0x30d: {  	s1 =	sor.u32 s30, s23;
	[tilespmem:s24+$0x0] =	vst v63  }
0x30e: {  	s29 =	simm.s32 $0xE000;
	s26 =	simm.s32 $0x1;
	[tilespmem:s1+$0x0] =	vst v1  }
0x30f: {  	s25 =	simm.s32 $0xC000;
	s28 =	simm.s32 $0x800;
	s0 =	rddreg [dreg:$0x16]  }
0x310: {  	[hbm4b:s0+s28] =	stream.strided.scatter [tilespmem:s25], [sflag:$0x1], $0x6000, s29, s28, $0x38;
	[tilespmem:$0x12380] =	vst v63  }
0x311: {  	_ =	swait.ge [sflag:s26], $0x2000  }
0x312: {  	[sflag:s26] =	ssyncset.done $0x0  }
0x313: {  	[sflag:s26] =	ssyncadd.s32 $0xFFFFE000  }
0x314: {  	_ =	swait.ge [sflag:s26], $0x2000  }
0x315: {  	[sflag:s26] =	ssyncset.done $0x0  }
0x316: {  	[sflag:s26] =	ssyncadd.s32 $0xFFFFE000  }
0x317: {  	_ =	swait.ge [sflag:s26], $0x2000  }
0x318: {  	[sflag:s26] =	ssyncset.done $0x0  }
0x319: {  	[sflag:s26] =	ssyncadd.s32 $0xFFFFE000  }
0x31a: {  	_ =	swait.ge [sflag:s26], $0x2000  }
0x31b: {  	[sflag:s26] =	ssyncset.done $0x0  }
0x31c: {  	[sflag:s26] =	ssyncadd.s32 $0xFFFFE000  }
0x31d: {  	_ =	swait.ge [sflag:s26], $0x6000  }
0x31e: {  	s30 =	rddreg [dreg:$0xe]  }
0x31f: {  	s31 =	rddreg [dreg:$0x17];
	s7 =	sadd.s32 $0x1, s30  }
0x320: {  	p0 =	sne.s32 s7, s31  }
.Ltmp6:
0x321: {  	_ = 	snop;
	(pc) =	sbr.rel @p0 .LBB2_2-.Ltmp6, $3  }
0x322: {  	_ =	sdelay $0x1  }
0x323: {  	[sflag:s26] =	ssyncset.done $0x0  }
0x324: {  	[sflag:s26] =	ssyncadd.s32 $0xFFFFA000  }
.LBB2_13:
0x325: {  	_ =	sfence.sel $0x180000  }
0x326: {  	[bflag:$0x0] =	sbarrier.arrive $0xFFFF  }
0x327: {  	_ =	strace $0x90000047  }
0x328: {  	s0 =	stileid.u32;
	[bflag:$0x2] =	sbarrier.arrive $0xFFFF  }
0x329: {  	p0 =	sne.s32 s0, $0x0;
	s0 =	rddreg [dreg:$0x4]  }
0x32a: {  	s0 =	sadd.s32 @!p0 $0x100000, s0  }
0x32b: {  	[sflag:s0] =	ssyncadd.tile.s32 @!p0 $0x1;
	_ =	shalt  }
.Lfunc_end2:
_tile_overlayer_lowered:
.L_overlay_start_2:
0x32c: {  	(tag) =	ssettag $0x2  }
0x32d: {  	s0 =	rddreg [dreg:$0x0];
	s2 =	stileid.u32  }
0x32e: {  	s1 =	rddreg [dreg:$0x1];
	p0 =	sne.s32 s2, $0x0  }
0x32f: {  	s3 =	rddreg [dreg:$0x2];
	[bflag:$0x3] =	sbarrier.arrive $0xFFFF;
	s2 =	simm.s32 @!p0 $0x1C02  }
0x330: {  	[timem:s3], [sflag:s2] =	dma.local @!p0 [hbm:s0], s1  }
0x331: {  	s0 =	simm.s32 @!p0 $0x2  }
0x332: {  	_ =	swait.ge @!p0 [sflag:s0], s1  }
0x333: {  	s1 =	ssub.s32 @!p0 $0x0, s1;
	[sflag:s0] =	ssyncset.done @!p0 $0x0  }
0x334: {  	[sflag:s0] =	ssyncadd.s32 @!p0 s1  }
0x335: {  	[bflag:$0x3] =	sbarrier.arrive $0xFFFF  }
0x336: {  	_ =	shalt  }

</sc_bundles>
